<compile_context>
chip_gen: v7x
topology: tpu7x:2x2x1
jax: 0.10.2.dev20260603
libtpu: 0.0.44.dev20260713+nightly
codegen_flags: <defaults>
</compile_context>

<pallas_src>
import functools

import jax
import jax.numpy as jnp
from jax import lax
from jax.experimental import pallas as pl
from jax.experimental.pallas import tpu as pltpu
from jax.experimental.pallas import tpu_sc as plsc

N = 10000
E = 320000
H = 128
EPS = 1e-5

NC = 2
NS = 16
NW = NC * NS
CH = 128
NCHUNK = E // CH
NPAD = 10240
DEG_SLAB = NPAD // NS
ROW_SLAB = NPAD // NS

def _sc_mesh():
    return plsc.VectorSubcoreMesh(
        core_axis_name="c", subcore_axis_name="s",
        num_cores=NC, num_subcores=NS)


def _deg_body(ei_hbm, zeros_hbm, degp_hbm, didx0, didx1, didx2, didx3,
              ones, acc, semd0, semd1, semd2, semd3):
    c = lax.axis_index("c")
    s = lax.axis_index("s")
    wid = s * NC + c
    for j in range(CH // 16):
        ones[pl.ds(j * 16, 16)] = jnp.full((16,), 1.0, jnp.float32)
    pltpu.sync_copy(zeros_hbm, acc.at[pl.ds(s * DEG_SLAB, DEG_SLAB)])
    plsc.subcore_barrier()

    base = wid * WPW * CH
    pltpu.async_copy(ei_hbm.at[:, pl.ds(base, CH)], didx0, semd0)
    pltpu.async_copy(ei_hbm.at[:, pl.ds(base + CH, CH)], didx1, semd1)
    pltpu.async_copy(ei_hbm.at[:, pl.ds(base + 2 * CH, CH)], didx2, semd2)
    pltpu.async_copy(ei_hbm.at[:, pl.ds(base + 3 * CH, CH)], didx3, semd3)

    def body(k, carry):
        t = 4 * k
        for j, (buf, sem) in enumerate([(didx0, semd0), (didx1, semd1),
                                        (didx2, semd2), (didx3, semd3)]):
            pltpu.make_async_copy(ei_hbm.at[:, pl.ds(0, CH)], buf, sem).wait()
            pltpu.sync_copy(ones, acc.at[buf.at[1]], add=True)

            @pl.when(t + j + 4 < WPW)
            def _():
                pltpu.async_copy(
                    ei_hbm.at[:, pl.ds(base + (t + j + 4) * CH, CH)],
                    buf, sem)
        return carry

    lax.fori_loop(0, WPW // 4, body, 0)

    for buf, sem in [(didx0, semd0), (didx1, semd1)]:
        pltpu.make_async_copy(ei_hbm.at[:, pl.ds(0, CH)], buf, sem).wait()
        pltpu.sync_copy(ones, acc.at[buf.at[1]], add=True)

    @pl.when(wid < NCHUNK - WPW * NW)
    def _():
        ex = WPW * NW + wid
        pltpu.sync_copy(ei_hbm.at[:, pl.ds(ex * CH, CH)], didx0)
        pltpu.sync_copy(ones, acc.at[didx0.at[1]], add=True)

    plsc.subcore_barrier()
    pltpu.sync_copy(acc.at[pl.ds(s * DEG_SLAB, DEG_SLAB)],
                    degp_hbm.at[pl.ds(c * NPAD + s * DEG_SLAB, DEG_SLAB)])


WPW = NCHUNK // NW
PAIRS = WPW // 2
N_TAIL = N - (NS - 1) * ROW_SLAB


def _scatter_body(g_hbm, ei_hbm, zeros_hbm, accp_hbm,
                  sidx_flat, ebuf0, ebuf1, rows0, rows1,
                  acc, sem0, sem1, semd0, semd1):
    c = lax.axis_index("c")
    s = lax.axis_index("s")
    wid = s * NC + c
    base = wid * WPW * CH

    @pl.when(jnp.logical_and(c == 0, s < NS - 1))
    def _():
        pltpu.sync_copy(g_hbm.at[pl.ds(s * ROW_SLAB, ROW_SLAB)],
                        acc.at[pl.ds(s * ROW_SLAB, ROW_SLAB)])

    @pl.when(jnp.logical_and(c == 0, s == NS - 1))
    def _():
        pltpu.sync_copy(g_hbm.at[pl.ds((NS - 1) * ROW_SLAB, N_TAIL)],
                        acc.at[pl.ds((NS - 1) * ROW_SLAB, N_TAIL)])

    @pl.when(c == 1)
    def _():
        pltpu.sync_copy(zeros_hbm, acc.at[pl.ds(s * ROW_SLAB, ROW_SLAB)])

    pltpu.sync_copy(ei_hbm.at[0, pl.ds(base, WPW * CH)], sidx_flat)
    plsc.subcore_barrier()

    pltpu.async_copy(ei_hbm.at[:, pl.ds(base, CH)], ebuf0, semd0)
    pltpu.async_copy(g_hbm.at[sidx_flat.at[pl.ds(0, CH)]], rows0, sem0)

    def body(k, carry):
        t1 = 2 * k + 1
        pltpu.async_copy(ei_hbm.at[:, pl.ds(base + t1 * CH, CH)],
                         ebuf1, semd1)
        pltpu.async_copy(g_hbm.at[sidx_flat.at[pl.ds(t1 * CH, CH)]],
                         rows1, sem1)
        pltpu.make_async_copy(g_hbm.at[pl.ds(0, CH)], rows0, sem0).wait()
        pltpu.make_async_copy(ei_hbm.at[:, pl.ds(0, CH)], ebuf0,
                              semd0).wait()
        pltpu.sync_copy(rows0, acc.at[ebuf0.at[1]], add=True)

        @pl.when(2 * k + 2 < WPW)
        def _():
            pltpu.async_copy(ei_hbm.at[:, pl.ds(base + (2 * k + 2) * CH, CH)],
                             ebuf0, semd0)
            pltpu.async_copy(
                g_hbm.at[sidx_flat.at[pl.ds((2 * k + 2) * CH, CH)]],
                rows0, sem0)
        pltpu.make_async_copy(g_hbm.at[pl.ds(0, CH)], rows1, sem1).wait()
        pltpu.make_async_copy(ei_hbm.at[:, pl.ds(0, CH)], ebuf1,
                              semd1).wait()
        pltpu.sync_copy(rows1, acc.at[ebuf1.at[1]], add=True)
        return carry

    lax.fori_loop(0, PAIRS, body, 0)

    @pl.when(wid < NCHUNK - WPW * NW)
    def _():
        ex = WPW * NW + wid
        pltpu.sync_copy(ei_hbm.at[:, pl.ds(ex * CH, CH)], ebuf0)
        pltpu.sync_copy(ei_hbm.at[0, pl.ds(ex * CH, CH)],
                        sidx_flat.at[pl.ds(0, CH)])
        pltpu.async_copy(g_hbm.at[sidx_flat.at[pl.ds(0, CH)]],
                         rows0, sem0).wait()
        pltpu.sync_copy(rows0, acc.at[ebuf0.at[1]], add=True)

    plsc.subcore_barrier()
    pltpu.sync_copy(acc.at[pl.ds(s * ROW_SLAB, ROW_SLAB)],
                    accp_hbm.at[c, pl.ds(s * ROW_SLAB, ROW_SLAB)])


@functools.cache
def _sc_kernels():
    deg_kernel = pl.kernel(
        _deg_body,
        out_type=jax.ShapeDtypeStruct((NC * NPAD,), jnp.float32),
        mesh=_sc_mesh(),
        scratch_types=[
            pltpu.VMEM((2, CH), jnp.int32),
            pltpu.VMEM((2, CH), jnp.int32),
            pltpu.VMEM((2, CH), jnp.int32),
            pltpu.VMEM((2, CH), jnp.int32),
            pltpu.VMEM((CH,), jnp.float32),
            pltpu.VMEM_SHARED((NPAD,), jnp.float32),
            pltpu.SemaphoreType.DMA,
            pltpu.SemaphoreType.DMA,
            pltpu.SemaphoreType.DMA,
            pltpu.SemaphoreType.DMA,
        ],
    )
    scatter_kernel = pl.kernel(
        _scatter_body,
        out_type=jax.ShapeDtypeStruct((NC, NPAD, H), jnp.float32),
        mesh=_sc_mesh(),
        scratch_types=[
            pltpu.VMEM((WPW * CH,), jnp.int32),
            pltpu.VMEM((2, CH), jnp.int32),
            pltpu.VMEM((2, CH), jnp.int32),
            pltpu.VMEM((CH, H), jnp.float32),
            pltpu.VMEM((CH, H), jnp.float32),
            pltpu.VMEM_SHARED((NPAD, H), jnp.float32),
            pltpu.SemaphoreType.DMA,
            pltpu.SemaphoreType.DMA,
            pltpu.SemaphoreType.DMA,
            pltpu.SemaphoreType.DMA,
        ],
    )
    return deg_kernel, scatter_kernel


R = 2000
GRID = N // R


def _dinv_rows(deg_ref):
    deg = deg_ref[:, 0] + deg_ref[:, 1] + 1.0
    return lax.rsqrt(deg)[:, None]


def _tc_h0_body(x_ref, w0_ref, b0_ref, h_ref):
    h = jnp.dot(x_ref[...], w0_ref[...], preferred_element_type=jnp.float32)
    h_ref[...] = jnp.maximum(h + b0_ref[...], 0.0)


def _tc_g0_body(h_ref, deg_ref, c0_ref, g_ref):
    g_ref[...] = jnp.dot(_dinv_rows(deg_ref) * h_ref[...], c0_ref[...],
                         preferred_element_type=jnp.float32)


def _tc_post_body(acca_ref, accb_ref, deg_ref, b_ref,
                  z_ref, s1_ref, s2_ref):
    i = pl.program_id(0)
    z = _dinv_rows(deg_ref) * (acca_ref[0] + accb_ref[0])
    z = z + b_ref[...]
    z_ref[...] = z

    @pl.when(i == 0)
    def _():
        s1_ref[...] = jnp.zeros_like(s1_ref)
        s2_ref[...] = jnp.zeros_like(s2_ref)
    s1_ref[...] += jnp.sum(z, axis=0, keepdims=True)
    s2_ref[...] += jnp.sum(z * z, axis=0, keepdims=True)


def _bn_relu(z_ref, s1_ref, s2_ref, bg_ref, bb_ref):
    mean = s1_ref[...] * (1.0 / N)
    var = s2_ref[...] * (1.0 / N) - mean * mean
    zn = (z_ref[...] - mean) * lax.rsqrt(var + EPS) * bg_ref[...] + bb_ref[...]
    return jnp.maximum(zn, 0.0)


def _tc_mid_body(z_ref, s1_ref, s2_ref, bg_ref, bb_ref, deg_ref, c1_ref,
                 g_ref):
    h = _bn_relu(z_ref, s1_ref, s2_ref, bg_ref, bb_ref)
    g_ref[...] = jnp.dot(_dinv_rows(deg_ref) * h, c1_ref[...],
                         preferred_element_type=jnp.float32)


def _tc_out_body(z_ref, s1_ref, s2_ref, bg_ref, bb_ref, w_ref, b_ref, o_ref):
    h = _bn_relu(z_ref, s1_ref, s2_ref, bg_ref, bb_ref)
    o_ref[...] = jnp.dot(h, w_ref[...],
                         preferred_element_type=jnp.float32) + b_ref[...]


_row_spec = pl.BlockSpec((R, H), lambda i: (i, 0))
_w_spec = pl.BlockSpec((H, H), lambda i: (0, 0))
_v_spec = pl.BlockSpec((1, H), lambda i: (0, 0))
_deg_spec = pl.BlockSpec((R, 2), lambda i: (i, 0))

_f32 = jnp.float32

_tc_h0 = pl.pallas_call(
    _tc_h0_body,
    grid=(GRID,),
    in_specs=[_row_spec, _w_spec, _v_spec],
    out_specs=_row_spec,
    out_shape=jax.ShapeDtypeStruct((N, H), _f32),
)

_tc_g0 = pl.pallas_call(
    _tc_g0_body,
    grid=(GRID,),
    in_specs=[_row_spec, _deg_spec, _w_spec],
    out_specs=_row_spec,
    out_shape=jax.ShapeDtypeStruct((N, H), _f32),
)

_acc0_spec = pl.BlockSpec((1, R, H), lambda i: (0, i, 0))
_acc1_spec = pl.BlockSpec((1, R, H), lambda i: (1, i, 0))

_tc_post = pl.pallas_call(
    _tc_post_body,
    grid=(GRID,),
    in_specs=[_acc0_spec, _acc1_spec, _deg_spec, _v_spec],
    out_specs=[_row_spec, _v_spec, _v_spec],
    out_shape=[jax.ShapeDtypeStruct((N, H), _f32),
               jax.ShapeDtypeStruct((1, H), _f32),
               jax.ShapeDtypeStruct((1, H), _f32)],
)

_tc_mid = pl.pallas_call(
    _tc_mid_body,
    grid=(GRID,),
    in_specs=[_row_spec, _v_spec, _v_spec, _v_spec, _v_spec, _deg_spec,
              _w_spec],
    out_specs=_row_spec,
    out_shape=jax.ShapeDtypeStruct((N, H), _f32),
)

_tc_out = pl.pallas_call(
    _tc_out_body,
    grid=(GRID,),
    in_specs=[_row_spec, _v_spec, _v_spec, _v_spec, _v_spec, _w_spec,
              _v_spec],
    out_specs=_row_spec,
    out_shape=jax.ShapeDtypeStruct((N, H), _f32),
)


def kernel(x, edge_index, edge_attr, lin0_w, lin0_b, conv0_w, conv0_b,
           bn0_g, bn0_b, conv1_w, conv1_b, bn1_g, bn1_b, lin1_w, lin1_b):
    ei = edge_index.astype(jnp.int32)
    zeros_deg = jnp.zeros((DEG_SLAB,), _f32)
    zeros_acc = jnp.zeros((ROW_SLAB, H), _f32)

    _deg_kernel, _scatter_kernel = _sc_kernels()
    degp = _deg_kernel(ei, zeros_deg).reshape(NC, NPAD)
    deg2 = degp[:, :N].T

    b0 = lin0_b.reshape(1, H)
    cb0 = conv0_b.reshape(1, H)
    cb1 = conv1_b.reshape(1, H)
    h0 = _tc_h0(x, lin0_w, b0)
    g0 = _tc_g0(h0, deg2, conv0_w)

    accp0 = _scatter_kernel(g0, ei, zeros_acc)
    z0, s01, s02 = _tc_post(accp0, accp0, deg2, cb0)

    g1 = _tc_mid(z0, s01, s02, bn0_g.reshape(1, H), bn0_b.reshape(1, H),
                 deg2, conv1_w)

    accp1 = _scatter_kernel(g1, ei, zeros_acc)
    z1, s11, s12 = _tc_post(accp1, accp1, deg2, cb1)

    out = _tc_out(z1, s11, s12, bn1_g.reshape(1, H), bn1_b.reshape(1, H),
                  lin1_w, lin1_b.reshape(1, H))
    return out

# --- scband reference (transcript-rebuilt; emitter-appended) ---
"""Pipeline reference for scband-link-predictor-backbone-53197464928915 (READ-ONLY COPY).

The authoritative reference and input builder live on the scoring server;
editing this copy changes nothing except your own understanding.
"""

import jax, jax.numpy as jnp
import numpy as np

N = 10000
E = 320000
D_IN = 128
H = 128
D_OUT = 128
EDIM = 4
EPS = 1e-5


def setup_inputs(seed: int = 0) -> dict:
    key = jax.random.key(seed)
    ks = jax.random.split(key, 16)
    s = 0.05
    inp = {}
    inp['x'] = jax.random.normal(ks[0], (N, D_IN), jnp.float32)
    inp['edge_index'] = jax.random.randint(ks[1], (2, E), 0, N)
    inp['edge_attr'] = jax.random.normal(ks[2], (E, EDIM), jnp.float32)
    inp['lin0_w'] = jax.random.normal(ks[3], (D_IN, H), jnp.float32) * s
    inp['lin0_b'] = jnp.zeros((H,), jnp.float32)
    inp['conv0_w'] = jax.random.normal(ks[4], (H, H), jnp.float32) * s
    inp['conv0_b'] = jnp.zeros((H,), jnp.float32)
    inp['bn0_g'] = jnp.ones((H,), jnp.float32)
    inp['bn0_b'] = jnp.zeros((H,), jnp.float32)
    inp['conv1_w'] = jax.random.normal(ks[5], (H, H), jnp.float32) * s
    inp['conv1_b'] = jnp.zeros((H,), jnp.float32)
    inp['bn1_g'] = jnp.ones((H,), jnp.float32)
    inp['bn1_b'] = jnp.zeros((H,), jnp.float32)
    inp['lin1_w'] = jax.random.normal(ks[6], (H, D_OUT), jnp.float32) * s
    inp['lin1_b'] = jnp.zeros((D_OUT,), jnp.float32)
    return inp


def _gcn_conv(x, src, dst, W, b):
    # GCNConv with added self-loops and symmetric normalization
    n = x.shape[0]
    loop = jnp.arange(n, dtype=src.dtype)
    s = jnp.concatenate([src, loop])
    d = jnp.concatenate([dst, loop])
    h = x @ W
    deg = jnp.zeros((n,), h.dtype).at[d].add(1.0)
    dinv = jax.lax.rsqrt(deg)
    norm = dinv[s] * dinv[d]
    msg = h[s] * norm[:, None]
    out = jnp.zeros_like(h).at[d].add(msg)
    return out + b


def _bn(x, g, b):
    # BatchNorm1d in training mode (batch statistics, biased variance)
    m = jnp.mean(x, axis=0)
    v = jnp.var(x, axis=0)
    return (x - m) * jax.lax.rsqrt(v + EPS) * g + b


def reference(x, edge_index, edge_attr, lin0_w, lin0_b, conv0_w, conv0_b, bn0_g, bn0_b, conv1_w, conv1_b, bn1_g, bn1_b, lin1_w, lin1_b):
    # dropout p=0.0 -> identity; activation='relu' -> ReLUActivation returning (relu(x), None)
    src = edge_index[0]
    dst = edge_index[1]
    h = jax.nn.relu(x @ lin0_w + lin0_b)
    h = _bn(_gcn_conv(h, src, dst, conv0_w, conv0_b), bn0_g, bn0_b)
    h = jax.nn.relu(h)
    h = _bn(_gcn_conv(h, src, dst, conv1_w, conv1_b), bn1_g, bn1_b)
    h = jax.nn.relu(h)
    out = h @ lin1_w + lin1_b
    return out

if __name__ == "__main__":
    import jax
    _d = setup_inputs()
    print(jax.jit(kernel)(*tuple(_d.values())))

</pallas_src>

<mosaic_0001>
#map = affine_map<(d0, d1) -> (0, 0)>
#map1 = affine_map<(d0, d1) -> (0)>
module attributes {stable_mosaic.version = 14 : i64} {
  func.func @_deg_body(%arg0: i32, %arg1: i32, %arg2: memref<2x320000xi32, #tpu.memory_space<hbm>>, %arg3: memref<640xf32, #tpu.memory_space<hbm>>, %arg4: memref<20480xf32, #tpu.memory_space<hbm>>, %arg5: memref<2x128xi32, #tpu.memory_space<vmem>>, %arg6: memref<2x128xi32, #tpu.memory_space<vmem>>, %arg7: memref<2x128xi32, #tpu.memory_space<vmem>>, %arg8: memref<2x128xi32, #tpu.memory_space<vmem>>, %arg9: memref<128xf32, #tpu.memory_space<vmem>>, %arg10: memref<10240xf32, #tpu.memory_space<vmem_shared>>, %arg11: memref<!tpu.dma_semaphore, #tpu.memory_space<semaphore_mem>>, %arg12: memref<!tpu.dma_semaphore, #tpu.memory_space<semaphore_mem>>, %arg13: memref<!tpu.dma_semaphore, #tpu.memory_space<semaphore_mem>>, %arg14: memref<!tpu.dma_semaphore, #tpu.memory_space<semaphore_mem>>) attributes {dimension_semantics = [#tpu.dimension_semantics<core_parallel>, #tpu.dimension_semantics<subcore_parallel>], iteration_bounds = array<i64: 2, 16>, scalar_prefetch = 0 : i64, scratch_operands = 10 : i64, tpu.core_type = #tpu.core_type<sc_vector_subcore>, window_params = [{transform_indices = #map}, {transform_indices = #map1}, {transform_indices = #map1}]} {
    %mul3A = arith.constant 2 : i32
    %mul3A_0 = arith.muli %arg1, %mul3A : i32
    %add3A = arith.addi %mul3A_0, %arg0 : i32
    %broadcast_in_dim3A = arith.constant 1.000000e+00 : f32
    %broadcast_in_dim3A_1 = vector.broadcast %broadcast_in_dim3A : f32 to vector<16xf32>
    %swap3A = arith.constant 0 : index
    %swap3A_2 = tpu.vector_load %arg9[%swap3A] {strides = array<i32>} : memref<128xf32, #tpu.memory_space<vmem>>, vector<16xf32>,
    %swap3A_3 = vector.shape_cast %swap3A_2 : vector<16xf32> to vector<16xf32>
    %swap3A_4 = vector.shape_cast %broadcast_in_dim3A_1 : vector<16xf32> to vector<16xf32>
    tpu.vector_store %arg9[%swap3A], %swap3A_4 {strides = array<i32>} : memref<128xf32, #tpu.memory_space<vmem>>, vector<16xf32>,
    %broadcast_in_dim3A_5 = arith.constant 1.000000e+00 : f32
    %broadcast_in_dim3A_6 = vector.broadcast %broadcast_in_dim3A_5 : f32 to vector<16xf32>
    %swap3A_7 = arith.constant 16 : index
    %swap3A_8 = tpu.vector_load %arg9[%swap3A_7] {strides = array<i32>} : memref<128xf32, #tpu.memory_space<vmem>>, vector<16xf32>,
    %swap3A_9 = vector.shape_cast %swap3A_8 : vector<16xf32> to vector<16xf32>
    %swap3A_10 = vector.shape_cast %broadcast_in_dim3A_6 : vector<16xf32> to vector<16xf32>
    tpu.vector_store %arg9[%swap3A_7], %swap3A_10 {strides = array<i32>} : memref<128xf32, #tpu.memory_space<vmem>>, vector<16xf32>,
    %broadcast_in_dim3A_11 = arith.constant 1.000000e+00 : f32
    %broadcast_in_dim3A_12 = vector.broadcast %broadcast_in_dim3A_11 : f32 to vector<16xf32>
    %swap3A_13 = arith.constant 32 : index
    %swap3A_14 = tpu.vector_load %arg9[%swap3A_13] {strides = array<i32>} : memref<128xf32, #tpu.memory_space<vmem>>, vector<16xf32>,
    %swap3A_15 = vector.shape_cast %swap3A_14 : vector<16xf32> to vector<16xf32>
    %swap3A_16 = vector.shape_cast %broadcast_in_dim3A_12 : vector<16xf32> to vector<16xf32>
    tpu.vector_store %arg9[%swap3A_13], %swap3A_16 {strides = array<i32>} : memref<128xf32, #tpu.memory_space<vmem>>, vector<16xf32>,
    %broadcast_in_dim3A_17 = arith.constant 1.000000e+00 : f32
    %broadcast_in_dim3A_18 = vector.broadcast %broadcast_in_dim3A_17 : f32 to vector<16xf32>
    %swap3A_19 = arith.constant 48 : index
    %swap3A_20 = tpu.vector_load %arg9[%swap3A_19] {strides = array<i32>} : memref<128xf32, #tpu.memory_space<vmem>>, vector<16xf32>,
    %swap3A_21 = vector.shape_cast %swap3A_20 : vector<16xf32> to vector<16xf32>
    %swap3A_22 = vector.shape_cast %broadcast_in_dim3A_18 : vector<16xf32> to vector<16xf32>
    tpu.vector_store %arg9[%swap3A_19], %swap3A_22 {strides = array<i32>} : memref<128xf32, #tpu.memory_space<vmem>>, vector<16xf32>,
    %broadcast_in_dim3A_23 = arith.constant 1.000000e+00 : f32
    %broadcast_in_dim3A_24 = vector.broadcast %broadcast_in_dim3A_23 : f32 to vector<16xf32>
    %swap3A_25 = arith.constant 64 : index
    %swap3A_26 = tpu.vector_load %arg9[%swap3A_25] {strides = array<i32>} : memref<128xf32, #tpu.memory_space<vmem>>, vector<16xf32>,
    %swap3A_27 = vector.shape_cast %swap3A_26 : vector<16xf32> to vector<16xf32>
    %swap3A_28 = vector.shape_cast %broadcast_in_dim3A_24 : vector<16xf32> to vector<16xf32>
    tpu.vector_store %arg9[%swap3A_25], %swap3A_28 {strides = array<i32>} : memref<128xf32, #tpu.memory_space<vmem>>, vector<16xf32>,
    %broadcast_in_dim3A_29 = arith.constant 1.000000e+00 : f32
    %broadcast_in_dim3A_30 = vector.broadcast %broadcast_in_dim3A_29 : f32 to vector<16xf32>
    %swap3A_31 = arith.constant 80 : index
    %swap3A_32 = tpu.vector_load %arg9[%swap3A_31] {strides = array<i32>} : memref<128xf32, #tpu.memory_space<vmem>>, vector<16xf32>,
    %swap3A_33 = vector.shape_cast %swap3A_32 : vector<16xf32> to vector<16xf32>
    %swap3A_34 = vector.shape_cast %broadcast_in_dim3A_30 : vector<16xf32> to vector<16xf32>
    tpu.vector_store %arg9[%swap3A_31], %swap3A_34 {strides = array<i32>} : memref<128xf32, #tpu.memory_space<vmem>>, vector<16xf32>,
    %broadcast_in_dim3A_35 = arith.constant 1.000000e+00 : f32
    %broadcast_in_dim3A_36 = vector.broadcast %broadcast_in_dim3A_35 : f32 to vector<16xf32>
    %swap3A_37 = arith.constant 96 : index
    %swap3A_38 = tpu.vector_load %arg9[%swap3A_37] {strides = array<i32>} : memref<128xf32, #tpu.memory_space<vmem>>, vector<16xf32>,
    %swap3A_39 = vector.shape_cast %swap3A_38 : vector<16xf32> to vector<16xf32>
    %swap3A_40 = vector.shape_cast %broadcast_in_dim3A_36 : vector<16xf32> to vector<16xf32>
    tpu.vector_store %arg9[%swap3A_37], %swap3A_40 {strides = array<i32>} : memref<128xf32, #tpu.memory_space<vmem>>, vector<16xf32>,
    %broadcast_in_dim3A_41 = arith.constant 1.000000e+00 : f32
    %broadcast_in_dim3A_42 = vector.broadcast %broadcast_in_dim3A_41 : f32 to vector<16xf32>
    %swap3A_43 = arith.constant 112 : index
    %swap3A_44 = tpu.vector_load %arg9[%swap3A_43] {strides = array<i32>} : memref<128xf32, #tpu.memory_space<vmem>>, vector<16xf32>,
    %swap3A_45 = vector.shape_cast %swap3A_44 : vector<16xf32> to vector<16xf32>
    %swap3A_46 = vector.shape_cast %broadcast_in_dim3A_42 : vector<16xf32> to vector<16xf32>
    tpu.vector_store %arg9[%swap3A_43], %swap3A_46 {strides = array<i32>} : memref<128xf32, #tpu.memory_space<vmem>>, vector<16xf32>,
    %mul3A_47 = arith.constant 640 : i32
    %mul3A_48 = arith.muli %arg1, %mul3A_47 : i32
    "tpu.region"() ({
      %run_scoped3A_101 = tpu.sem_alloc : memref<!tpu.dma_semaphore, #tpu.memory_space<semaphore_mem>>
      %dma_start3A_102 = tpu.memref_slice %arg10[%mul3A_48] : memref<10240xf32, #tpu.memory_space<vmem_shared>> -> memref<640xf32, #tpu.memory_space<vmem_shared>>
      tpu.enqueue_dma source(%arg3 : memref<640xf32, #tpu.memory_space<hbm>>) target(%dma_start3A_102 : memref<640xf32, #tpu.memory_space<vmem_shared>>) target_semaphore(%run_scoped3A_101 : memref<!tpu.dma_semaphore, #tpu.memory_space<semaphore_mem>>)
      %dma_wait3A_103 = tpu.memref_slice %arg10[%mul3A_48] : memref<10240xf32, #tpu.memory_space<vmem_shared>> -> memref<640xf32, #tpu.memory_space<vmem_shared>>
      tpu.wait_dma2 semaphore(%run_scoped3A_101 : memref<!tpu.dma_semaphore, #tpu.memory_space<semaphore_mem>>) src(%arg3 : memref<640xf32, #tpu.memory_space<hbm>>) dst(%dma_wait3A_103 : memref<640xf32, #tpu.memory_space<vmem_shared>>)
      tpu.yield
    }) : () -> ()
    %barrier3A = arith.constant 0 : index
    tpu.barrier barrier_id(%barrier3A)
    %mul3A_49 = arith.constant 78 : i32
    %mul3A_50 = arith.muli %add3A, %mul3A_49 : i32
    %mul3A_51 = arith.constant 128 : i32
    %mul3A_52 = arith.muli %mul3A_50, %mul3A_51 : i32
    %dma_start3A = arith.constant 0 : i32
    %dma_start3A_53 = tpu.memref_slice %arg2[%dma_start3A, %mul3A_52] : memref<2x320000xi32, #tpu.memory_space<hbm>> -> memref<2x128xi32, #tpu.memory_space<hbm>>
    %dma_start3A_54 = arith.constant 0 : i32
    %dma_start3A_55 = tpu.memref_slice %arg2[%dma_start3A_54, %mul3A_52] : memref<2x320000xi32, #tpu.memory_space<hbm>> -> memref<2x128xi32, #tpu.memory_space<hbm>>
    tpu.enqueue_dma source(%dma_start3A_55 : memref<2x128xi32, #tpu.memory_space<hbm>>) target(%arg5 : memref<2x128xi32, #tpu.memory_space<vmem>>) target_semaphore(%arg11 : memref<!tpu.dma_semaphore, #tpu.memory_space<semaphore_mem>>)
    %add3A_56 = arith.constant 128 : i32
    %add3A_57 = arith.addi %mul3A_52, %add3A_56 : i32
    %dma_start3A_58 = arith.constant 0 : i32
    %dma_start3A_59 = tpu.memref_slice %arg2[%dma_start3A_58, %add3A_57] : memref<2x320000xi32, #tpu.memory_space<hbm>> -> memref<2x128xi32, #tpu.memory_space<hbm>>
    %dma_start3A_60 = arith.constant 0 : i32
    %dma_start3A_61 = tpu.memref_slice %arg2[%dma_start3A_60, %add3A_57] : memref<2x320000xi32, #tpu.memory_space<hbm>> -> memref<2x128xi32, #tpu.memory_space<hbm>>
    tpu.enqueue_dma source(%dma_start3A_61 : memref<2x128xi32, #tpu.memory_space<hbm>>) target(%arg6 : memref<2x128xi32, #tpu.memory_space<vmem>>) target_semaphore(%arg12 : memref<!tpu.dma_semaphore, #tpu.memory_space<semaphore_mem>>)
    %add3A_62 = arith.constant 256 : i32
    %add3A_63 = arith.addi %mul3A_52, %add3A_62 : i32
    %dma_start3A_64 = arith.constant 0 : i32
    %dma_start3A_65 = tpu.memref_slice %arg2[%dma_start3A_64, %add3A_63] : memref<2x320000xi32, #tpu.memory_space<hbm>> -> memref<2x128xi32, #tpu.memory_space<hbm>>
    %dma_start3A_66 = arith.constant 0 : i32
    %dma_start3A_67 = tpu.memref_slice %arg2[%dma_start3A_66, %add3A_63] : memref<2x320000xi32, #tpu.memory_space<hbm>> -> memref<2x128xi32, #tpu.memory_space<hbm>>
    tpu.enqueue_dma source(%dma_start3A_67 : memref<2x128xi32, #tpu.memory_space<hbm>>) target(%arg7 : memref<2x128xi32, #tpu.memory_space<vmem>>) target_semaphore(%arg13 : memref<!tpu.dma_semaphore, #tpu.memory_space<semaphore_mem>>)
    %add3A_68 = arith.constant 384 : i32
    %add3A_69 = arith.addi %mul3A_52, %add3A_68 : i32
    %dma_start3A_70 = arith.constant 0 : i32
    %dma_start3A_71 = tpu.memref_slice %arg2[%dma_start3A_70, %add3A_69] : memref<2x320000xi32, #tpu.memory_space<hbm>> -> memref<2x128xi32, #tpu.memory_space<hbm>>
    %dma_start3A_72 = arith.constant 0 : i32
    %dma_start3A_73 = tpu.memref_slice %arg2[%dma_start3A_72, %add3A_69] : memref<2x320000xi32, #tpu.memory_space<hbm>> -> memref<2x128xi32, #tpu.memory_space<hbm>>
    tpu.enqueue_dma source(%dma_start3A_73 : memref<2x128xi32, #tpu.memory_space<hbm>>) target(%arg8 : memref<2x128xi32, #tpu.memory_space<vmem>>) target_semaphore(%arg14 : memref<!tpu.dma_semaphore, #tpu.memory_space<semaphore_mem>>)
    %scan3A = arith.constant 0 : i32
    %scan3A_74 = arith.constant 0 : i32
    %scan3A_75 = arith.constant 19 : i32
    %scan3A_76 = arith.addi %scan3A_74, %scan3A_75 : i32
    %scan3A_77 = arith.constant 1 : i32
    scf.for %scan3A_101 = %scan3A_74 to %scan3A_76 step %scan3A_77  : i32 {
      %mul3A_102 = arith.constant 4 : i32
      %mul3A_103 = arith.muli %mul3A_102, %scan3A_101 : i32
      %dma_wait3A_104 = arith.constant 0 : i32
      %dma_wait3A_105 = arith.constant 0 : i32
      %dma_wait3A_106 = tpu.memref_slice %arg2[%dma_wait3A_104, %dma_wait3A_105] : memref<2x320000xi32, #tpu.memory_space<hbm>> -> memref<2x128xi32, #tpu.memory_space<hbm>>
      %dma_wait3A_107 = arith.constant 0 : i32
      %dma_wait3A_108 = arith.constant 0 : i32
      %dma_wait3A_109 = tpu.memref_slice %arg2[%dma_wait3A_107, %dma_wait3A_108] : memref<2x320000xi32, #tpu.memory_space<hbm>> -> memref<2x128xi32, #tpu.memory_space<hbm>>
      tpu.wait_dma2 semaphore(%arg11 : memref<!tpu.dma_semaphore, #tpu.memory_space<semaphore_mem>>) src(%dma_wait3A_109 : memref<2x128xi32, #tpu.memory_space<hbm>>) dst(%arg5 : memref<2x128xi32, #tpu.memory_space<vmem>>)
      %run_scoped3A_110 = arith.constant 1 : i32
      "tpu.region"() ({
        %run_scoped3A_168 = tpu.sem_alloc : memref<!tpu.dma_semaphore, #tpu.memory_space<semaphore_mem>>
        %dma_start3A_169 = arith.constant 0 : i32
        %dma_start3A_170 = tpu.memref_slice %arg5[%run_scoped3A_110, %dma_start3A_169] : memref<2x128xi32, #tpu.memory_space<vmem>> -> memref<1x128xi32, #tpu.memory_space<vmem>>
        %dma_start3A_171 = tpu.memref_squeeze %dma_start3A_170 : memref<1x128xi32, #tpu.memory_space<vmem>> -> memref<128xi32, #tpu.memory_space<vmem>>
        %dma_start3A_172 = arith.constant 0 : i32
        %dma_start3A_173 = tpu.memref_slice %arg10[%dma_start3A_172] : memref<10240xf32, #tpu.memory_space<vmem_shared>> -> memref<10240xf32, #tpu.memory_space<vmem_shared>>
        tpu.enqueue_indirect_dma source(%arg9 : memref<128xf32, #tpu.memory_space<vmem>>) target(%dma_start3A_173 : memref<10240xf32, #tpu.memory_space<vmem_shared>>) offsets(%dma_start3A_171 : memref<128xi32, #tpu.memory_space<vmem>>) semaphore(%run_scoped3A_168 : memref<!tpu.dma_semaphore, #tpu.memory_space<semaphore_mem>>) {add = true}
        %dma_wait3A_174 = arith.constant 0 : i32
        %dma_wait3A_175 = tpu.memref_slice %arg5[%run_scoped3A_110, %dma_wait3A_174] : memref<2x128xi32, #tpu.memory_space<vmem>> -> memref<1x128xi32, #tpu.memory_space<vmem>>
        %dma_wait3A_176 = tpu.memref_squeeze %dma_wait3A_175 : memref<1x128xi32, #tpu.memory_space<vmem>> -> memref<128xi32, #tpu.memory_space<vmem>>
        %dma_wait3A_177 = arith.constant 0 : i32
        %dma_wait3A_178 = tpu.memref_slice %arg10[%dma_wait3A_177] : memref<10240xf32, #tpu.memory_space<vmem_shared>> -> memref<10240xf32, #tpu.memory_space<vmem_shared>>
        tpu.wait_indirect_dma semaphore(%run_scoped3A_168 : memref<!tpu.dma_semaphore, #tpu.memory_space<semaphore_mem>>) src(%arg9 : memref<128xf32, #tpu.memory_space<vmem>>) dst(%dma_wait3A_178 : memref<10240xf32, #tpu.memory_space<vmem_shared>>)
        tpu.yield
      }) : () -> ()
      %add3A_111 = arith.constant 0 : i32
      %add3A_112 = arith.addi %mul3A_103, %add3A_111 : i32
      %add3A_113 = arith.constant 4 : i32
      %add3A_114 = arith.addi %add3A_112, %add3A_113 : i32
      %lt3A_115 = arith.constant 78 : i32
      %lt3A_116 = arith.cmpi slt, %add3A_114, %lt3A_115 : i32
      %convert_element_type3A_117 = arith.extui %lt3A_116 : i1 to i32
      %cond3A_118 = arith.constant 0 : i32
      %cond3A_119 = arith.cmpi ne, %convert_element_type3A_117, %cond3A_118 : i32
      scf.if %cond3A_119 {
        %add3A_168 = arith.constant 0 : i32
        %add3A_169 = arith.addi %mul3A_103, %add3A_168 : i32
        %add3A_170 = arith.constant 4 : i32
        %add3A_171 = arith.addi %add3A_169, %add3A_170 : i32
        %mul3A_172 = arith.constant 128 : i32
        %mul3A_173 = arith.muli %add3A_171, %mul3A_172 : i32
        %add3A_174 = arith.addi %mul3A_52, %mul3A_173 : i32
        %dma_start3A_175 = arith.constant 0 : i32
        %dma_start3A_176 = tpu.memref_slice %arg2[%dma_start3A_175, %add3A_174] : memref<2x320000xi32, #tpu.memory_space<hbm>> -> memref<2x128xi32, #tpu.memory_space<hbm>>
        %dma_start3A_177 = arith.constant 0 : i32
        %dma_start3A_178 = tpu.memref_slice %arg2[%dma_start3A_177, %add3A_174] : memref<2x320000xi32, #tpu.memory_space<hbm>> -> memref<2x128xi32, #tpu.memory_space<hbm>>
        tpu.enqueue_dma source(%dma_start3A_178 : memref<2x128xi32, #tpu.memory_space<hbm>>) target(%arg5 : memref<2x128xi32, #tpu.memory_space<vmem>>) target_semaphore(%arg11 : memref<!tpu.dma_semaphore, #tpu.memory_space<semaphore_mem>>)
      } else {
      }
      %dma_wait3A_120 = arith.constant 0 : i32
      %dma_wait3A_121 = arith.constant 0 : i32
      %dma_wait3A_122 = tpu.memref_slice %arg2[%dma_wait3A_120, %dma_wait3A_121] : memref<2x320000xi32, #tpu.memory_space<hbm>> -> memref<2x128xi32, #tpu.memory_space<hbm>>
      %dma_wait3A_123 = arith.constant 0 : i32
      %dma_wait3A_124 = arith.constant 0 : i32
      %dma_wait3A_125 = tpu.memref_slice %arg2[%dma_wait3A_123, %dma_wait3A_124] : memref<2x320000xi32, #tpu.memory_space<hbm>> -> memref<2x128xi32, #tpu.memory_space<hbm>>
      tpu.wait_dma2 semaphore(%arg12 : memref<!tpu.dma_semaphore, #tpu.memory_space<semaphore_mem>>) src(%dma_wait3A_125 : memref<2x128xi32, #tpu.memory_space<hbm>>) dst(%arg6 : memref<2x128xi32, #tpu.memory_space<vmem>>)
      %run_scoped3A_126 = arith.constant 1 : i32
      "tpu.region"() ({
        %run_scoped3A_168 = tpu.sem_alloc : memref<!tpu.dma_semaphore, #tpu.memory_space<semaphore_mem>>
        %dma_start3A_169 = arith.constant 0 : i32
        %dma_start3A_170 = tpu.memref_slice %arg6[%run_scoped3A_126, %dma_start3A_169] : memref<2x128xi32, #tpu.memory_space<vmem>> -> memref<1x128xi32, #tpu.memory_space<vmem>>
        %dma_start3A_171 = tpu.memref_squeeze %dma_start3A_170 : memref<1x128xi32, #tpu.memory_space<vmem>> -> memref<128xi32, #tpu.memory_space<vmem>>
        %dma_start3A_172 = arith.constant 0 : i32
        %dma_start3A_173 = tpu.memref_slice %arg10[%dma_start3A_172] : memref<10240xf32, #tpu.memory_space<vmem_shared>> -> memref<10240xf32, #tpu.memory_space<vmem_shared>>
        tpu.enqueue_indirect_dma source(%arg9 : memref<128xf32, #tpu.memory_space<vmem>>) target(%dma_start3A_173 : memref<10240xf32, #tpu.memory_space<vmem_shared>>) offsets(%dma_start3A_171 : memref<128xi32, #tpu.memory_space<vmem>>) semaphore(%run_scoped3A_168 : memref<!tpu.dma_semaphore, #tpu.memory_space<semaphore_mem>>) {add = true}
        %dma_wait3A_174 = arith.constant 0 : i32
        %dma_wait3A_175 = tpu.memref_slice %arg6[%run_scoped3A_126, %dma_wait3A_174] : memref<2x128xi32, #tpu.memory_space<vmem>> -> memref<1x128xi32, #tpu.memory_space<vmem>>
        %dma_wait3A_176 = tpu.memref_squeeze %dma_wait3A_175 : memref<1x128xi32, #tpu.memory_space<vmem>> -> memref<128xi32, #tpu.memory_space<vmem>>
        %dma_wait3A_177 = arith.constant 0 : i32
        %dma_wait3A_178 = tpu.memref_slice %arg10[%dma_wait3A_177] : memref<10240xf32, #tpu.memory_space<vmem_shared>> -> memref<10240xf32, #tpu.memory_space<vmem_shared>>
        tpu.wait_indirect_dma semaphore(%run_scoped3A_168 : memref<!tpu.dma_semaphore, #tpu.memory_space<semaphore_mem>>) src(%arg9 : memref<128xf32, #tpu.memory_space<vmem>>) dst(%dma_wait3A_178 : memref<10240xf32, #tpu.memory_space<vmem_shared>>)
        tpu.yield
      }) : () -> ()
      %add3A_127 = arith.constant 1 : i32
      %add3A_128 = arith.addi %mul3A_103, %add3A_127 : i32
      %add3A_129 = arith.constant 4 : i32
      %add3A_130 = arith.addi %add3A_128, %add3A_129 : i32
      %lt3A_131 = arith.constant 78 : i32
      %lt3A_132 = arith.cmpi slt, %add3A_130, %lt3A_131 : i32
      %convert_element_type3A_133 = arith.extui %lt3A_132 : i1 to i32
      %cond3A_134 = arith.constant 0 : i32
      %cond3A_135 = arith.cmpi ne, %convert_element_type3A_133, %cond3A_134 : i32
      scf.if %cond3A_135 {
        %add3A_168 = arith.constant 1 : i32
        %add3A_169 = arith.addi %mul3A_103, %add3A_168 : i32
        %add3A_170 = arith.constant 4 : i32
        %add3A_171 = arith.addi %add3A_169, %add3A_170 : i32
        %mul3A_172 = arith.constant 128 : i32
        %mul3A_173 = arith.muli %add3A_171, %mul3A_172 : i32
        %add3A_174 = arith.addi %mul3A_52, %mul3A_173 : i32
        %dma_start3A_175 = arith.constant 0 : i32
        %dma_start3A_176 = tpu.memref_slice %arg2[%dma_start3A_175, %add3A_174] : memref<2x320000xi32, #tpu.memory_space<hbm>> -> memref<2x128xi32, #tpu.memory_space<hbm>>
        %dma_start3A_177 = arith.constant 0 : i32
        %dma_start3A_178 = tpu.memref_slice %arg2[%dma_start3A_177, %add3A_174] : memref<2x320000xi32, #tpu.memory_space<hbm>> -> memref<2x128xi32, #tpu.memory_space<hbm>>
        tpu.enqueue_dma source(%dma_start3A_178 : memref<2x128xi32, #tpu.memory_space<hbm>>) target(%arg6 : memref<2x128xi32, #tpu.memory_space<vmem>>) target_semaphore(%arg12 : memref<!tpu.dma_semaphore, #tpu.memory_space<semaphore_mem>>)
      } else {
      }
      %dma_wait3A_136 = arith.constant 0 : i32
      %dma_wait3A_137 = arith.constant 0 : i32
      %dma_wait3A_138 = tpu.memref_slice %arg2[%dma_wait3A_136, %dma_wait3A_137] : memref<2x320000xi32, #tpu.memory_space<hbm>> -> memref<2x128xi32, #tpu.memory_space<hbm>>
      %dma_wait3A_139 = arith.constant 0 : i32
      %dma_wait3A_140 = arith.constant 0 : i32
      %dma_wait3A_141 = tpu.memref_slice %arg2[%dma_wait3A_139, %dma_wait3A_140] : memref<2x320000xi32, #tpu.memory_space<hbm>> -> memref<2x128xi32, #tpu.memory_space<hbm>>
      tpu.wait_dma2 semaphore(%arg13 : memref<!tpu.dma_semaphore, #tpu.memory_space<semaphore_mem>>) src(%dma_wait3A_141 : memref<2x128xi32, #tpu.memory_space<hbm>>) dst(%arg7 : memref<2x128xi32, #tpu.memory_space<vmem>>)
      %run_scoped3A_142 = arith.constant 1 : i32
      "tpu.region"() ({
        %run_scoped3A_168 = tpu.sem_alloc : memref<!tpu.dma_semaphore, #tpu.memory_space<semaphore_mem>>
        %dma_start3A_169 = arith.constant 0 : i32
        %dma_start3A_170 = tpu.memref_slice %arg7[%run_scoped3A_142, %dma_start3A_169] : memref<2x128xi32, #tpu.memory_space<vmem>> -> memref<1x128xi32, #tpu.memory_space<vmem>>
        %dma_start3A_171 = tpu.memref_squeeze %dma_start3A_170 : memref<1x128xi32, #tpu.memory_space<vmem>> -> memref<128xi32, #tpu.memory_space<vmem>>
        %dma_start3A_172 = arith.constant 0 : i32
        %dma_start3A_173 = tpu.memref_slice %arg10[%dma_start3A_172] : memref<10240xf32, #tpu.memory_space<vmem_shared>> -> memref<10240xf32, #tpu.memory_space<vmem_shared>>
        tpu.enqueue_indirect_dma source(%arg9 : memref<128xf32, #tpu.memory_space<vmem>>) target(%dma_start3A_173 : memref<10240xf32, #tpu.memory_space<vmem_shared>>) offsets(%dma_start3A_171 : memref<128xi32, #tpu.memory_space<vmem>>) semaphore(%run_scoped3A_168 : memref<!tpu.dma_semaphore, #tpu.memory_space<semaphore_mem>>) {add = true}
        %dma_wait3A_174 = arith.constant 0 : i32
        %dma_wait3A_175 = tpu.memref_slice %arg7[%run_scoped3A_142, %dma_wait3A_174] : memref<2x128xi32, #tpu.memory_space<vmem>> -> memref<1x128xi32, #tpu.memory_space<vmem>>
        %dma_wait3A_176 = tpu.memref_squeeze %dma_wait3A_175 : memref<1x128xi32, #tpu.memory_space<vmem>> -> memref<128xi32, #tpu.memory_space<vmem>>
        %dma_wait3A_177 = arith.constant 0 : i32
        %dma_wait3A_178 = tpu.memref_slice %arg10[%dma_wait3A_177] : memref<10240xf32, #tpu.memory_space<vmem_shared>> -> memref<10240xf32, #tpu.memory_space<vmem_shared>>
        tpu.wait_indirect_dma semaphore(%run_scoped3A_168 : memref<!tpu.dma_semaphore, #tpu.memory_space<semaphore_mem>>) src(%arg9 : memref<128xf32, #tpu.memory_space<vmem>>) dst(%dma_wait3A_178 : memref<10240xf32, #tpu.memory_space<vmem_shared>>)
        tpu.yield
      }) : () -> ()
      %add3A_143 = arith.constant 2 : i32
      %add3A_144 = arith.addi %mul3A_103, %add3A_143 : i32
      %add3A_145 = arith.constant 4 : i32
      %add3A_146 = arith.addi %add3A_144, %add3A_145 : i32
      %lt3A_147 = arith.constant 78 : i32
      %lt3A_148 = arith.cmpi slt, %add3A_146, %lt3A_147 : i32
      %convert_element_type3A_149 = arith.extui %lt3A_148 : i1 to i32
      %cond3A_150 = arith.constant 0 : i32
      %cond3A_151 = arith.cmpi ne, %convert_element_type3A_149, %cond3A_150 : i32
      scf.if %cond3A_151 {
        %add3A_168 = arith.constant 2 : i32
        %add3A_169 = arith.addi %mul3A_103, %add3A_168 : i32
        %add3A_170 = arith.constant 4 : i32
        %add3A_171 = arith.addi %add3A_169, %add3A_170 : i32
        %mul3A_172 = arith.constant 128 : i32
        %mul3A_173 = arith.muli %add3A_171, %mul3A_172 : i32
        %add3A_174 = arith.addi %mul3A_52, %mul3A_173 : i32
        %dma_start3A_175 = arith.constant 0 : i32
        %dma_start3A_176 = tpu.memref_slice %arg2[%dma_start3A_175, %add3A_174] : memref<2x320000xi32, #tpu.memory_space<hbm>> -> memref<2x128xi32, #tpu.memory_space<hbm>>
        %dma_start3A_177 = arith.constant 0 : i32
        %dma_start3A_178 = tpu.memref_slice %arg2[%dma_start3A_177, %add3A_174] : memref<2x320000xi32, #tpu.memory_space<hbm>> -> memref<2x128xi32, #tpu.memory_space<hbm>>
        tpu.enqueue_dma source(%dma_start3A_178 : memref<2x128xi32, #tpu.memory_space<hbm>>) target(%arg7 : memref<2x128xi32, #tpu.memory_space<vmem>>) target_semaphore(%arg13 : memref<!tpu.dma_semaphore, #tpu.memory_space<semaphore_mem>>)
      } else {
      }
      %dma_wait3A_152 = arith.constant 0 : i32
      %dma_wait3A_153 = arith.constant 0 : i32
      %dma_wait3A_154 = tpu.memref_slice %arg2[%dma_wait3A_152, %dma_wait3A_153] : memref<2x320000xi32, #tpu.memory_space<hbm>> -> memref<2x128xi32, #tpu.memory_space<hbm>>
      %dma_wait3A_155 = arith.constant 0 : i32
      %dma_wait3A_156 = arith.constant 0 : i32
      %dma_wait3A_157 = tpu.memref_slice %arg2[%dma_wait3A_155, %dma_wait3A_156] : memref<2x320000xi32, #tpu.memory_space<hbm>> -> memref<2x128xi32, #tpu.memory_space<hbm>>
      tpu.wait_dma2 semaphore(%arg14 : memref<!tpu.dma_semaphore, #tpu.memory_space<semaphore_mem>>) src(%dma_wait3A_157 : memref<2x128xi32, #tpu.memory_space<hbm>>) dst(%arg8 : memref<2x128xi32, #tpu.memory_space<vmem>>)
      %run_scoped3A_158 = arith.constant 1 : i32
      "tpu.region"() ({
        %run_scoped3A_168 = tpu.sem_alloc : memref<!tpu.dma_semaphore, #tpu.memory_space<semaphore_mem>>
        %dma_start3A_169 = arith.constant 0 : i32
        %dma_start3A_170 = tpu.memref_slice %arg8[%run_scoped3A_158, %dma_start3A_169] : memref<2x128xi32, #tpu.memory_space<vmem>> -> memref<1x128xi32, #tpu.memory_space<vmem>>
        %dma_start3A_171 = tpu.memref_squeeze %dma_start3A_170 : memref<1x128xi32, #tpu.memory_space<vmem>> -> memref<128xi32, #tpu.memory_space<vmem>>
        %dma_start3A_172 = arith.constant 0 : i32
        %dma_start3A_173 = tpu.memref_slice %arg10[%dma_start3A_172] : memref<10240xf32, #tpu.memory_space<vmem_shared>> -> memref<10240xf32, #tpu.memory_space<vmem_shared>>
        tpu.enqueue_indirect_dma source(%arg9 : memref<128xf32, #tpu.memory_space<vmem>>) target(%dma_start3A_173 : memref<10240xf32, #tpu.memory_space<vmem_shared>>) offsets(%dma_start3A_171 : memref<128xi32, #tpu.memory_space<vmem>>) semaphore(%run_scoped3A_168 : memref<!tpu.dma_semaphore, #tpu.memory_space<semaphore_mem>>) {add = true}
        %dma_wait3A_174 = arith.constant 0 : i32
        %dma_wait3A_175 = tpu.memref_slice %arg8[%run_scoped3A_158, %dma_wait3A_174] : memref<2x128xi32, #tpu.memory_space<vmem>> -> memref<1x128xi32, #tpu.memory_space<vmem>>
        %dma_wait3A_176 = tpu.memref_squeeze %dma_wait3A_175 : memref<1x128xi32, #tpu.memory_space<vmem>> -> memref<128xi32, #tpu.memory_space<vmem>>
        %dma_wait3A_177 = arith.constant 0 : i32
        %dma_wait3A_178 = tpu.memref_slice %arg10[%dma_wait3A_177] : memref<10240xf32, #tpu.memory_space<vmem_shared>> -> memref<10240xf32, #tpu.memory_space<vmem_shared>>
        tpu.wait_indirect_dma semaphore(%run_scoped3A_168 : memref<!tpu.dma_semaphore, #tpu.memory_space<semaphore_mem>>) src(%arg9 : memref<128xf32, #tpu.memory_space<vmem>>) dst(%dma_wait3A_178 : memref<10240xf32, #tpu.memory_space<vmem_shared>>)
        tpu.yield
      }) : () -> ()
      %add3A_159 = arith.constant 3 : i32
      %add3A_160 = arith.addi %mul3A_103, %add3A_159 : i32
      %add3A_161 = arith.constant 4 : i32
      %add3A_162 = arith.addi %add3A_160, %add3A_161 : i32
      %lt3A_163 = arith.constant 78 : i32
      %lt3A_164 = arith.cmpi slt, %add3A_162, %lt3A_163 : i32
      %convert_element_type3A_165 = arith.extui %lt3A_164 : i1 to i32
      %cond3A_166 = arith.constant 0 : i32
      %cond3A_167 = arith.cmpi ne, %convert_element_type3A_165, %cond3A_166 : i32
      scf.if %cond3A_167 {
        %add3A_168 = arith.constant 3 : i32
        %add3A_169 = arith.addi %mul3A_103, %add3A_168 : i32
        %add3A_170 = arith.constant 4 : i32
        %add3A_171 = arith.addi %add3A_169, %add3A_170 : i32
        %mul3A_172 = arith.constant 128 : i32
        %mul3A_173 = arith.muli %add3A_171, %mul3A_172 : i32
        %add3A_174 = arith.addi %mul3A_52, %mul3A_173 : i32
        %dma_start3A_175 = arith.constant 0 : i32
        %dma_start3A_176 = tpu.memref_slice %arg2[%dma_start3A_175, %add3A_174] : memref<2x320000xi32, #tpu.memory_space<hbm>> -> memref<2x128xi32, #tpu.memory_space<hbm>>
        %dma_start3A_177 = arith.constant 0 : i32
        %dma_start3A_178 = tpu.memref_slice %arg2[%dma_start3A_177, %add3A_174] : memref<2x320000xi32, #tpu.memory_space<hbm>> -> memref<2x128xi32, #tpu.memory_space<hbm>>
        tpu.enqueue_dma source(%dma_start3A_178 : memref<2x128xi32, #tpu.memory_space<hbm>>) target(%arg8 : memref<2x128xi32, #tpu.memory_space<vmem>>) target_semaphore(%arg14 : memref<!tpu.dma_semaphore, #tpu.memory_space<semaphore_mem>>)
      } else {
      }
    }
    %scan3A_78 = arith.constant 19 : i32
    %dma_wait3A = arith.constant 0 : i32
    %dma_wait3A_79 = arith.constant 0 : i32
    %dma_wait3A_80 = tpu.memref_slice %arg2[%dma_wait3A, %dma_wait3A_79] : memref<2x320000xi32, #tpu.memory_space<hbm>> -> memref<2x128xi32, #tpu.memory_space<hbm>>
    %dma_wait3A_81 = arith.constant 0 : i32
    %dma_wait3A_82 = arith.constant 0 : i32
    %dma_wait3A_83 = tpu.memref_slice %arg2[%dma_wait3A_81, %dma_wait3A_82] : memref<2x320000xi32, #tpu.memory_space<hbm>> -> memref<2x128xi32, #tpu.memory_space<hbm>>
    tpu.wait_dma2 semaphore(%arg11 : memref<!tpu.dma_semaphore, #tpu.memory_space<semaphore_mem>>) src(%dma_wait3A_83 : memref<2x128xi32, #tpu.memory_space<hbm>>) dst(%arg5 : memref<2x128xi32, #tpu.memory_space<vmem>>)
    %run_scoped3A = arith.constant 1 : i32
    "tpu.region"() ({
      %run_scoped3A_101 = tpu.sem_alloc : memref<!tpu.dma_semaphore, #tpu.memory_space<semaphore_mem>>
      %dma_start3A_102 = arith.constant 0 : i32
      %dma_start3A_103 = tpu.memref_slice %arg5[%run_scoped3A, %dma_start3A_102] : memref<2x128xi32, #tpu.memory_space<vmem>> -> memref<1x128xi32, #tpu.memory_space<vmem>>
      %dma_start3A_104 = tpu.memref_squeeze %dma_start3A_103 : memref<1x128xi32, #tpu.memory_space<vmem>> -> memref<128xi32, #tpu.memory_space<vmem>>
      %dma_start3A_105 = arith.constant 0 : i32
      %dma_start3A_106 = tpu.memref_slice %arg10[%dma_start3A_105] : memref<10240xf32, #tpu.memory_space<vmem_shared>> -> memref<10240xf32, #tpu.memory_space<vmem_shared>>
      tpu.enqueue_indirect_dma source(%arg9 : memref<128xf32, #tpu.memory_space<vmem>>) target(%dma_start3A_106 : memref<10240xf32, #tpu.memory_space<vmem_shared>>) offsets(%dma_start3A_104 : memref<128xi32, #tpu.memory_space<vmem>>) semaphore(%run_scoped3A_101 : memref<!tpu.dma_semaphore, #tpu.memory_space<semaphore_mem>>) {add = true}
      %dma_wait3A_107 = arith.constant 0 : i32
      %dma_wait3A_108 = tpu.memref_slice %arg5[%run_scoped3A, %dma_wait3A_107] : memref<2x128xi32, #tpu.memory_space<vmem>> -> memref<1x128xi32, #tpu.memory_space<vmem>>
      %dma_wait3A_109 = tpu.memref_squeeze %dma_wait3A_108 : memref<1x128xi32, #tpu.memory_space<vmem>> -> memref<128xi32, #tpu.memory_space<vmem>>
      %dma_wait3A_110 = arith.constant 0 : i32
      %dma_wait3A_111 = tpu.memref_slice %arg10[%dma_wait3A_110] : memref<10240xf32, #tpu.memory_space<vmem_shared>> -> memref<10240xf32, #tpu.memory_space<vmem_shared>>
      tpu.wait_indirect_dma semaphore(%run_scoped3A_101 : memref<!tpu.dma_semaphore, #tpu.memory_space<semaphore_mem>>) src(%arg9 : memref<128xf32, #tpu.memory_space<vmem>>) dst(%dma_wait3A_111 : memref<10240xf32, #tpu.memory_space<vmem_shared>>)
      tpu.yield
    }) : () -> ()
    %dma_wait3A_84 = arith.constant 0 : i32
    %dma_wait3A_85 = arith.constant 0 : i32
    %dma_wait3A_86 = tpu.memref_slice %arg2[%dma_wait3A_84, %dma_wait3A_85] : memref<2x320000xi32, #tpu.memory_space<hbm>> -> memref<2x128xi32, #tpu.memory_space<hbm>>
    %dma_wait3A_87 = arith.constant 0 : i32
    %dma_wait3A_88 = arith.constant 0 : i32
    %dma_wait3A_89 = tpu.memref_slice %arg2[%dma_wait3A_87, %dma_wait3A_88] : memref<2x320000xi32, #tpu.memory_space<hbm>> -> memref<2x128xi32, #tpu.memory_space<hbm>>
    tpu.wait_dma2 semaphore(%arg12 : memref<!tpu.dma_semaphore, #tpu.memory_space<semaphore_mem>>) src(%dma_wait3A_89 : memref<2x128xi32, #tpu.memory_space<hbm>>) dst(%arg6 : memref<2x128xi32, #tpu.memory_space<vmem>>)
    %run_scoped3A_90 = arith.constant 1 : i32
    "tpu.region"() ({
      %run_scoped3A_101 = tpu.sem_alloc : memref<!tpu.dma_semaphore, #tpu.memory_space<semaphore_mem>>
      %dma_start3A_102 = arith.constant 0 : i32
      %dma_start3A_103 = tpu.memref_slice %arg6[%run_scoped3A_90, %dma_start3A_102] : memref<2x128xi32, #tpu.memory_space<vmem>> -> memref<1x128xi32, #tpu.memory_space<vmem>>
      %dma_start3A_104 = tpu.memref_squeeze %dma_start3A_103 : memref<1x128xi32, #tpu.memory_space<vmem>> -> memref<128xi32, #tpu.memory_space<vmem>>
      %dma_start3A_105 = arith.constant 0 : i32
      %dma_start3A_106 = tpu.memref_slice %arg10[%dma_start3A_105] : memref<10240xf32, #tpu.memory_space<vmem_shared>> -> memref<10240xf32, #tpu.memory_space<vmem_shared>>
      tpu.enqueue_indirect_dma source(%arg9 : memref<128xf32, #tpu.memory_space<vmem>>) target(%dma_start3A_106 : memref<10240xf32, #tpu.memory_space<vmem_shared>>) offsets(%dma_start3A_104 : memref<128xi32, #tpu.memory_space<vmem>>) semaphore(%run_scoped3A_101 : memref<!tpu.dma_semaphore, #tpu.memory_space<semaphore_mem>>) {add = true}
      %dma_wait3A_107 = arith.constant 0 : i32
      %dma_wait3A_108 = tpu.memref_slice %arg6[%run_scoped3A_90, %dma_wait3A_107] : memref<2x128xi32, #tpu.memory_space<vmem>> -> memref<1x128xi32, #tpu.memory_space<vmem>>
      %dma_wait3A_109 = tpu.memref_squeeze %dma_wait3A_108 : memref<1x128xi32, #tpu.memory_space<vmem>> -> memref<128xi32, #tpu.memory_space<vmem>>
      %dma_wait3A_110 = arith.constant 0 : i32
      %dma_wait3A_111 = tpu.memref_slice %arg10[%dma_wait3A_110] : memref<10240xf32, #tpu.memory_space<vmem_shared>> -> memref<10240xf32, #tpu.memory_space<vmem_shared>>
      tpu.wait_indirect_dma semaphore(%run_scoped3A_101 : memref<!tpu.dma_semaphore, #tpu.memory_space<semaphore_mem>>) src(%arg9 : memref<128xf32, #tpu.memory_space<vmem>>) dst(%dma_wait3A_111 : memref<10240xf32, #tpu.memory_space<vmem_shared>>)
      tpu.yield
    }) : () -> ()
    %lt3A = arith.constant 4 : i32
    %lt3A_91 = arith.cmpi slt, %add3A, %lt3A : i32
    %convert_element_type3A = arith.extui %lt3A_91 : i1 to i32
    %cond3A = arith.constant 0 : i32
    %cond3A_92 = arith.cmpi ne, %convert_element_type3A, %cond3A : i32
    scf.if %cond3A_92 {
      %add3A_101 = arith.constant 2496 : i32
      %add3A_102 = arith.addi %add3A_101, %add3A : i32
      %mul3A_103 = arith.constant 128 : i32
      %mul3A_104 = arith.muli %add3A_102, %mul3A_103 : i32
      "tpu.region"() ({
        %run_scoped3A_106 = tpu.sem_alloc : memref<!tpu.dma_semaphore, #tpu.memory_space<semaphore_mem>>
        %dma_start3A_107 = arith.constant 0 : i32
        %dma_start3A_108 = tpu.memref_slice %arg2[%dma_start3A_107, %mul3A_104] : memref<2x320000xi32, #tpu.memory_space<hbm>> -> memref<2x128xi32, #tpu.memory_space<hbm>>
        %dma_start3A_109 = arith.constant 0 : i32
        %dma_start3A_110 = tpu.memref_slice %arg2[%dma_start3A_109, %mul3A_104] : memref<2x320000xi32, #tpu.memory_space<hbm>> -> memref<2x128xi32, #tpu.memory_space<hbm>>
        tpu.enqueue_dma source(%dma_start3A_110 : memref<2x128xi32, #tpu.memory_space<hbm>>) target(%arg5 : memref<2x128xi32, #tpu.memory_space<vmem>>) target_semaphore(%run_scoped3A_106 : memref<!tpu.dma_semaphore, #tpu.memory_space<semaphore_mem>>)
        %dma_wait3A_111 = arith.constant 0 : i32
        %dma_wait3A_112 = tpu.memref_slice %arg2[%dma_wait3A_111, %mul3A_104] : memref<2x320000xi32, #tpu.memory_space<hbm>> -> memref<2x128xi32, #tpu.memory_space<hbm>>
        %dma_wait3A_113 = arith.constant 0 : i32
        %dma_wait3A_114 = tpu.memref_slice %arg2[%dma_wait3A_113, %mul3A_104] : memref<2x320000xi32, #tpu.memory_space<hbm>> -> memref<2x128xi32, #tpu.memory_space<hbm>>
        tpu.wait_dma2 semaphore(%run_scoped3A_106 : memref<!tpu.dma_semaphore, #tpu.memory_space<semaphore_mem>>) src(%dma_wait3A_114 : memref<2x128xi32, #tpu.memory_space<hbm>>) dst(%arg5 : memref<2x128xi32, #tpu.memory_space<vmem>>)
        tpu.yield
      }) : () -> ()
      %run_scoped3A_105 = arith.constant 1 : i32
      "tpu.region"() ({
        %run_scoped3A_106 = tpu.sem_alloc : memref<!tpu.dma_semaphore, #tpu.memory_space<semaphore_mem>>
        %dma_start3A_107 = arith.constant 0 : i32
        %dma_start3A_108 = tpu.memref_slice %arg5[%run_scoped3A_105, %dma_start3A_107] : memref<2x128xi32, #tpu.memory_space<vmem>> -> memref<1x128xi32, #tpu.memory_space<vmem>>
        %dma_start3A_109 = tpu.memref_squeeze %dma_start3A_108 : memref<1x128xi32, #tpu.memory_space<vmem>> -> memref<128xi32, #tpu.memory_space<vmem>>
        %dma_start3A_110 = arith.constant 0 : i32
        %dma_start3A_111 = tpu.memref_slice %arg10[%dma_start3A_110] : memref<10240xf32, #tpu.memory_space<vmem_shared>> -> memref<10240xf32, #tpu.memory_space<vmem_shared>>
        tpu.enqueue_indirect_dma source(%arg9 : memref<128xf32, #tpu.memory_space<vmem>>) target(%dma_start3A_111 : memref<10240xf32, #tpu.memory_space<vmem_shared>>) offsets(%dma_start3A_109 : memref<128xi32, #tpu.memory_space<vmem>>) semaphore(%run_scoped3A_106 : memref<!tpu.dma_semaphore, #tpu.memory_space<semaphore_mem>>) {add = true}
        %dma_wait3A_112 = arith.constant 0 : i32
        %dma_wait3A_113 = tpu.memref_slice %arg5[%run_scoped3A_105, %dma_wait3A_112] : memref<2x128xi32, #tpu.memory_space<vmem>> -> memref<1x128xi32, #tpu.memory_space<vmem>>
        %dma_wait3A_114 = tpu.memref_squeeze %dma_wait3A_113 : memref<1x128xi32, #tpu.memory_space<vmem>> -> memref<128xi32, #tpu.memory_space<vmem>>
        %dma_wait3A_115 = arith.constant 0 : i32
        %dma_wait3A_116 = tpu.memref_slice %arg10[%dma_wait3A_115] : memref<10240xf32, #tpu.memory_space<vmem_shared>> -> memref<10240xf32, #tpu.memory_space<vmem_shared>>
        tpu.wait_indirect_dma semaphore(%run_scoped3A_106 : memref<!tpu.dma_semaphore, #tpu.memory_space<semaphore_mem>>) src(%arg9 : memref<128xf32, #tpu.memory_space<vmem>>) dst(%dma_wait3A_116 : memref<10240xf32, #tpu.memory_space<vmem_shared>>)
        tpu.yield
      }) : () -> ()
    } else {
    }
    %barrier3A_93 = arith.constant 0 : index
    tpu.barrier barrier_id(%barrier3A_93)
    %mul3A_94 = arith.constant 640 : i32
    %mul3A_95 = arith.muli %arg1, %mul3A_94 : i32
    %mul3A_96 = arith.constant 10240 : i32
    %mul3A_97 = arith.muli %arg0, %mul3A_96 : i32
    %mul3A_98 = arith.constant 640 : i32
    %mul3A_99 = arith.muli %arg1, %mul3A_98 : i32
    %add3A_100 = arith.addi %mul3A_97, %mul3A_99 : i32
    "tpu.region"() ({
      %run_scoped3A_101 = tpu.sem_alloc : memref<!tpu.dma_semaphore, #tpu.memory_space<semaphore_mem>>
      %dma_start3A_102 = tpu.memref_slice %arg4[%add3A_100] : memref<20480xf32, #tpu.memory_space<hbm>> -> memref<640xf32, #tpu.memory_space<hbm>>
      %dma_start3A_103 = tpu.memref_slice %arg10[%mul3A_95] : memref<10240xf32, #tpu.memory_space<vmem_shared>> -> memref<640xf32, #tpu.memory_space<vmem_shared>>
      tpu.enqueue_dma source(%dma_start3A_103 : memref<640xf32, #tpu.memory_space<vmem_shared>>) target(%dma_start3A_102 : memref<640xf32, #tpu.memory_space<hbm>>) target_semaphore(%run_scoped3A_101 : memref<!tpu.dma_semaphore, #tpu.memory_space<semaphore_mem>>)
      %dma_wait3A_104 = tpu.memref_slice %arg4[%add3A_100] : memref<20480xf32, #tpu.memory_space<hbm>> -> memref<640xf32, #tpu.memory_space<hbm>>
      %dma_wait3A_105 = tpu.memref_slice %arg10[%mul3A_95] : memref<10240xf32, #tpu.memory_space<vmem_shared>> -> memref<640xf32, #tpu.memory_space<vmem_shared>>
      tpu.wait_dma2 semaphore(%run_scoped3A_101 : memref<!tpu.dma_semaphore, #tpu.memory_space<semaphore_mem>>) src(%dma_wait3A_105 : memref<640xf32, #tpu.memory_space<vmem_shared>>) dst(%dma_wait3A_104 : memref<640xf32, #tpu.memory_space<hbm>>)
      tpu.yield
    }) : () -> ()
    return
  }
}

#map = affine_map<(d0, d1) -> (0, 0)>
#map1 = affine_map<(d0, d1) -> (0, 0, 0)>
module attributes {stable_mosaic.version = 14 : i64} {
  func.func @_scatter_body(%arg0: i32, %arg1: i32, %arg2: memref<10000x128xf32, #tpu.memory_space<hbm>>, %arg3: memref<2x320000xi32, #tpu.memory_space<hbm>>, %arg4: memref<640x128xf32, #tpu.memory_space<hbm>>, %arg5: memref<2x10240x128xf32, #tpu.memory_space<hbm>>, %arg6: memref<9984xi32, #tpu.memory_space<vmem>>, %arg7: memref<2x128xi32, #tpu.memory_space<vmem>>, %arg8: memref<2x128xi32, #tpu.memory_space<vmem>>, %arg9: memref<128x128xf32, #tpu.memory_space<vmem>>, %arg10: memref<128x128xf32, #tpu.memory_space<vmem>>, %arg11: memref<10240x128xf32, #tpu.memory_space<vmem_shared>>, %arg12: memref<!tpu.dma_semaphore, #tpu.memory_space<semaphore_mem>>, %arg13: memref<!tpu.dma_semaphore, #tpu.memory_space<semaphore_mem>>, %arg14: memref<!tpu.dma_semaphore, #tpu.memory_space<semaphore_mem>>, %arg15: memref<!tpu.dma_semaphore, #tpu.memory_space<semaphore_mem>>) attributes {dimension_semantics = [#tpu.dimension_semantics<core_parallel>, #tpu.dimension_semantics<subcore_parallel>], iteration_bounds = array<i64: 2, 16>, scalar_prefetch = 0 : i64, scratch_operands = 10 : i64, tpu.core_type = #tpu.core_type<sc_vector_subcore>, window_params = [{transform_indices = #map}, {transform_indices = #map}, {transform_indices = #map}, {transform_indices = #map1}]} {
    %mul3A = arith.constant 2 : i32
    %mul3A_0 = arith.muli %arg1, %mul3A : i32
    %add3A = arith.addi %mul3A_0, %arg0 : i32
    %mul3A_1 = arith.constant 78 : i32
    %mul3A_2 = arith.muli %add3A, %mul3A_1 : i32
    %mul3A_3 = arith.constant 128 : i32
    %mul3A_4 = arith.muli %mul3A_2, %mul3A_3 : i32
    %eq3A = arith.constant 0 : i32
    %eq3A_5 = arith.cmpi eq, %arg0, %eq3A : i32
    %lt3A = arith.constant 15 : i32
    %lt3A_6 = arith.cmpi slt, %arg1, %lt3A : i32
    %and3A = arith.andi %eq3A_5, %lt3A_6 : i1
    %convert_element_type3A = arith.extui %and3A : i1 to i32
    %cond3A = arith.constant 0 : i32
    %cond3A_7 = arith.cmpi ne, %convert_element_type3A, %cond3A : i32
    scf.if %cond3A_7 {
      %mul3A_44 = arith.constant 640 : i32
      %mul3A_45 = arith.muli %arg1, %mul3A_44 : i32
      %mul3A_46 = arith.constant 640 : i32
      %mul3A_47 = arith.muli %arg1, %mul3A_46 : i32
      "tpu.region"() ({
        %run_scoped3A_48 = tpu.sem_alloc : memref<!tpu.dma_semaphore, #tpu.memory_space<semaphore_mem>>
        %dma_start3A_49 = arith.constant 0 : i32
        %dma_start3A_50 = tpu.memref_slice %arg11[%mul3A_47, %dma_start3A_49] : memref<10240x128xf32, #tpu.memory_space<vmem_shared>> -> memref<640x128xf32, #tpu.memory_space<vmem_shared>>
        %dma_start3A_51 = arith.constant 0 : i32
        %dma_start3A_52 = tpu.memref_slice %arg2[%mul3A_45, %dma_start3A_51] : memref<10000x128xf32, #tpu.memory_space<hbm>> -> memref<640x128xf32, #tpu.memory_space<hbm>>
        tpu.enqueue_dma source(%dma_start3A_52 : memref<640x128xf32, #tpu.memory_space<hbm>>) target(%dma_start3A_50 : memref<640x128xf32, #tpu.memory_space<vmem_shared>>) target_semaphore(%run_scoped3A_48 : memref<!tpu.dma_semaphore, #tpu.memory_space<semaphore_mem>>)
        %dma_wait3A = arith.constant 0 : i32
        %dma_wait3A_53 = tpu.memref_slice %arg11[%mul3A_47, %dma_wait3A] : memref<10240x128xf32, #tpu.memory_space<vmem_shared>> -> memref<640x128xf32, #tpu.memory_space<vmem_shared>>
        %dma_wait3A_54 = arith.constant 0 : i32
        %dma_wait3A_55 = tpu.memref_slice %arg2[%mul3A_45, %dma_wait3A_54] : memref<10000x128xf32, #tpu.memory_space<hbm>> -> memref<640x128xf32, #tpu.memory_space<hbm>>
        tpu.wait_dma2 semaphore(%run_scoped3A_48 : memref<!tpu.dma_semaphore, #tpu.memory_space<semaphore_mem>>) src(%dma_wait3A_55 : memref<640x128xf32, #tpu.memory_space<hbm>>) dst(%dma_wait3A_53 : memref<640x128xf32, #tpu.memory_space<vmem_shared>>)
        tpu.yield
      }) : () -> ()
    } else {
    }
    %eq3A_8 = arith.constant 0 : i32
    %eq3A_9 = arith.cmpi eq, %arg0, %eq3A_8 : i32
    %eq3A_10 = arith.constant 15 : i32
    %eq3A_11 = arith.cmpi eq, %arg1, %eq3A_10 : i32
    %and3A_12 = arith.andi %eq3A_9, %eq3A_11 : i1
    %convert_element_type3A_13 = arith.extui %and3A_12 : i1 to i32
    %cond3A_14 = arith.constant 0 : i32
    %cond3A_15 = arith.cmpi ne, %convert_element_type3A_13, %cond3A_14 : i32
    scf.if %cond3A_15 {
      "tpu.region"() ({
        %run_scoped3A_44 = tpu.sem_alloc : memref<!tpu.dma_semaphore, #tpu.memory_space<semaphore_mem>>
        %dma_start3A_45 = arith.constant 9600 : i32
        %dma_start3A_46 = arith.constant 0 : i32
        %dma_start3A_47 = tpu.memref_slice %arg11[%dma_start3A_45, %dma_start3A_46] : memref<10240x128xf32, #tpu.memory_space<vmem_shared>> -> memref<400x128xf32, #tpu.memory_space<vmem_shared>>
        %dma_start3A_48 = arith.constant 9600 : i32
        %dma_start3A_49 = arith.constant 0 : i32
        %dma_start3A_50 = tpu.memref_slice %arg2[%dma_start3A_48, %dma_start3A_49] : memref<10000x128xf32, #tpu.memory_space<hbm>> -> memref<400x128xf32, #tpu.memory_space<hbm>>
        tpu.enqueue_dma source(%dma_start3A_50 : memref<400x128xf32, #tpu.memory_space<hbm>>) target(%dma_start3A_47 : memref<400x128xf32, #tpu.memory_space<vmem_shared>>) target_semaphore(%run_scoped3A_44 : memref<!tpu.dma_semaphore, #tpu.memory_space<semaphore_mem>>)
        %dma_wait3A = arith.constant 9600 : i32
        %dma_wait3A_51 = arith.constant 0 : i32
        %dma_wait3A_52 = tpu.memref_slice %arg11[%dma_wait3A, %dma_wait3A_51] : memref<10240x128xf32, #tpu.memory_space<vmem_shared>> -> memref<400x128xf32, #tpu.memory_space<vmem_shared>>
        %dma_wait3A_53 = arith.constant 9600 : i32
        %dma_wait3A_54 = arith.constant 0 : i32
        %dma_wait3A_55 = tpu.memref_slice %arg2[%dma_wait3A_53, %dma_wait3A_54] : memref<10000x128xf32, #tpu.memory_space<hbm>> -> memref<400x128xf32, #tpu.memory_space<hbm>>
        tpu.wait_dma2 semaphore(%run_scoped3A_44 : memref<!tpu.dma_semaphore, #tpu.memory_space<semaphore_mem>>) src(%dma_wait3A_55 : memref<400x128xf32, #tpu.memory_space<hbm>>) dst(%dma_wait3A_52 : memref<400x128xf32, #tpu.memory_space<vmem_shared>>)
        tpu.yield
      }) : () -> ()
    } else {
    }
    %eq3A_16 = arith.constant 1 : i32
    %eq3A_17 = arith.cmpi eq, %arg0, %eq3A_16 : i32
    %convert_element_type3A_18 = arith.extui %eq3A_17 : i1 to i32
    %cond3A_19 = arith.constant 0 : i32
    %cond3A_20 = arith.cmpi ne, %convert_element_type3A_18, %cond3A_19 : i32
    scf.if %cond3A_20 {
      %mul3A_44 = arith.constant 640 : i32
      %mul3A_45 = arith.muli %arg1, %mul3A_44 : i32
      "tpu.region"() ({
        %run_scoped3A_46 = tpu.sem_alloc : memref<!tpu.dma_semaphore, #tpu.memory_space<semaphore_mem>>
        %dma_start3A_47 = arith.constant 0 : i32
        %dma_start3A_48 = tpu.memref_slice %arg11[%mul3A_45, %dma_start3A_47] : memref<10240x128xf32, #tpu.memory_space<vmem_shared>> -> memref<640x128xf32, #tpu.memory_space<vmem_shared>>
        tpu.enqueue_dma source(%arg4 : memref<640x128xf32, #tpu.memory_space<hbm>>) target(%dma_start3A_48 : memref<640x128xf32, #tpu.memory_space<vmem_shared>>) target_semaphore(%run_scoped3A_46 : memref<!tpu.dma_semaphore, #tpu.memory_space<semaphore_mem>>)
        %dma_wait3A = arith.constant 0 : i32
        %dma_wait3A_49 = tpu.memref_slice %arg11[%mul3A_45, %dma_wait3A] : memref<10240x128xf32, #tpu.memory_space<vmem_shared>> -> memref<640x128xf32, #tpu.memory_space<vmem_shared>>
        tpu.wait_dma2 semaphore(%run_scoped3A_46 : memref<!tpu.dma_semaphore, #tpu.memory_space<semaphore_mem>>) src(%arg4 : memref<640x128xf32, #tpu.memory_space<hbm>>) dst(%dma_wait3A_49 : memref<640x128xf32, #tpu.memory_space<vmem_shared>>)
        tpu.yield
      }) : () -> ()
    } else {
    }
    %run_scoped3A = arith.constant 0 : i32
    "tpu.region"() ({
      %run_scoped3A_44 = tpu.sem_alloc : memref<!tpu.dma_semaphore, #tpu.memory_space<semaphore_mem>>
      %dma_start3A_45 = tpu.memref_slice %arg3[%run_scoped3A, %mul3A_4] : memref<2x320000xi32, #tpu.memory_space<hbm>> -> memref<1x9984xi32, #tpu.memory_space<hbm>>
      %dma_start3A_46 = tpu.memref_squeeze %dma_start3A_45 : memref<1x9984xi32, #tpu.memory_space<hbm>> -> memref<9984xi32, #tpu.memory_space<hbm>>
      %dma_start3A_47 = tpu.memref_slice %arg3[%run_scoped3A, %mul3A_4] : memref<2x320000xi32, #tpu.memory_space<hbm>> -> memref<1x9984xi32, #tpu.memory_space<hbm>>
      %dma_start3A_48 = tpu.memref_squeeze %dma_start3A_47 : memref<1x9984xi32, #tpu.memory_space<hbm>> -> memref<9984xi32, #tpu.memory_space<hbm>>
      tpu.enqueue_dma source(%dma_start3A_48 : memref<9984xi32, #tpu.memory_space<hbm>>) target(%arg6 : memref<9984xi32, #tpu.memory_space<vmem>>) target_semaphore(%run_scoped3A_44 : memref<!tpu.dma_semaphore, #tpu.memory_space<semaphore_mem>>)
      %dma_wait3A = tpu.memref_slice %arg3[%run_scoped3A, %mul3A_4] : memref<2x320000xi32, #tpu.memory_space<hbm>> -> memref<1x9984xi32, #tpu.memory_space<hbm>>
      %dma_wait3A_49 = tpu.memref_squeeze %dma_wait3A : memref<1x9984xi32, #tpu.memory_space<hbm>> -> memref<9984xi32, #tpu.memory_space<hbm>>
      %dma_wait3A_50 = tpu.memref_slice %arg3[%run_scoped3A, %mul3A_4] : memref<2x320000xi32, #tpu.memory_space<hbm>> -> memref<1x9984xi32, #tpu.memory_space<hbm>>
      %dma_wait3A_51 = tpu.memref_squeeze %dma_wait3A_50 : memref<1x9984xi32, #tpu.memory_space<hbm>> -> memref<9984xi32, #tpu.memory_space<hbm>>
      tpu.wait_dma2 semaphore(%run_scoped3A_44 : memref<!tpu.dma_semaphore, #tpu.memory_space<semaphore_mem>>) src(%dma_wait3A_51 : memref<9984xi32, #tpu.memory_space<hbm>>) dst(%arg6 : memref<9984xi32, #tpu.memory_space<vmem>>)
      tpu.yield
    }) : () -> ()
    %barrier3A = arith.constant 0 : index
    tpu.barrier barrier_id(%barrier3A)
    %dma_start3A = arith.constant 0 : i32
    %dma_start3A_21 = tpu.memref_slice %arg3[%dma_start3A, %mul3A_4] : memref<2x320000xi32, #tpu.memory_space<hbm>> -> memref<2x128xi32, #tpu.memory_space<hbm>>
    %dma_start3A_22 = arith.constant 0 : i32
    %dma_start3A_23 = tpu.memref_slice %arg3[%dma_start3A_22, %mul3A_4] : memref<2x320000xi32, #tpu.memory_space<hbm>> -> memref<2x128xi32, #tpu.memory_space<hbm>>
    tpu.enqueue_dma source(%dma_start3A_23 : memref<2x128xi32, #tpu.memory_space<hbm>>) target(%arg7 : memref<2x128xi32, #tpu.memory_space<vmem>>) target_semaphore(%arg14 : memref<!tpu.dma_semaphore, #tpu.memory_space<semaphore_mem>>)
    %dma_start3A_24 = arith.constant 0 : i32
    %dma_start3A_25 = tpu.memref_slice %arg6[%dma_start3A_24] : memref<9984xi32, #tpu.memory_space<vmem>> -> memref<128xi32, #tpu.memory_space<vmem>>
    %dma_start3A_26 = arith.constant 0 : i32
    %dma_start3A_27 = arith.constant 0 : i32
    %dma_start3A_28 = tpu.memref_slice %arg2[%dma_start3A_26, %dma_start3A_27] : memref<10000x128xf32, #tpu.memory_space<hbm>> -> memref<10000x128xf32, #tpu.memory_space<hbm>>
    tpu.enqueue_indirect_dma source(%dma_start3A_28 : memref<10000x128xf32, #tpu.memory_space<hbm>>) target(%arg9 : memref<128x128xf32, #tpu.memory_space<vmem>>) offsets(%dma_start3A_25 : memref<128xi32, #tpu.memory_space<vmem>>) semaphore(%arg12 : memref<!tpu.dma_semaphore, #tpu.memory_space<semaphore_mem>>)
    %scan3A = arith.constant 0 : i32
    %scan3A_29 = arith.constant 0 : i32
    %scan3A_30 = arith.constant 39 : i32
    %scan3A_31 = arith.addi %scan3A_29, %scan3A_30 : i32
    %scan3A_32 = arith.constant 1 : i32
    scf.for %scan3A_44 = %scan3A_29 to %scan3A_31 step %scan3A_32  : i32 {
      %mul3A_45 = arith.constant 2 : i32
      %mul3A_46 = arith.muli %mul3A_45, %scan3A_44 : i32
      %add3A_47 = arith.constant 1 : i32
      %add3A_48 = arith.addi %mul3A_46, %add3A_47 : i32
      %mul3A_49 = arith.constant 128 : i32
      %mul3A_50 = arith.muli %add3A_48, %mul3A_49 : i32
      %add3A_51 = arith.addi %mul3A_4, %mul3A_50 : i32
      %dma_start3A_52 = arith.constant 0 : i32
      %dma_start3A_53 = tpu.memref_slice %arg3[%dma_start3A_52, %add3A_51] : memref<2x320000xi32, #tpu.memory_space<hbm>> -> memref<2x128xi32, #tpu.memory_space<hbm>>
      %dma_start3A_54 = arith.constant 0 : i32
      %dma_start3A_55 = tpu.memref_slice %arg3[%dma_start3A_54, %add3A_51] : memref<2x320000xi32, #tpu.memory_space<hbm>> -> memref<2x128xi32, #tpu.memory_space<hbm>>
      tpu.enqueue_dma source(%dma_start3A_55 : memref<2x128xi32, #tpu.memory_space<hbm>>) target(%arg8 : memref<2x128xi32, #tpu.memory_space<vmem>>) target_semaphore(%arg15 : memref<!tpu.dma_semaphore, #tpu.memory_space<semaphore_mem>>)
      %mul3A_56 = arith.constant 128 : i32
      %mul3A_57 = arith.muli %add3A_48, %mul3A_56 : i32
      %dma_start3A_58 = tpu.memref_slice %arg6[%mul3A_57] : memref<9984xi32, #tpu.memory_space<vmem>> -> memref<128xi32, #tpu.memory_space<vmem>>
      %dma_start3A_59 = arith.constant 0 : i32
      %dma_start3A_60 = arith.constant 0 : i32
      %dma_start3A_61 = tpu.memref_slice %arg2[%dma_start3A_59, %dma_start3A_60] : memref<10000x128xf32, #tpu.memory_space<hbm>> -> memref<10000x128xf32, #tpu.memory_space<hbm>>
      tpu.enqueue_indirect_dma source(%dma_start3A_61 : memref<10000x128xf32, #tpu.memory_space<hbm>>) target(%arg10 : memref<128x128xf32, #tpu.memory_space<vmem>>) offsets(%dma_start3A_58 : memref<128xi32, #tpu.memory_space<vmem>>) semaphore(%arg13 : memref<!tpu.dma_semaphore, #tpu.memory_space<semaphore_mem>>)
      %dma_wait3A = arith.constant 0 : i32
      %dma_wait3A_62 = arith.constant 0 : i32
      %dma_wait3A_63 = tpu.memref_slice %arg2[%dma_wait3A, %dma_wait3A_62] : memref<10000x128xf32, #tpu.memory_space<hbm>> -> memref<128x128xf32, #tpu.memory_space<hbm>>
      %dma_wait3A_64 = arith.constant 0 : i32
      %dma_wait3A_65 = arith.constant 0 : i32
      %dma_wait3A_66 = tpu.memref_slice %arg2[%dma_wait3A_64, %dma_wait3A_65] : memref<10000x128xf32, #tpu.memory_space<hbm>> -> memref<128x128xf32, #tpu.memory_space<hbm>>
      tpu.wait_dma2 semaphore(%arg12 : memref<!tpu.dma_semaphore, #tpu.memory_space<semaphore_mem>>) src(%dma_wait3A_66 : memref<128x128xf32, #tpu.memory_space<hbm>>) dst(%arg9 : memref<128x128xf32, #tpu.memory_space<vmem>>)
      %dma_wait3A_67 = arith.constant 0 : i32
      %dma_wait3A_68 = arith.constant 0 : i32
      %dma_wait3A_69 = tpu.memref_slice %arg3[%dma_wait3A_67, %dma_wait3A_68] : memref<2x320000xi32, #tpu.memory_space<hbm>> -> memref<2x128xi32, #tpu.memory_space<hbm>>
      %dma_wait3A_70 = arith.constant 0 : i32
      %dma_wait3A_71 = arith.constant 0 : i32
      %dma_wait3A_72 = tpu.memref_slice %arg3[%dma_wait3A_70, %dma_wait3A_71] : memref<2x320000xi32, #tpu.memory_space<hbm>> -> memref<2x128xi32, #tpu.memory_space<hbm>>
      tpu.wait_dma2 semaphore(%arg14 : memref<!tpu.dma_semaphore, #tpu.memory_space<semaphore_mem>>) src(%dma_wait3A_72 : memref<2x128xi32, #tpu.memory_space<hbm>>) dst(%arg7 : memref<2x128xi32, #tpu.memory_space<vmem>>)
      %run_scoped3A_73 = arith.constant 1 : i32
      "tpu.region"() ({
        %run_scoped3A_96 = tpu.sem_alloc : memref<!tpu.dma_semaphore, #tpu.memory_space<semaphore_mem>>
        %dma_start3A_97 = arith.constant 0 : i32
        %dma_start3A_98 = tpu.memref_slice %arg7[%run_scoped3A_73, %dma_start3A_97] : memref<2x128xi32, #tpu.memory_space<vmem>> -> memref<1x128xi32, #tpu.memory_space<vmem>>
        %dma_start3A_99 = tpu.memref_squeeze %dma_start3A_98 : memref<1x128xi32, #tpu.memory_space<vmem>> -> memref<128xi32, #tpu.memory_space<vmem>>
        %dma_start3A_100 = arith.constant 0 : i32
        %dma_start3A_101 = arith.constant 0 : i32
        %dma_start3A_102 = tpu.memref_slice %arg11[%dma_start3A_100, %dma_start3A_101] : memref<10240x128xf32, #tpu.memory_space<vmem_shared>> -> memref<10240x128xf32, #tpu.memory_space<vmem_shared>>
        tpu.enqueue_indirect_dma source(%arg9 : memref<128x128xf32, #tpu.memory_space<vmem>>) target(%dma_start3A_102 : memref<10240x128xf32, #tpu.memory_space<vmem_shared>>) offsets(%dma_start3A_99 : memref<128xi32, #tpu.memory_space<vmem>>) semaphore(%run_scoped3A_96 : memref<!tpu.dma_semaphore, #tpu.memory_space<semaphore_mem>>) {add = true}
        %dma_wait3A_103 = arith.constant 0 : i32
        %dma_wait3A_104 = tpu.memref_slice %arg7[%run_scoped3A_73, %dma_wait3A_103] : memref<2x128xi32, #tpu.memory_space<vmem>> -> memref<1x128xi32, #tpu.memory_space<vmem>>
        %dma_wait3A_105 = tpu.memref_squeeze %dma_wait3A_104 : memref<1x128xi32, #tpu.memory_space<vmem>> -> memref<128xi32, #tpu.memory_space<vmem>>
        %dma_wait3A_106 = arith.constant 0 : i32
        %dma_wait3A_107 = arith.constant 0 : i32
        %dma_wait3A_108 = tpu.memref_slice %arg11[%dma_wait3A_106, %dma_wait3A_107] : memref<10240x128xf32, #tpu.memory_space<vmem_shared>> -> memref<10240x128xf32, #tpu.memory_space<vmem_shared>>
        tpu.wait_indirect_dma semaphore(%run_scoped3A_96 : memref<!tpu.dma_semaphore, #tpu.memory_space<semaphore_mem>>) src(%arg9 : memref<128x128xf32, #tpu.memory_space<vmem>>) dst(%dma_wait3A_108 : memref<10240x128xf32, #tpu.memory_space<vmem_shared>>)
        tpu.yield
      }) : () -> ()
      %mul3A_74 = arith.constant 2 : i32
      %mul3A_75 = arith.muli %mul3A_74, %scan3A_44 : i32
      %add3A_76 = arith.constant 2 : i32
      %add3A_77 = arith.addi %mul3A_75, %add3A_76 : i32
      %lt3A_78 = arith.constant 78 : i32
      %lt3A_79 = arith.cmpi slt, %add3A_77, %lt3A_78 : i32
      %convert_element_type3A_80 = arith.extui %lt3A_79 : i1 to i32
      %cond3A_81 = arith.constant 0 : i32
      %cond3A_82 = arith.cmpi ne, %convert_element_type3A_80, %cond3A_81 : i32
      scf.if %cond3A_82 {
        %mul3A_96 = arith.constant 2 : i32
        %mul3A_97 = arith.muli %mul3A_96, %scan3A_44 : i32
        %add3A_98 = arith.constant 2 : i32
        %add3A_99 = arith.addi %mul3A_97, %add3A_98 : i32
        %mul3A_100 = arith.constant 128 : i32
        %mul3A_101 = arith.muli %add3A_99, %mul3A_100 : i32
        %add3A_102 = arith.addi %mul3A_4, %mul3A_101 : i32
        %dma_start3A_103 = arith.constant 0 : i32
        %dma_start3A_104 = tpu.memref_slice %arg3[%dma_start3A_103, %add3A_102] : memref<2x320000xi32, #tpu.memory_space<hbm>> -> memref<2x128xi32, #tpu.memory_space<hbm>>
        %dma_start3A_105 = arith.constant 0 : i32
        %dma_start3A_106 = tpu.memref_slice %arg3[%dma_start3A_105, %add3A_102] : memref<2x320000xi32, #tpu.memory_space<hbm>> -> memref<2x128xi32, #tpu.memory_space<hbm>>
        tpu.enqueue_dma source(%dma_start3A_106 : memref<2x128xi32, #tpu.memory_space<hbm>>) target(%arg7 : memref<2x128xi32, #tpu.memory_space<vmem>>) target_semaphore(%arg14 : memref<!tpu.dma_semaphore, #tpu.memory_space<semaphore_mem>>)
        %mul3A_107 = arith.constant 2 : i32
        %mul3A_108 = arith.muli %mul3A_107, %scan3A_44 : i32
        %add3A_109 = arith.constant 2 : i32
        %add3A_110 = arith.addi %mul3A_108, %add3A_109 : i32
        %mul3A_111 = arith.constant 128 : i32
        %mul3A_112 = arith.muli %add3A_110, %mul3A_111 : i32
        %dma_start3A_113 = tpu.memref_slice %arg6[%mul3A_112] : memref<9984xi32, #tpu.memory_space<vmem>> -> memref<128xi32, #tpu.memory_space<vmem>>
        %dma_start3A_114 = arith.constant 0 : i32
        %dma_start3A_115 = arith.constant 0 : i32
        %dma_start3A_116 = tpu.memref_slice %arg2[%dma_start3A_114, %dma_start3A_115] : memref<10000x128xf32, #tpu.memory_space<hbm>> -> memref<10000x128xf32, #tpu.memory_space<hbm>>
        tpu.enqueue_indirect_dma source(%dma_start3A_116 : memref<10000x128xf32, #tpu.memory_space<hbm>>) target(%arg9 : memref<128x128xf32, #tpu.memory_space<vmem>>) offsets(%dma_start3A_113 : memref<128xi32, #tpu.memory_space<vmem>>) semaphore(%arg12 : memref<!tpu.dma_semaphore, #tpu.memory_space<semaphore_mem>>)
      } else {
      }
      %dma_wait3A_83 = arith.constant 0 : i32
      %dma_wait3A_84 = arith.constant 0 : i32
      %dma_wait3A_85 = tpu.memref_slice %arg2[%dma_wait3A_83, %dma_wait3A_84] : memref<10000x128xf32, #tpu.memory_space<hbm>> -> memref<128x128xf32, #tpu.memory_space<hbm>>
      %dma_wait3A_86 = arith.constant 0 : i32
      %dma_wait3A_87 = arith.constant 0 : i32
      %dma_wait3A_88 = tpu.memref_slice %arg2[%dma_wait3A_86, %dma_wait3A_87] : memref<10000x128xf32, #tpu.memory_space<hbm>> -> memref<128x128xf32, #tpu.memory_space<hbm>>
      tpu.wait_dma2 semaphore(%arg13 : memref<!tpu.dma_semaphore, #tpu.memory_space<semaphore_mem>>) src(%dma_wait3A_88 : memref<128x128xf32, #tpu.memory_space<hbm>>) dst(%arg10 : memref<128x128xf32, #tpu.memory_space<vmem>>)
      %dma_wait3A_89 = arith.constant 0 : i32
      %dma_wait3A_90 = arith.constant 0 : i32
      %dma_wait3A_91 = tpu.memref_slice %arg3[%dma_wait3A_89, %dma_wait3A_90] : memref<2x320000xi32, #tpu.memory_space<hbm>> -> memref<2x128xi32, #tpu.memory_space<hbm>>
      %dma_wait3A_92 = arith.constant 0 : i32
      %dma_wait3A_93 = arith.constant 0 : i32
      %dma_wait3A_94 = tpu.memref_slice %arg3[%dma_wait3A_92, %dma_wait3A_93] : memref<2x320000xi32, #tpu.memory_space<hbm>> -> memref<2x128xi32, #tpu.memory_space<hbm>>
      tpu.wait_dma2 semaphore(%arg15 : memref<!tpu.dma_semaphore, #tpu.memory_space<semaphore_mem>>) src(%dma_wait3A_94 : memref<2x128xi32, #tpu.memory_space<hbm>>) dst(%arg8 : memref<2x128xi32, #tpu.memory_space<vmem>>)
      %run_scoped3A_95 = arith.constant 1 : i32
      "tpu.region"() ({
        %run_scoped3A_96 = tpu.sem_alloc : memref<!tpu.dma_semaphore, #tpu.memory_space<semaphore_mem>>
        %dma_start3A_97 = arith.constant 0 : i32
        %dma_start3A_98 = tpu.memref_slice %arg8[%run_scoped3A_95, %dma_start3A_97] : memref<2x128xi32, #tpu.memory_space<vmem>> -> memref<1x128xi32, #tpu.memory_space<vmem>>
        %dma_start3A_99 = tpu.memref_squeeze %dma_start3A_98 : memref<1x128xi32, #tpu.memory_space<vmem>> -> memref<128xi32, #tpu.memory_space<vmem>>
        %dma_start3A_100 = arith.constant 0 : i32
        %dma_start3A_101 = arith.constant 0 : i32
        %dma_start3A_102 = tpu.memref_slice %arg11[%dma_start3A_100, %dma_start3A_101] : memref<10240x128xf32, #tpu.memory_space<vmem_shared>> -> memref<10240x128xf32, #tpu.memory_space<vmem_shared>>
        tpu.enqueue_indirect_dma source(%arg10 : memref<128x128xf32, #tpu.memory_space<vmem>>) target(%dma_start3A_102 : memref<10240x128xf32, #tpu.memory_space<vmem_shared>>) offsets(%dma_start3A_99 : memref<128xi32, #tpu.memory_space<vmem>>) semaphore(%run_scoped3A_96 : memref<!tpu.dma_semaphore, #tpu.memory_space<semaphore_mem>>) {add = true}
        %dma_wait3A_103 = arith.constant 0 : i32
        %dma_wait3A_104 = tpu.memref_slice %arg8[%run_scoped3A_95, %dma_wait3A_103] : memref<2x128xi32, #tpu.memory_space<vmem>> -> memref<1x128xi32, #tpu.memory_space<vmem>>
        %dma_wait3A_105 = tpu.memref_squeeze %dma_wait3A_104 : memref<1x128xi32, #tpu.memory_space<vmem>> -> memref<128xi32, #tpu.memory_space<vmem>>
        %dma_wait3A_106 = arith.constant 0 : i32
        %dma_wait3A_107 = arith.constant 0 : i32
        %dma_wait3A_108 = tpu.memref_slice %arg11[%dma_wait3A_106, %dma_wait3A_107] : memref<10240x128xf32, #tpu.memory_space<vmem_shared>> -> memref<10240x128xf32, #tpu.memory_space<vmem_shared>>
        tpu.wait_indirect_dma semaphore(%run_scoped3A_96 : memref<!tpu.dma_semaphore, #tpu.memory_space<semaphore_mem>>) src(%arg10 : memref<128x128xf32, #tpu.memory_space<vmem>>) dst(%dma_wait3A_108 : memref<10240x128xf32, #tpu.memory_space<vmem_shared>>)
        tpu.yield
      }) : () -> ()
    }
    %scan3A_33 = arith.constant 39 : i32
    %lt3A_34 = arith.constant 4 : i32
    %lt3A_35 = arith.cmpi slt, %add3A, %lt3A_34 : i32
    %convert_element_type3A_36 = arith.extui %lt3A_35 : i1 to i32
    %cond3A_37 = arith.constant 0 : i32
    %cond3A_38 = arith.cmpi ne, %convert_element_type3A_36, %cond3A_37 : i32
    scf.if %cond3A_38 {
      %add3A_44 = arith.constant 2496 : i32
      %add3A_45 = arith.addi %add3A_44, %add3A : i32
      %mul3A_46 = arith.constant 128 : i32
      %mul3A_47 = arith.muli %add3A_45, %mul3A_46 : i32
      "tpu.region"() ({
        %run_scoped3A_61 = tpu.sem_alloc : memref<!tpu.dma_semaphore, #tpu.memory_space<semaphore_mem>>
        %dma_start3A_62 = arith.constant 0 : i32
        %dma_start3A_63 = tpu.memref_slice %arg3[%dma_start3A_62, %mul3A_47] : memref<2x320000xi32, #tpu.memory_space<hbm>> -> memref<2x128xi32, #tpu.memory_space<hbm>>
        %dma_start3A_64 = arith.constant 0 : i32
        %dma_start3A_65 = tpu.memref_slice %arg3[%dma_start3A_64, %mul3A_47] : memref<2x320000xi32, #tpu.memory_space<hbm>> -> memref<2x128xi32, #tpu.memory_space<hbm>>
        tpu.enqueue_dma source(%dma_start3A_65 : memref<2x128xi32, #tpu.memory_space<hbm>>) target(%arg7 : memref<2x128xi32, #tpu.memory_space<vmem>>) target_semaphore(%run_scoped3A_61 : memref<!tpu.dma_semaphore, #tpu.memory_space<semaphore_mem>>)
        %dma_wait3A_66 = arith.constant 0 : i32
        %dma_wait3A_67 = tpu.memref_slice %arg3[%dma_wait3A_66, %mul3A_47] : memref<2x320000xi32, #tpu.memory_space<hbm>> -> memref<2x128xi32, #tpu.memory_space<hbm>>
        %dma_wait3A_68 = arith.constant 0 : i32
        %dma_wait3A_69 = tpu.memref_slice %arg3[%dma_wait3A_68, %mul3A_47] : memref<2x320000xi32, #tpu.memory_space<hbm>> -> memref<2x128xi32, #tpu.memory_space<hbm>>
        tpu.wait_dma2 semaphore(%run_scoped3A_61 : memref<!tpu.dma_semaphore, #tpu.memory_space<semaphore_mem>>) src(%dma_wait3A_69 : memref<2x128xi32, #tpu.memory_space<hbm>>) dst(%arg7 : memref<2x128xi32, #tpu.memory_space<vmem>>)
        tpu.yield
      }) : () -> ()
      %mul3A_48 = arith.constant 128 : i32
      %mul3A_49 = arith.muli %add3A_45, %mul3A_48 : i32
      %run_scoped3A_50 = arith.constant 0 : i32
      "tpu.region"() ({
        %run_scoped3A_61 = tpu.sem_alloc : memref<!tpu.dma_semaphore, #tpu.memory_space<semaphore_mem>>
        %dma_start3A_62 = arith.constant 0 : i32
        %dma_start3A_63 = tpu.memref_slice %arg6[%dma_start3A_62] : memref<9984xi32, #tpu.memory_space<vmem>> -> memref<128xi32, #tpu.memory_space<vmem>>
        %dma_start3A_64 = tpu.memref_slice %arg3[%run_scoped3A_50, %mul3A_49] : memref<2x320000xi32, #tpu.memory_space<hbm>> -> memref<1x128xi32, #tpu.memory_space<hbm>>
        %dma_start3A_65 = tpu.memref_squeeze %dma_start3A_64 : memref<1x128xi32, #tpu.memory_space<hbm>> -> memref<128xi32, #tpu.memory_space<hbm>>
        %dma_start3A_66 = arith.constant 0 : i32
        %dma_start3A_67 = tpu.memref_slice %arg6[%dma_start3A_66] : memref<9984xi32, #tpu.memory_space<vmem>> -> memref<128xi32, #tpu.memory_space<vmem>>
        %dma_start3A_68 = tpu.memref_slice %arg3[%run_scoped3A_50, %mul3A_49] : memref<2x320000xi32, #tpu.memory_space<hbm>> -> memref<1x128xi32, #tpu.memory_space<hbm>>
        %dma_start3A_69 = tpu.memref_squeeze %dma_start3A_68 : memref<1x128xi32, #tpu.memory_space<hbm>> -> memref<128xi32, #tpu.memory_space<hbm>>
        tpu.enqueue_dma source(%dma_start3A_69 : memref<128xi32, #tpu.memory_space<hbm>>) target(%dma_start3A_67 : memref<128xi32, #tpu.memory_space<vmem>>) target_semaphore(%run_scoped3A_61 : memref<!tpu.dma_semaphore, #tpu.memory_space<semaphore_mem>>)
        %dma_wait3A_70 = arith.constant 0 : i32
        %dma_wait3A_71 = tpu.memref_slice %arg6[%dma_wait3A_70] : memref<9984xi32, #tpu.memory_space<vmem>> -> memref<128xi32, #tpu.memory_space<vmem>>
        %dma_wait3A_72 = tpu.memref_slice %arg3[%run_scoped3A_50, %mul3A_49] : memref<2x320000xi32, #tpu.memory_space<hbm>> -> memref<1x128xi32, #tpu.memory_space<hbm>>
        %dma_wait3A_73 = tpu.memref_squeeze %dma_wait3A_72 : memref<1x128xi32, #tpu.memory_space<hbm>> -> memref<128xi32, #tpu.memory_space<hbm>>
        %dma_wait3A_74 = arith.constant 0 : i32
        %dma_wait3A_75 = tpu.memref_slice %arg6[%dma_wait3A_74] : memref<9984xi32, #tpu.memory_space<vmem>> -> memref<128xi32, #tpu.memory_space<vmem>>
        %dma_wait3A_76 = tpu.memref_slice %arg3[%run_scoped3A_50, %mul3A_49] : memref<2x320000xi32, #tpu.memory_space<hbm>> -> memref<1x128xi32, #tpu.memory_space<hbm>>
        %dma_wait3A_77 = tpu.memref_squeeze %dma_wait3A_76 : memref<1x128xi32, #tpu.memory_space<hbm>> -> memref<128xi32, #tpu.memory_space<hbm>>
        tpu.wait_dma2 semaphore(%run_scoped3A_61 : memref<!tpu.dma_semaphore, #tpu.memory_space<semaphore_mem>>) src(%dma_wait3A_77 : memref<128xi32, #tpu.memory_space<hbm>>) dst(%dma_wait3A_75 : memref<128xi32, #tpu.memory_space<vmem>>)
        tpu.yield
      }) : () -> ()
      %dma_start3A_51 = arith.constant 0 : i32
      %dma_start3A_52 = tpu.memref_slice %arg6[%dma_start3A_51] : memref<9984xi32, #tpu.memory_space<vmem>> -> memref<128xi32, #tpu.memory_space<vmem>>
      %dma_start3A_53 = arith.constant 0 : i32
      %dma_start3A_54 = arith.constant 0 : i32
      %dma_start3A_55 = tpu.memref_slice %arg2[%dma_start3A_53, %dma_start3A_54] : memref<10000x128xf32, #tpu.memory_space<hbm>> -> memref<10000x128xf32, #tpu.memory_space<hbm>>
      tpu.enqueue_indirect_dma source(%dma_start3A_55 : memref<10000x128xf32, #tpu.memory_space<hbm>>) target(%arg9 : memref<128x128xf32, #tpu.memory_space<vmem>>) offsets(%dma_start3A_52 : memref<128xi32, #tpu.memory_space<vmem>>) semaphore(%arg12 : memref<!tpu.dma_semaphore, #tpu.memory_space<semaphore_mem>>)
      %dma_wait3A = arith.constant 0 : i32
      %dma_wait3A_56 = tpu.memref_slice %arg6[%dma_wait3A] : memref<9984xi32, #tpu.memory_space<vmem>> -> memref<128xi32, #tpu.memory_space<vmem>>
      %dma_wait3A_57 = arith.constant 0 : i32
      %dma_wait3A_58 = arith.constant 0 : i32
      %dma_wait3A_59 = tpu.memref_slice %arg2[%dma_wait3A_57, %dma_wait3A_58] : memref<10000x128xf32, #tpu.memory_space<hbm>> -> memref<10000x128xf32, #tpu.memory_space<hbm>>
      tpu.wait_indirect_dma semaphore(%arg12 : memref<!tpu.dma_semaphore, #tpu.memory_space<semaphore_mem>>) src(%dma_wait3A_59 : memref<10000x128xf32, #tpu.memory_space<hbm>>) dst(%arg9 : memref<128x128xf32, #tpu.memory_space<vmem>>)
      %run_scoped3A_60 = arith.constant 1 : i32
      "tpu.region"() ({
        %run_scoped3A_61 = tpu.sem_alloc : memref<!tpu.dma_semaphore, #tpu.memory_space<semaphore_mem>>
        %dma_start3A_62 = arith.constant 0 : i32
        %dma_start3A_63 = tpu.memref_slice %arg7[%run_scoped3A_60, %dma_start3A_62] : memref<2x128xi32, #tpu.memory_space<vmem>> -> memref<1x128xi32, #tpu.memory_space<vmem>>
        %dma_start3A_64 = tpu.memref_squeeze %dma_start3A_63 : memref<1x128xi32, #tpu.memory_space<vmem>> -> memref<128xi32, #tpu.memory_space<vmem>>
        %dma_start3A_65 = arith.constant 0 : i32
        %dma_start3A_66 = arith.constant 0 : i32
        %dma_start3A_67 = tpu.memref_slice %arg11[%dma_start3A_65, %dma_start3A_66] : memref<10240x128xf32, #tpu.memory_space<vmem_shared>> -> memref<10240x128xf32, #tpu.memory_space<vmem_shared>>
        tpu.enqueue_indirect_dma source(%arg9 : memref<128x128xf32, #tpu.memory_space<vmem>>) target(%dma_start3A_67 : memref<10240x128xf32, #tpu.memory_space<vmem_shared>>) offsets(%dma_start3A_64 : memref<128xi32, #tpu.memory_space<vmem>>) semaphore(%run_scoped3A_61 : memref<!tpu.dma_semaphore, #tpu.memory_space<semaphore_mem>>) {add = true}
        %dma_wait3A_68 = arith.constant 0 : i32
        %dma_wait3A_69 = tpu.memref_slice %arg7[%run_scoped3A_60, %dma_wait3A_68] : memref<2x128xi32, #tpu.memory_space<vmem>> -> memref<1x128xi32, #tpu.memory_space<vmem>>
        %dma_wait3A_70 = tpu.memref_squeeze %dma_wait3A_69 : memref<1x128xi32, #tpu.memory_space<vmem>> -> memref<128xi32, #tpu.memory_space<vmem>>
        %dma_wait3A_71 = arith.constant 0 : i32
        %dma_wait3A_72 = arith.constant 0 : i32
        %dma_wait3A_73 = tpu.memref_slice %arg11[%dma_wait3A_71, %dma_wait3A_72] : memref<10240x128xf32, #tpu.memory_space<vmem_shared>> -> memref<10240x128xf32, #tpu.memory_space<vmem_shared>>
        tpu.wait_indirect_dma semaphore(%run_scoped3A_61 : memref<!tpu.dma_semaphore, #tpu.memory_space<semaphore_mem>>) src(%arg9 : memref<128x128xf32, #tpu.memory_space<vmem>>) dst(%dma_wait3A_73 : memref<10240x128xf32, #tpu.memory_space<vmem_shared>>)
        tpu.yield
      }) : () -> ()
    } else {
    }
    %barrier3A_39 = arith.constant 0 : index
    tpu.barrier barrier_id(%barrier3A_39)
    %mul3A_40 = arith.constant 640 : i32
    %mul3A_41 = arith.muli %arg1, %mul3A_40 : i32
    %mul3A_42 = arith.constant 640 : i32
    %mul3A_43 = arith.muli %arg1, %mul3A_42 : i32
    "tpu.region"() ({
      %run_scoped3A_44 = tpu.sem_alloc : memref<!tpu.dma_semaphore, #tpu.memory_space<semaphore_mem>>
      %dma_start3A_45 = arith.constant 0 : i32
      %dma_start3A_46 = tpu.memref_slice %arg5[%arg0, %mul3A_43, %dma_start3A_45] : memref<2x10240x128xf32, #tpu.memory_space<hbm>> -> memref<1x640x128xf32, #tpu.memory_space<hbm>>
      %dma_start3A_47 = tpu.memref_squeeze %dma_start3A_46 : memref<1x640x128xf32, #tpu.memory_space<hbm>> -> memref<640x128xf32, #tpu.memory_space<hbm>>
      %dma_start3A_48 = arith.constant 0 : i32
      %dma_start3A_49 = tpu.memref_slice %arg11[%mul3A_41, %dma_start3A_48] : memref<10240x128xf32, #tpu.memory_space<vmem_shared>> -> memref<640x128xf32, #tpu.memory_space<vmem_shared>>
      tpu.enqueue_dma source(%dma_start3A_49 : memref<640x128xf32, #tpu.memory_space<vmem_shared>>) target(%dma_start3A_47 : memref<640x128xf32, #tpu.memory_space<hbm>>) target_semaphore(%run_scoped3A_44 : memref<!tpu.dma_semaphore, #tpu.memory_space<semaphore_mem>>)
      %dma_wait3A = arith.constant 0 : i32
      %dma_wait3A_50 = tpu.memref_slice %arg5[%arg0, %mul3A_43, %dma_wait3A] : memref<2x10240x128xf32, #tpu.memory_space<hbm>> -> memref<1x640x128xf32, #tpu.memory_space<hbm>>
      %dma_wait3A_51 = tpu.memref_squeeze %dma_wait3A_50 : memref<1x640x128xf32, #tpu.memory_space<hbm>> -> memref<640x128xf32, #tpu.memory_space<hbm>>
      %dma_wait3A_52 = arith.constant 0 : i32
      %dma_wait3A_53 = tpu.memref_slice %arg11[%mul3A_41, %dma_wait3A_52] : memref<10240x128xf32, #tpu.memory_space<vmem_shared>> -> memref<640x128xf32, #tpu.memory_space<vmem_shared>>
      tpu.wait_dma2 semaphore(%run_scoped3A_44 : memref<!tpu.dma_semaphore, #tpu.memory_space<semaphore_mem>>) src(%dma_wait3A_53 : memref<640x128xf32, #tpu.memory_space<vmem_shared>>) dst(%dma_wait3A_51 : memref<640x128xf32, #tpu.memory_space<hbm>>)
      tpu.yield
    }) : () -> ()
    return
  }
}

#map = affine_map<(d0, d1) -> (0, 0)>
#map1 = affine_map<(d0, d1) -> (0, 0, 0)>
module attributes {stable_mosaic.version = 14 : i64} {
  func.func @_scatter_body(%arg0: i32, %arg1: i32, %arg2: memref<10000x128xf32, #tpu.memory_space<hbm>>, %arg3: memref<2x320000xi32, #tpu.memory_space<hbm>>, %arg4: memref<640x128xf32, #tpu.memory_space<hbm>>, %arg5: memref<2x10240x128xf32, #tpu.memory_space<hbm>>, %arg6: memref<9984xi32, #tpu.memory_space<vmem>>, %arg7: memref<2x128xi32, #tpu.memory_space<vmem>>, %arg8: memref<2x128xi32, #tpu.memory_space<vmem>>, %arg9: memref<128x128xf32, #tpu.memory_space<vmem>>, %arg10: memref<128x128xf32, #tpu.memory_space<vmem>>, %arg11: memref<10240x128xf32, #tpu.memory_space<vmem_shared>>, %arg12: memref<!tpu.dma_semaphore, #tpu.memory_space<semaphore_mem>>, %arg13: memref<!tpu.dma_semaphore, #tpu.memory_space<semaphore_mem>>, %arg14: memref<!tpu.dma_semaphore, #tpu.memory_space<semaphore_mem>>, %arg15: memref<!tpu.dma_semaphore, #tpu.memory_space<semaphore_mem>>) attributes {dimension_semantics = [#tpu.dimension_semantics<core_parallel>, #tpu.dimension_semantics<subcore_parallel>], iteration_bounds = array<i64: 2, 16>, scalar_prefetch = 0 : i64, scratch_operands = 10 : i64, tpu.core_type = #tpu.core_type<sc_vector_subcore>, window_params = [{transform_indices = #map}, {transform_indices = #map}, {transform_indices = #map}, {transform_indices = #map1}]} {
    %mul3A = arith.constant 2 : i32
    %mul3A_0 = arith.muli %arg1, %mul3A : i32
    %add3A = arith.addi %mul3A_0, %arg0 : i32
    %mul3A_1 = arith.constant 78 : i32
    %mul3A_2 = arith.muli %add3A, %mul3A_1 : i32
    %mul3A_3 = arith.constant 128 : i32
    %mul3A_4 = arith.muli %mul3A_2, %mul3A_3 : i32
    %eq3A = arith.constant 0 : i32
    %eq3A_5 = arith.cmpi eq, %arg0, %eq3A : i32
    %lt3A = arith.constant 15 : i32
    %lt3A_6 = arith.cmpi slt, %arg1, %lt3A : i32
    %and3A = arith.andi %eq3A_5, %lt3A_6 : i1
    %convert_element_type3A = arith.extui %and3A : i1 to i32
    %cond3A = arith.constant 0 : i32
    %cond3A_7 = arith.cmpi ne, %convert_element_type3A, %cond3A : i32
    scf.if %cond3A_7 {
      %mul3A_44 = arith.constant 640 : i32
      %mul3A_45 = arith.muli %arg1, %mul3A_44 : i32
      %mul3A_46 = arith.constant 640 : i32
      %mul3A_47 = arith.muli %arg1, %mul3A_46 : i32
      "tpu.region"() ({
        %run_scoped3A_48 = tpu.sem_alloc : memref<!tpu.dma_semaphore, #tpu.memory_space<semaphore_mem>>
        %dma_start3A_49 = arith.constant 0 : i32
        %dma_start3A_50 = tpu.memref_slice %arg11[%mul3A_47, %dma_start3A_49] : memref<10240x128xf32, #tpu.memory_space<vmem_shared>> -> memref<640x128xf32, #tpu.memory_space<vmem_shared>>
        %dma_start3A_51 = arith.constant 0 : i32
        %dma_start3A_52 = tpu.memref_slice %arg2[%mul3A_45, %dma_start3A_51] : memref<10000x128xf32, #tpu.memory_space<hbm>> -> memref<640x128xf32, #tpu.memory_space<hbm>>
        tpu.enqueue_dma source(%dma_start3A_52 : memref<640x128xf32, #tpu.memory_space<hbm>>) target(%dma_start3A_50 : memref<640x128xf32, #tpu.memory_space<vmem_shared>>) target_semaphore(%run_scoped3A_48 : memref<!tpu.dma_semaphore, #tpu.memory_space<semaphore_mem>>)
        %dma_wait3A = arith.constant 0 : i32
        %dma_wait3A_53 = tpu.memref_slice %arg11[%mul3A_47, %dma_wait3A] : memref<10240x128xf32, #tpu.memory_space<vmem_shared>> -> memref<640x128xf32, #tpu.memory_space<vmem_shared>>
        %dma_wait3A_54 = arith.constant 0 : i32
        %dma_wait3A_55 = tpu.memref_slice %arg2[%mul3A_45, %dma_wait3A_54] : memref<10000x128xf32, #tpu.memory_space<hbm>> -> memref<640x128xf32, #tpu.memory_space<hbm>>
        tpu.wait_dma2 semaphore(%run_scoped3A_48 : memref<!tpu.dma_semaphore, #tpu.memory_space<semaphore_mem>>) src(%dma_wait3A_55 : memref<640x128xf32, #tpu.memory_space<hbm>>) dst(%dma_wait3A_53 : memref<640x128xf32, #tpu.memory_space<vmem_shared>>)
        tpu.yield
      }) : () -> ()
    } else {
    }
    %eq3A_8 = arith.constant 0 : i32
    %eq3A_9 = arith.cmpi eq, %arg0, %eq3A_8 : i32
    %eq3A_10 = arith.constant 15 : i32
    %eq3A_11 = arith.cmpi eq, %arg1, %eq3A_10 : i32
    %and3A_12 = arith.andi %eq3A_9, %eq3A_11 : i1
    %convert_element_type3A_13 = arith.extui %and3A_12 : i1 to i32
    %cond3A_14 = arith.constant 0 : i32
    %cond3A_15 = arith.cmpi ne, %convert_element_type3A_13, %cond3A_14 : i32
    scf.if %cond3A_15 {
      "tpu.region"() ({
        %run_scoped3A_44 = tpu.sem_alloc : memref<!tpu.dma_semaphore, #tpu.memory_space<semaphore_mem>>
        %dma_start3A_45 = arith.constant 9600 : i32
        %dma_start3A_46 = arith.constant 0 : i32
        %dma_start3A_47 = tpu.memref_slice %arg11[%dma_start3A_45, %dma_start3A_46] : memref<10240x128xf32, #tpu.memory_space<vmem_shared>> -> memref<400x128xf32, #tpu.memory_space<vmem_shared>>
        %dma_start3A_48 = arith.constant 9600 : i32
        %dma_start3A_49 = arith.constant 0 : i32
        %dma_start3A_50 = tpu.memref_slice %arg2[%dma_start3A_48, %dma_start3A_49] : memref<10000x128xf32, #tpu.memory_space<hbm>> -> memref<400x128xf32, #tpu.memory_space<hbm>>
        tpu.enqueue_dma source(%dma_start3A_50 : memref<400x128xf32, #tpu.memory_space<hbm>>) target(%dma_start3A_47 : memref<400x128xf32, #tpu.memory_space<vmem_shared>>) target_semaphore(%run_scoped3A_44 : memref<!tpu.dma_semaphore, #tpu.memory_space<semaphore_mem>>)
        %dma_wait3A = arith.constant 9600 : i32
        %dma_wait3A_51 = arith.constant 0 : i32
        %dma_wait3A_52 = tpu.memref_slice %arg11[%dma_wait3A, %dma_wait3A_51] : memref<10240x128xf32, #tpu.memory_space<vmem_shared>> -> memref<400x128xf32, #tpu.memory_space<vmem_shared>>
        %dma_wait3A_53 = arith.constant 9600 : i32
        %dma_wait3A_54 = arith.constant 0 : i32
        %dma_wait3A_55 = tpu.memref_slice %arg2[%dma_wait3A_53, %dma_wait3A_54] : memref<10000x128xf32, #tpu.memory_space<hbm>> -> memref<400x128xf32, #tpu.memory_space<hbm>>
        tpu.wait_dma2 semaphore(%run_scoped3A_44 : memref<!tpu.dma_semaphore, #tpu.memory_space<semaphore_mem>>) src(%dma_wait3A_55 : memref<400x128xf32, #tpu.memory_space<hbm>>) dst(%dma_wait3A_52 : memref<400x128xf32, #tpu.memory_space<vmem_shared>>)
        tpu.yield
      }) : () -> ()
    } else {
    }
    %eq3A_16 = arith.constant 1 : i32
    %eq3A_17 = arith.cmpi eq, %arg0, %eq3A_16 : i32
    %convert_element_type3A_18 = arith.extui %eq3A_17 : i1 to i32
    %cond3A_19 = arith.constant 0 : i32
    %cond3A_20 = arith.cmpi ne, %convert_element_type3A_18, %cond3A_19 : i32
    scf.if %cond3A_20 {
      %mul3A_44 = arith.constant 640 : i32
      %mul3A_45 = arith.muli %arg1, %mul3A_44 : i32
      "tpu.region"() ({
        %run_scoped3A_46 = tpu.sem_alloc : memref<!tpu.dma_semaphore, #tpu.memory_space<semaphore_mem>>
        %dma_start3A_47 = arith.constant 0 : i32
        %dma_start3A_48 = tpu.memref_slice %arg11[%mul3A_45, %dma_start3A_47] : memref<10240x128xf32, #tpu.memory_space<vmem_shared>> -> memref<640x128xf32, #tpu.memory_space<vmem_shared>>
        tpu.enqueue_dma source(%arg4 : memref<640x128xf32, #tpu.memory_space<hbm>>) target(%dma_start3A_48 : memref<640x128xf32, #tpu.memory_space<vmem_shared>>) target_semaphore(%run_scoped3A_46 : memref<!tpu.dma_semaphore, #tpu.memory_space<semaphore_mem>>)
        %dma_wait3A = arith.constant 0 : i32
        %dma_wait3A_49 = tpu.memref_slice %arg11[%mul3A_45, %dma_wait3A] : memref<10240x128xf32, #tpu.memory_space<vmem_shared>> -> memref<640x128xf32, #tpu.memory_space<vmem_shared>>
        tpu.wait_dma2 semaphore(%run_scoped3A_46 : memref<!tpu.dma_semaphore, #tpu.memory_space<semaphore_mem>>) src(%arg4 : memref<640x128xf32, #tpu.memory_space<hbm>>) dst(%dma_wait3A_49 : memref<640x128xf32, #tpu.memory_space<vmem_shared>>)
        tpu.yield
      }) : () -> ()
    } else {
    }
    %run_scoped3A = arith.constant 0 : i32
    "tpu.region"() ({
      %run_scoped3A_44 = tpu.sem_alloc : memref<!tpu.dma_semaphore, #tpu.memory_space<semaphore_mem>>
      %dma_start3A_45 = tpu.memref_slice %arg3[%run_scoped3A, %mul3A_4] : memref<2x320000xi32, #tpu.memory_space<hbm>> -> memref<1x9984xi32, #tpu.memory_space<hbm>>
      %dma_start3A_46 = tpu.memref_squeeze %dma_start3A_45 : memref<1x9984xi32, #tpu.memory_space<hbm>> -> memref<9984xi32, #tpu.memory_space<hbm>>
      %dma_start3A_47 = tpu.memref_slice %arg3[%run_scoped3A, %mul3A_4] : memref<2x320000xi32, #tpu.memory_space<hbm>> -> memref<1x9984xi32, #tpu.memory_space<hbm>>
      %dma_start3A_48 = tpu.memref_squeeze %dma_start3A_47 : memref<1x9984xi32, #tpu.memory_space<hbm>> -> memref<9984xi32, #tpu.memory_space<hbm>>
      tpu.enqueue_dma source(%dma_start3A_48 : memref<9984xi32, #tpu.memory_space<hbm>>) target(%arg6 : memref<9984xi32, #tpu.memory_space<vmem>>) target_semaphore(%run_scoped3A_44 : memref<!tpu.dma_semaphore, #tpu.memory_space<semaphore_mem>>)
      %dma_wait3A = tpu.memref_slice %arg3[%run_scoped3A, %mul3A_4] : memref<2x320000xi32, #tpu.memory_space<hbm>> -> memref<1x9984xi32, #tpu.memory_space<hbm>>
      %dma_wait3A_49 = tpu.memref_squeeze %dma_wait3A : memref<1x9984xi32, #tpu.memory_space<hbm>> -> memref<9984xi32, #tpu.memory_space<hbm>>
      %dma_wait3A_50 = tpu.memref_slice %arg3[%run_scoped3A, %mul3A_4] : memref<2x320000xi32, #tpu.memory_space<hbm>> -> memref<1x9984xi32, #tpu.memory_space<hbm>>
      %dma_wait3A_51 = tpu.memref_squeeze %dma_wait3A_50 : memref<1x9984xi32, #tpu.memory_space<hbm>> -> memref<9984xi32, #tpu.memory_space<hbm>>
      tpu.wait_dma2 semaphore(%run_scoped3A_44 : memref<!tpu.dma_semaphore, #tpu.memory_space<semaphore_mem>>) src(%dma_wait3A_51 : memref<9984xi32, #tpu.memory_space<hbm>>) dst(%arg6 : memref<9984xi32, #tpu.memory_space<vmem>>)
      tpu.yield
    }) : () -> ()
    %barrier3A = arith.constant 0 : index
    tpu.barrier barrier_id(%barrier3A)
    %dma_start3A = arith.constant 0 : i32
    %dma_start3A_21 = tpu.memref_slice %arg3[%dma_start3A, %mul3A_4] : memref<2x320000xi32, #tpu.memory_space<hbm>> -> memref<2x128xi32, #tpu.memory_space<hbm>>
    %dma_start3A_22 = arith.constant 0 : i32
    %dma_start3A_23 = tpu.memref_slice %arg3[%dma_start3A_22, %mul3A_4] : memref<2x320000xi32, #tpu.memory_space<hbm>> -> memref<2x128xi32, #tpu.memory_space<hbm>>
    tpu.enqueue_dma source(%dma_start3A_23 : memref<2x128xi32, #tpu.memory_space<hbm>>) target(%arg7 : memref<2x128xi32, #tpu.memory_space<vmem>>) target_semaphore(%arg14 : memref<!tpu.dma_semaphore, #tpu.memory_space<semaphore_mem>>)
    %dma_start3A_24 = arith.constant 0 : i32
    %dma_start3A_25 = tpu.memref_slice %arg6[%dma_start3A_24] : memref<9984xi32, #tpu.memory_space<vmem>> -> memref<128xi32, #tpu.memory_space<vmem>>
    %dma_start3A_26 = arith.constant 0 : i32
    %dma_start3A_27 = arith.constant 0 : i32
    %dma_start3A_28 = tpu.memref_slice %arg2[%dma_start3A_26, %dma_start3A_27] : memref<10000x128xf32, #tpu.memory_space<hbm>> -> memref<10000x128xf32, #tpu.memory_space<hbm>>
    tpu.enqueue_indirect_dma source(%dma_start3A_28 : memref<10000x128xf32, #tpu.memory_space<hbm>>) target(%arg9 : memref<128x128xf32, #tpu.memory_space<vmem>>) offsets(%dma_start3A_25 : memref<128xi32, #tpu.memory_space<vmem>>) semaphore(%arg12 : memref<!tpu.dma_semaphore, #tpu.memory_space<semaphore_mem>>)
    %scan3A = arith.constant 0 : i32
    %scan3A_29 = arith.constant 0 : i32
    %scan3A_30 = arith.constant 39 : i32
    %scan3A_31 = arith.addi %scan3A_29, %scan3A_30 : i32
    %scan3A_32 = arith.constant 1 : i32
    scf.for %scan3A_44 = %scan3A_29 to %scan3A_31 step %scan3A_32  : i32 {
      %mul3A_45 = arith.constant 2 : i32
      %mul3A_46 = arith.muli %mul3A_45, %scan3A_44 : i32
      %add3A_47 = arith.constant 1 : i32
      %add3A_48 = arith.addi %mul3A_46, %add3A_47 : i32
      %mul3A_49 = arith.constant 128 : i32
      %mul3A_50 = arith.muli %add3A_48, %mul3A_49 : i32
      %add3A_51 = arith.addi %mul3A_4, %mul3A_50 : i32
      %dma_start3A_52 = arith.constant 0 : i32
      %dma_start3A_53 = tpu.memref_slice %arg3[%dma_start3A_52, %add3A_51] : memref<2x320000xi32, #tpu.memory_space<hbm>> -> memref<2x128xi32, #tpu.memory_space<hbm>>
      %dma_start3A_54 = arith.constant 0 : i32
      %dma_start3A_55 = tpu.memref_slice %arg3[%dma_start3A_54, %add3A_51] : memref<2x320000xi32, #tpu.memory_space<hbm>> -> memref<2x128xi32, #tpu.memory_space<hbm>>
      tpu.enqueue_dma source(%dma_start3A_55 : memref<2x128xi32, #tpu.memory_space<hbm>>) target(%arg8 : memref<2x128xi32, #tpu.memory_space<vmem>>) target_semaphore(%arg15 : memref<!tpu.dma_semaphore, #tpu.memory_space<semaphore_mem>>)
      %mul3A_56 = arith.constant 128 : i32
      %mul3A_57 = arith.muli %add3A_48, %mul3A_56 : i32
      %dma_start3A_58 = tpu.memref_slice %arg6[%mul3A_57] : memref<9984xi32, #tpu.memory_space<vmem>> -> memref<128xi32, #tpu.memory_space<vmem>>
      %dma_start3A_59 = arith.constant 0 : i32
      %dma_start3A_60 = arith.constant 0 : i32
      %dma_start3A_61 = tpu.memref_slice %arg2[%dma_start3A_59, %dma_start3A_60] : memref<10000x128xf32, #tpu.memory_space<hbm>> -> memref<10000x128xf32, #tpu.memory_space<hbm>>
      tpu.enqueue_indirect_dma source(%dma_start3A_61 : memref<10000x128xf32, #tpu.memory_space<hbm>>) target(%arg10 : memref<128x128xf32, #tpu.memory_space<vmem>>) offsets(%dma_start3A_58 : memref<128xi32, #tpu.memory_space<vmem>>) semaphore(%arg13 : memref<!tpu.dma_semaphore, #tpu.memory_space<semaphore_mem>>)
      %dma_wait3A = arith.constant 0 : i32
      %dma_wait3A_62 = arith.constant 0 : i32
      %dma_wait3A_63 = tpu.memref_slice %arg2[%dma_wait3A, %dma_wait3A_62] : memref<10000x128xf32, #tpu.memory_space<hbm>> -> memref<128x128xf32, #tpu.memory_space<hbm>>
      %dma_wait3A_64 = arith.constant 0 : i32
      %dma_wait3A_65 = arith.constant 0 : i32
      %dma_wait3A_66 = tpu.memref_slice %arg2[%dma_wait3A_64, %dma_wait3A_65] : memref<10000x128xf32, #tpu.memory_space<hbm>> -> memref<128x128xf32, #tpu.memory_space<hbm>>
      tpu.wait_dma2 semaphore(%arg12 : memref<!tpu.dma_semaphore, #tpu.memory_space<semaphore_mem>>) src(%dma_wait3A_66 : memref<128x128xf32, #tpu.memory_space<hbm>>) dst(%arg9 : memref<128x128xf32, #tpu.memory_space<vmem>>)
      %dma_wait3A_67 = arith.constant 0 : i32
      %dma_wait3A_68 = arith.constant 0 : i32
      %dma_wait3A_69 = tpu.memref_slice %arg3[%dma_wait3A_67, %dma_wait3A_68] : memref<2x320000xi32, #tpu.memory_space<hbm>> -> memref<2x128xi32, #tpu.memory_space<hbm>>
      %dma_wait3A_70 = arith.constant 0 : i32
      %dma_wait3A_71 = arith.constant 0 : i32
      %dma_wait3A_72 = tpu.memref_slice %arg3[%dma_wait3A_70, %dma_wait3A_71] : memref<2x320000xi32, #tpu.memory_space<hbm>> -> memref<2x128xi32, #tpu.memory_space<hbm>>
      tpu.wait_dma2 semaphore(%arg14 : memref<!tpu.dma_semaphore, #tpu.memory_space<semaphore_mem>>) src(%dma_wait3A_72 : memref<2x128xi32, #tpu.memory_space<hbm>>) dst(%arg7 : memref<2x128xi32, #tpu.memory_space<vmem>>)
      %run_scoped3A_73 = arith.constant 1 : i32
      "tpu.region"() ({
        %run_scoped3A_96 = tpu.sem_alloc : memref<!tpu.dma_semaphore, #tpu.memory_space<semaphore_mem>>
        %dma_start3A_97 = arith.constant 0 : i32
        %dma_start3A_98 = tpu.memref_slice %arg7[%run_scoped3A_73, %dma_start3A_97] : memref<2x128xi32, #tpu.memory_space<vmem>> -> memref<1x128xi32, #tpu.memory_space<vmem>>
        %dma_start3A_99 = tpu.memref_squeeze %dma_start3A_98 : memref<1x128xi32, #tpu.memory_space<vmem>> -> memref<128xi32, #tpu.memory_space<vmem>>
        %dma_start3A_100 = arith.constant 0 : i32
        %dma_start3A_101 = arith.constant 0 : i32
        %dma_start3A_102 = tpu.memref_slice %arg11[%dma_start3A_100, %dma_start3A_101] : memref<10240x128xf32, #tpu.memory_space<vmem_shared>> -> memref<10240x128xf32, #tpu.memory_space<vmem_shared>>
        tpu.enqueue_indirect_dma source(%arg9 : memref<128x128xf32, #tpu.memory_space<vmem>>) target(%dma_start3A_102 : memref<10240x128xf32, #tpu.memory_space<vmem_shared>>) offsets(%dma_start3A_99 : memref<128xi32, #tpu.memory_space<vmem>>) semaphore(%run_scoped3A_96 : memref<!tpu.dma_semaphore, #tpu.memory_space<semaphore_mem>>) {add = true}
        %dma_wait3A_103 = arith.constant 0 : i32
        %dma_wait3A_104 = tpu.memref_slice %arg7[%run_scoped3A_73, %dma_wait3A_103] : memref<2x128xi32, #tpu.memory_space<vmem>> -> memref<1x128xi32, #tpu.memory_space<vmem>>
        %dma_wait3A_105 = tpu.memref_squeeze %dma_wait3A_104 : memref<1x128xi32, #tpu.memory_space<vmem>> -> memref<128xi32, #tpu.memory_space<vmem>>
        %dma_wait3A_106 = arith.constant 0 : i32
        %dma_wait3A_107 = arith.constant 0 : i32
        %dma_wait3A_108 = tpu.memref_slice %arg11[%dma_wait3A_106, %dma_wait3A_107] : memref<10240x128xf32, #tpu.memory_space<vmem_shared>> -> memref<10240x128xf32, #tpu.memory_space<vmem_shared>>
        tpu.wait_indirect_dma semaphore(%run_scoped3A_96 : memref<!tpu.dma_semaphore, #tpu.memory_space<semaphore_mem>>) src(%arg9 : memref<128x128xf32, #tpu.memory_space<vmem>>) dst(%dma_wait3A_108 : memref<10240x128xf32, #tpu.memory_space<vmem_shared>>)
        tpu.yield
      }) : () -> ()
      %mul3A_74 = arith.constant 2 : i32
      %mul3A_75 = arith.muli %mul3A_74, %scan3A_44 : i32
      %add3A_76 = arith.constant 2 : i32
      %add3A_77 = arith.addi %mul3A_75, %add3A_76 : i32
      %lt3A_78 = arith.constant 78 : i32
      %lt3A_79 = arith.cmpi slt, %add3A_77, %lt3A_78 : i32
      %convert_element_type3A_80 = arith.extui %lt3A_79 : i1 to i32
      %cond3A_81 = arith.constant 0 : i32
      %cond3A_82 = arith.cmpi ne, %convert_element_type3A_80, %cond3A_81 : i32
      scf.if %cond3A_82 {
        %mul3A_96 = arith.constant 2 : i32
        %mul3A_97 = arith.muli %mul3A_96, %scan3A_44 : i32
        %add3A_98 = arith.constant 2 : i32
        %add3A_99 = arith.addi %mul3A_97, %add3A_98 : i32
        %mul3A_100 = arith.constant 128 : i32
        %mul3A_101 = arith.muli %add3A_99, %mul3A_100 : i32
        %add3A_102 = arith.addi %mul3A_4, %mul3A_101 : i32
        %dma_start3A_103 = arith.constant 0 : i32
        %dma_start3A_104 = tpu.memref_slice %arg3[%dma_start3A_103, %add3A_102] : memref<2x320000xi32, #tpu.memory_space<hbm>> -> memref<2x128xi32, #tpu.memory_space<hbm>>
        %dma_start3A_105 = arith.constant 0 : i32
        %dma_start3A_106 = tpu.memref_slice %arg3[%dma_start3A_105, %add3A_102] : memref<2x320000xi32, #tpu.memory_space<hbm>> -> memref<2x128xi32, #tpu.memory_space<hbm>>
        tpu.enqueue_dma source(%dma_start3A_106 : memref<2x128xi32, #tpu.memory_space<hbm>>) target(%arg7 : memref<2x128xi32, #tpu.memory_space<vmem>>) target_semaphore(%arg14 : memref<!tpu.dma_semaphore, #tpu.memory_space<semaphore_mem>>)
        %mul3A_107 = arith.constant 2 : i32
        %mul3A_108 = arith.muli %mul3A_107, %scan3A_44 : i32
        %add3A_109 = arith.constant 2 : i32
        %add3A_110 = arith.addi %mul3A_108, %add3A_109 : i32
        %mul3A_111 = arith.constant 128 : i32
        %mul3A_112 = arith.muli %add3A_110, %mul3A_111 : i32
        %dma_start3A_113 = tpu.memref_slice %arg6[%mul3A_112] : memref<9984xi32, #tpu.memory_space<vmem>> -> memref<128xi32, #tpu.memory_space<vmem>>
        %dma_start3A_114 = arith.constant 0 : i32
        %dma_start3A_115 = arith.constant 0 : i32
        %dma_start3A_116 = tpu.memref_slice %arg2[%dma_start3A_114, %dma_start3A_115] : memref<10000x128xf32, #tpu.memory_space<hbm>> -> memref<10000x128xf32, #tpu.memory_space<hbm>>
        tpu.enqueue_indirect_dma source(%dma_start3A_116 : memref<10000x128xf32, #tpu.memory_space<hbm>>) target(%arg9 : memref<128x128xf32, #tpu.memory_space<vmem>>) offsets(%dma_start3A_113 : memref<128xi32, #tpu.memory_space<vmem>>) semaphore(%arg12 : memref<!tpu.dma_semaphore, #tpu.memory_space<semaphore_mem>>)
      } else {
      }
      %dma_wait3A_83 = arith.constant 0 : i32
      %dma_wait3A_84 = arith.constant 0 : i32
      %dma_wait3A_85 = tpu.memref_slice %arg2[%dma_wait3A_83, %dma_wait3A_84] : memref<10000x128xf32, #tpu.memory_space<hbm>> -> memref<128x128xf32, #tpu.memory_space<hbm>>
      %dma_wait3A_86 = arith.constant 0 : i32
      %dma_wait3A_87 = arith.constant 0 : i32
      %dma_wait3A_88 = tpu.memref_slice %arg2[%dma_wait3A_86, %dma_wait3A_87] : memref<10000x128xf32, #tpu.memory_space<hbm>> -> memref<128x128xf32, #tpu.memory_space<hbm>>
      tpu.wait_dma2 semaphore(%arg13 : memref<!tpu.dma_semaphore, #tpu.memory_space<semaphore_mem>>) src(%dma_wait3A_88 : memref<128x128xf32, #tpu.memory_space<hbm>>) dst(%arg10 : memref<128x128xf32, #tpu.memory_space<vmem>>)
      %dma_wait3A_89 = arith.constant 0 : i32
      %dma_wait3A_90 = arith.constant 0 : i32
      %dma_wait3A_91 = tpu.memref_slice %arg3[%dma_wait3A_89, %dma_wait3A_90] : memref<2x320000xi32, #tpu.memory_space<hbm>> -> memref<2x128xi32, #tpu.memory_space<hbm>>
      %dma_wait3A_92 = arith.constant 0 : i32
      %dma_wait3A_93 = arith.constant 0 : i32
      %dma_wait3A_94 = tpu.memref_slice %arg3[%dma_wait3A_92, %dma_wait3A_93] : memref<2x320000xi32, #tpu.memory_space<hbm>> -> memref<2x128xi32, #tpu.memory_space<hbm>>
      tpu.wait_dma2 semaphore(%arg15 : memref<!tpu.dma_semaphore, #tpu.memory_space<semaphore_mem>>) src(%dma_wait3A_94 : memref<2x128xi32, #tpu.memory_space<hbm>>) dst(%arg8 : memref<2x128xi32, #tpu.memory_space<vmem>>)
      %run_scoped3A_95 = arith.constant 1 : i32
      "tpu.region"() ({
        %run_scoped3A_96 = tpu.sem_alloc : memref<!tpu.dma_semaphore, #tpu.memory_space<semaphore_mem>>
        %dma_start3A_97 = arith.constant 0 : i32
        %dma_start3A_98 = tpu.memref_slice %arg8[%run_scoped3A_95, %dma_start3A_97] : memref<2x128xi32, #tpu.memory_space<vmem>> -> memref<1x128xi32, #tpu.memory_space<vmem>>
        %dma_start3A_99 = tpu.memref_squeeze %dma_start3A_98 : memref<1x128xi32, #tpu.memory_space<vmem>> -> memref<128xi32, #tpu.memory_space<vmem>>
        %dma_start3A_100 = arith.constant 0 : i32
        %dma_start3A_101 = arith.constant 0 : i32
        %dma_start3A_102 = tpu.memref_slice %arg11[%dma_start3A_100, %dma_start3A_101] : memref<10240x128xf32, #tpu.memory_space<vmem_shared>> -> memref<10240x128xf32, #tpu.memory_space<vmem_shared>>
        tpu.enqueue_indirect_dma source(%arg10 : memref<128x128xf32, #tpu.memory_space<vmem>>) target(%dma_start3A_102 : memref<10240x128xf32, #tpu.memory_space<vmem_shared>>) offsets(%dma_start3A_99 : memref<128xi32, #tpu.memory_space<vmem>>) semaphore(%run_scoped3A_96 : memref<!tpu.dma_semaphore, #tpu.memory_space<semaphore_mem>>) {add = true}
        %dma_wait3A_103 = arith.constant 0 : i32
        %dma_wait3A_104 = tpu.memref_slice %arg8[%run_scoped3A_95, %dma_wait3A_103] : memref<2x128xi32, #tpu.memory_space<vmem>> -> memref<1x128xi32, #tpu.memory_space<vmem>>
        %dma_wait3A_105 = tpu.memref_squeeze %dma_wait3A_104 : memref<1x128xi32, #tpu.memory_space<vmem>> -> memref<128xi32, #tpu.memory_space<vmem>>
        %dma_wait3A_106 = arith.constant 0 : i32
        %dma_wait3A_107 = arith.constant 0 : i32
        %dma_wait3A_108 = tpu.memref_slice %arg11[%dma_wait3A_106, %dma_wait3A_107] : memref<10240x128xf32, #tpu.memory_space<vmem_shared>> -> memref<10240x128xf32, #tpu.memory_space<vmem_shared>>
        tpu.wait_indirect_dma semaphore(%run_scoped3A_96 : memref<!tpu.dma_semaphore, #tpu.memory_space<semaphore_mem>>) src(%arg10 : memref<128x128xf32, #tpu.memory_space<vmem>>) dst(%dma_wait3A_108 : memref<10240x128xf32, #tpu.memory_space<vmem_shared>>)
        tpu.yield
      }) : () -> ()
    }
    %scan3A_33 = arith.constant 39 : i32
    %lt3A_34 = arith.constant 4 : i32
    %lt3A_35 = arith.cmpi slt, %add3A, %lt3A_34 : i32
    %convert_element_type3A_36 = arith.extui %lt3A_35 : i1 to i32
    %cond3A_37 = arith.constant 0 : i32
    %cond3A_38 = arith.cmpi ne, %convert_element_type3A_36, %cond3A_37 : i32
    scf.if %cond3A_38 {
      %add3A_44 = arith.constant 2496 : i32
      %add3A_45 = arith.addi %add3A_44, %add3A : i32
      %mul3A_46 = arith.constant 128 : i32
      %mul3A_47 = arith.muli %add3A_45, %mul3A_46 : i32
      "tpu.region"() ({
        %run_scoped3A_61 = tpu.sem_alloc : memref<!tpu.dma_semaphore, #tpu.memory_space<semaphore_mem>>
        %dma_start3A_62 = arith.constant 0 : i32
        %dma_start3A_63 = tpu.memref_slice %arg3[%dma_start3A_62, %mul3A_47] : memref<2x320000xi32, #tpu.memory_space<hbm>> -> memref<2x128xi32, #tpu.memory_space<hbm>>
        %dma_start3A_64 = arith.constant 0 : i32
        %dma_start3A_65 = tpu.memref_slice %arg3[%dma_start3A_64, %mul3A_47] : memref<2x320000xi32, #tpu.memory_space<hbm>> -> memref<2x128xi32, #tpu.memory_space<hbm>>
        tpu.enqueue_dma source(%dma_start3A_65 : memref<2x128xi32, #tpu.memory_space<hbm>>) target(%arg7 : memref<2x128xi32, #tpu.memory_space<vmem>>) target_semaphore(%run_scoped3A_61 : memref<!tpu.dma_semaphore, #tpu.memory_space<semaphore_mem>>)
        %dma_wait3A_66 = arith.constant 0 : i32
        %dma_wait3A_67 = tpu.memref_slice %arg3[%dma_wait3A_66, %mul3A_47] : memref<2x320000xi32, #tpu.memory_space<hbm>> -> memref<2x128xi32, #tpu.memory_space<hbm>>
        %dma_wait3A_68 = arith.constant 0 : i32
        %dma_wait3A_69 = tpu.memref_slice %arg3[%dma_wait3A_68, %mul3A_47] : memref<2x320000xi32, #tpu.memory_space<hbm>> -> memref<2x128xi32, #tpu.memory_space<hbm>>
        tpu.wait_dma2 semaphore(%run_scoped3A_61 : memref<!tpu.dma_semaphore, #tpu.memory_space<semaphore_mem>>) src(%dma_wait3A_69 : memref<2x128xi32, #tpu.memory_space<hbm>>) dst(%arg7 : memref<2x128xi32, #tpu.memory_space<vmem>>)
        tpu.yield
      }) : () -> ()
      %mul3A_48 = arith.constant 128 : i32
      %mul3A_49 = arith.muli %add3A_45, %mul3A_48 : i32
      %run_scoped3A_50 = arith.constant 0 : i32
      "tpu.region"() ({
        %run_scoped3A_61 = tpu.sem_alloc : memref<!tpu.dma_semaphore, #tpu.memory_space<semaphore_mem>>
        %dma_start3A_62 = arith.constant 0 : i32
        %dma_start3A_63 = tpu.memref_slice %arg6[%dma_start3A_62] : memref<9984xi32, #tpu.memory_space<vmem>> -> memref<128xi32, #tpu.memory_space<vmem>>
        %dma_start3A_64 = tpu.memref_slice %arg3[%run_scoped3A_50, %mul3A_49] : memref<2x320000xi32, #tpu.memory_space<hbm>> -> memref<1x128xi32, #tpu.memory_space<hbm>>
        %dma_start3A_65 = tpu.memref_squeeze %dma_start3A_64 : memref<1x128xi32, #tpu.memory_space<hbm>> -> memref<128xi32, #tpu.memory_space<hbm>>
        %dma_start3A_66 = arith.constant 0 : i32
        %dma_start3A_67 = tpu.memref_slice %arg6[%dma_start3A_66] : memref<9984xi32, #tpu.memory_space<vmem>> -> memref<128xi32, #tpu.memory_space<vmem>>
        %dma_start3A_68 = tpu.memref_slice %arg3[%run_scoped3A_50, %mul3A_49] : memref<2x320000xi32, #tpu.memory_space<hbm>> -> memref<1x128xi32, #tpu.memory_space<hbm>>
        %dma_start3A_69 = tpu.memref_squeeze %dma_start3A_68 : memref<1x128xi32, #tpu.memory_space<hbm>> -> memref<128xi32, #tpu.memory_space<hbm>>
        tpu.enqueue_dma source(%dma_start3A_69 : memref<128xi32, #tpu.memory_space<hbm>>) target(%dma_start3A_67 : memref<128xi32, #tpu.memory_space<vmem>>) target_semaphore(%run_scoped3A_61 : memref<!tpu.dma_semaphore, #tpu.memory_space<semaphore_mem>>)
        %dma_wait3A_70 = arith.constant 0 : i32
        %dma_wait3A_71 = tpu.memref_slice %arg6[%dma_wait3A_70] : memref<9984xi32, #tpu.memory_space<vmem>> -> memref<128xi32, #tpu.memory_space<vmem>>
        %dma_wait3A_72 = tpu.memref_slice %arg3[%run_scoped3A_50, %mul3A_49] : memref<2x320000xi32, #tpu.memory_space<hbm>> -> memref<1x128xi32, #tpu.memory_space<hbm>>
        %dma_wait3A_73 = tpu.memref_squeeze %dma_wait3A_72 : memref<1x128xi32, #tpu.memory_space<hbm>> -> memref<128xi32, #tpu.memory_space<hbm>>
        %dma_wait3A_74 = arith.constant 0 : i32
        %dma_wait3A_75 = tpu.memref_slice %arg6[%dma_wait3A_74] : memref<9984xi32, #tpu.memory_space<vmem>> -> memref<128xi32, #tpu.memory_space<vmem>>
        %dma_wait3A_76 = tpu.memref_slice %arg3[%run_scoped3A_50, %mul3A_49] : memref<2x320000xi32, #tpu.memory_space<hbm>> -> memref<1x128xi32, #tpu.memory_space<hbm>>
        %dma_wait3A_77 = tpu.memref_squeeze %dma_wait3A_76 : memref<1x128xi32, #tpu.memory_space<hbm>> -> memref<128xi32, #tpu.memory_space<hbm>>
        tpu.wait_dma2 semaphore(%run_scoped3A_61 : memref<!tpu.dma_semaphore, #tpu.memory_space<semaphore_mem>>) src(%dma_wait3A_77 : memref<128xi32, #tpu.memory_space<hbm>>) dst(%dma_wait3A_75 : memref<128xi32, #tpu.memory_space<vmem>>)
        tpu.yield
      }) : () -> ()
      %dma_start3A_51 = arith.constant 0 : i32
      %dma_start3A_52 = tpu.memref_slice %arg6[%dma_start3A_51] : memref<9984xi32, #tpu.memory_space<vmem>> -> memref<128xi32, #tpu.memory_space<vmem>>
      %dma_start3A_53 = arith.constant 0 : i32
      %dma_start3A_54 = arith.constant 0 : i32
      %dma_start3A_55 = tpu.memref_slice %arg2[%dma_start3A_53, %dma_start3A_54] : memref<10000x128xf32, #tpu.memory_space<hbm>> -> memref<10000x128xf32, #tpu.memory_space<hbm>>
      tpu.enqueue_indirect_dma source(%dma_start3A_55 : memref<10000x128xf32, #tpu.memory_space<hbm>>) target(%arg9 : memref<128x128xf32, #tpu.memory_space<vmem>>) offsets(%dma_start3A_52 : memref<128xi32, #tpu.memory_space<vmem>>) semaphore(%arg12 : memref<!tpu.dma_semaphore, #tpu.memory_space<semaphore_mem>>)
      %dma_wait3A = arith.constant 0 : i32
      %dma_wait3A_56 = tpu.memref_slice %arg6[%dma_wait3A] : memref<9984xi32, #tpu.memory_space<vmem>> -> memref<128xi32, #tpu.memory_space<vmem>>
      %dma_wait3A_57 = arith.constant 0 : i32
      %dma_wait3A_58 = arith.constant 0 : i32
      %dma_wait3A_59 = tpu.memref_slice %arg2[%dma_wait3A_57, %dma_wait3A_58] : memref<10000x128xf32, #tpu.memory_space<hbm>> -> memref<10000x128xf32, #tpu.memory_space<hbm>>
      tpu.wait_indirect_dma semaphore(%arg12 : memref<!tpu.dma_semaphore, #tpu.memory_space<semaphore_mem>>) src(%dma_wait3A_59 : memref<10000x128xf32, #tpu.memory_space<hbm>>) dst(%arg9 : memref<128x128xf32, #tpu.memory_space<vmem>>)
      %run_scoped3A_60 = arith.constant 1 : i32
      "tpu.region"() ({
        %run_scoped3A_61 = tpu.sem_alloc : memref<!tpu.dma_semaphore, #tpu.memory_space<semaphore_mem>>
        %dma_start3A_62 = arith.constant 0 : i32
        %dma_start3A_63 = tpu.memref_slice %arg7[%run_scoped3A_60, %dma_start3A_62] : memref<2x128xi32, #tpu.memory_space<vmem>> -> memref<1x128xi32, #tpu.memory_space<vmem>>
        %dma_start3A_64 = tpu.memref_squeeze %dma_start3A_63 : memref<1x128xi32, #tpu.memory_space<vmem>> -> memref<128xi32, #tpu.memory_space<vmem>>
        %dma_start3A_65 = arith.constant 0 : i32
        %dma_start3A_66 = arith.constant 0 : i32
        %dma_start3A_67 = tpu.memref_slice %arg11[%dma_start3A_65, %dma_start3A_66] : memref<10240x128xf32, #tpu.memory_space<vmem_shared>> -> memref<10240x128xf32, #tpu.memory_space<vmem_shared>>
        tpu.enqueue_indirect_dma source(%arg9 : memref<128x128xf32, #tpu.memory_space<vmem>>) target(%dma_start3A_67 : memref<10240x128xf32, #tpu.memory_space<vmem_shared>>) offsets(%dma_start3A_64 : memref<128xi32, #tpu.memory_space<vmem>>) semaphore(%run_scoped3A_61 : memref<!tpu.dma_semaphore, #tpu.memory_space<semaphore_mem>>) {add = true}
        %dma_wait3A_68 = arith.constant 0 : i32
        %dma_wait3A_69 = tpu.memref_slice %arg7[%run_scoped3A_60, %dma_wait3A_68] : memref<2x128xi32, #tpu.memory_space<vmem>> -> memref<1x128xi32, #tpu.memory_space<vmem>>
        %dma_wait3A_70 = tpu.memref_squeeze %dma_wait3A_69 : memref<1x128xi32, #tpu.memory_space<vmem>> -> memref<128xi32, #tpu.memory_space<vmem>>
        %dma_wait3A_71 = arith.constant 0 : i32
        %dma_wait3A_72 = arith.constant 0 : i32
        %dma_wait3A_73 = tpu.memref_slice %arg11[%dma_wait3A_71, %dma_wait3A_72] : memref<10240x128xf32, #tpu.memory_space<vmem_shared>> -> memref<10240x128xf32, #tpu.memory_space<vmem_shared>>
        tpu.wait_indirect_dma semaphore(%run_scoped3A_61 : memref<!tpu.dma_semaphore, #tpu.memory_space<semaphore_mem>>) src(%arg9 : memref<128x128xf32, #tpu.memory_space<vmem>>) dst(%dma_wait3A_73 : memref<10240x128xf32, #tpu.memory_space<vmem_shared>>)
        tpu.yield
      }) : () -> ()
    } else {
    }
    %barrier3A_39 = arith.constant 0 : index
    tpu.barrier barrier_id(%barrier3A_39)
    %mul3A_40 = arith.constant 640 : i32
    %mul3A_41 = arith.muli %arg1, %mul3A_40 : i32
    %mul3A_42 = arith.constant 640 : i32
    %mul3A_43 = arith.muli %arg1, %mul3A_42 : i32
    "tpu.region"() ({
      %run_scoped3A_44 = tpu.sem_alloc : memref<!tpu.dma_semaphore, #tpu.memory_space<semaphore_mem>>
      %dma_start3A_45 = arith.constant 0 : i32
      %dma_start3A_46 = tpu.memref_slice %arg5[%arg0, %mul3A_43, %dma_start3A_45] : memref<2x10240x128xf32, #tpu.memory_space<hbm>> -> memref<1x640x128xf32, #tpu.memory_space<hbm>>
      %dma_start3A_47 = tpu.memref_squeeze %dma_start3A_46 : memref<1x640x128xf32, #tpu.memory_space<hbm>> -> memref<640x128xf32, #tpu.memory_space<hbm>>
      %dma_start3A_48 = arith.constant 0 : i32
      %dma_start3A_49 = tpu.memref_slice %arg11[%mul3A_41, %dma_start3A_48] : memref<10240x128xf32, #tpu.memory_space<vmem_shared>> -> memref<640x128xf32, #tpu.memory_space<vmem_shared>>
      tpu.enqueue_dma source(%dma_start3A_49 : memref<640x128xf32, #tpu.memory_space<vmem_shared>>) target(%dma_start3A_47 : memref<640x128xf32, #tpu.memory_space<hbm>>) target_semaphore(%run_scoped3A_44 : memref<!tpu.dma_semaphore, #tpu.memory_space<semaphore_mem>>)
      %dma_wait3A = arith.constant 0 : i32
      %dma_wait3A_50 = tpu.memref_slice %arg5[%arg0, %mul3A_43, %dma_wait3A] : memref<2x10240x128xf32, #tpu.memory_space<hbm>> -> memref<1x640x128xf32, #tpu.memory_space<hbm>>
      %dma_wait3A_51 = tpu.memref_squeeze %dma_wait3A_50 : memref<1x640x128xf32, #tpu.memory_space<hbm>> -> memref<640x128xf32, #tpu.memory_space<hbm>>
      %dma_wait3A_52 = arith.constant 0 : i32
      %dma_wait3A_53 = tpu.memref_slice %arg11[%mul3A_41, %dma_wait3A_52] : memref<10240x128xf32, #tpu.memory_space<vmem_shared>> -> memref<640x128xf32, #tpu.memory_space<vmem_shared>>
      tpu.wait_dma2 semaphore(%run_scoped3A_44 : memref<!tpu.dma_semaphore, #tpu.memory_space<semaphore_mem>>) src(%dma_wait3A_53 : memref<640x128xf32, #tpu.memory_space<vmem_shared>>) dst(%dma_wait3A_51 : memref<640x128xf32, #tpu.memory_space<hbm>>)
      tpu.yield
    }) : () -> ()
    return
  }
}

module attributes {stable_mosaic.version = 14 : i64} {
  func.func @_tc_h0_body(%arg0: i32, %arg1: memref<2000x128xf32, #tpu.memory_space<vmem>>, %arg2: memref<128x128xf32, #tpu.memory_space<vmem>>, %arg3: memref<1x128xf32, #tpu.memory_space<vmem>>, %arg4: memref<2000x128xf32, #tpu.memory_space<vmem>>) attributes {dimension_semantics = [#tpu.dimension_semantics<arbitrary>], iteration_bounds = array<i64: 5>, scalar_prefetch = 0 : i64, scratch_operands = 0 : i64, tpu.core_type = #tpu.core_type<tc>, window_params = [{transform_indices = @transform_0, window_bounds = array<i64: 2000, 128>}, {pipeline_mode = #tpu.pipeline_mode<synchronous>, transform_indices = @transform_1, window_bounds = array<i64: 128, 128>}, {pipeline_mode = #tpu.pipeline_mode<synchronous>, transform_indices = @transform_2, window_bounds = array<i64: 1, 128>}, {transform_indices = @transform_3, window_bounds = array<i64: 2000, 128>}]} {
    %get3A = arith.constant 0 : index
    %get3A_0 = arith.constant 0 : index
    %get3A_1 = vector.load %arg1[%get3A, %get3A_0] : memref<2000x128xf32, #tpu.memory_space<vmem>>, vector<2000x128xf32>
    %get3A_2 = arith.constant 0 : index
    %get3A_3 = arith.constant 0 : index
    %get3A_4 = vector.load %arg2[%get3A_2, %get3A_3] : memref<128x128xf32, #tpu.memory_space<vmem>>, vector<128x128xf32>
    %dot_general3A = arith.constant dense<0.000000e+00> : vector<2000x128xf32>
    %dot_general3A_5 = tpu.matmul %get3A_1, %get3A_4, %dot_general3A {dimension_numbers = #tpu.dot_dimension_numbers<[1], [0], [0], [1], [0, 0, 1, 1], [], []>, transpose_lhs_hint = false} : vector<2000x128xf32>, vector<128x128xf32>, vector<2000x128xf32> -> vector<2000x128xf32>
    %get3A_6 = arith.constant 0 : index
    %get3A_7 = arith.constant 0 : index
    %get3A_8 = vector.load %arg3[%get3A_6, %get3A_7] : memref<1x128xf32, #tpu.memory_space<vmem>>, vector<1x128xf32>
    %add3A = vector.broadcast %get3A_8 : vector<1x128xf32> to vector<2000x128xf32>
    %add3A_9 = arith.addf %dot_general3A_5, %add3A : vector<2000x128xf32>
    %max3A = arith.constant 0.000000e+00 : f32
    %max3A_10 = vector.broadcast %max3A : f32 to vector<2000x128xf32>
    %max3A_11 = arith.maximumf %add3A_9, %max3A_10 : vector<2000x128xf32>
    %swap3A = arith.constant 0 : index
    %swap3A_12 = arith.constant 0 : index
    %swap3A_13 = vector.load %arg4[%swap3A, %swap3A_12] : memref<2000x128xf32, #tpu.memory_space<vmem>>, vector<2000x128xf32>
    tpu.vector_store %arg4[%swap3A, %swap3A_12], %max3A_11 {strides = array<i32>} : memref<2000x128xf32, #tpu.memory_space<vmem>>, vector<2000x128xf32>,
    return
  }
  func.func @transform_0(%arg0: i32) -> (i32, i32) {
    %c0_i32 = arith.constant 0 : i32
    %c0_i32_0 = arith.constant 0 : i32
    return %arg0, %c0_i32 : i32, i32
  }
  func.func @transform_1(%arg0: i32) -> (i32, i32) {
    %c0_i32 = arith.constant 0 : i32
    %c0_i32_0 = arith.constant 0 : i32
    %c0_i32_1 = arith.constant 0 : i32
    return %c0_i32, %c0_i32_0 : i32, i32
  }
  func.func @transform_2(%arg0: i32) -> (i32, i32) {
    %c0_i32 = arith.constant 0 : i32
    %c0_i32_0 = arith.constant 0 : i32
    %c0_i32_1 = arith.constant 0 : i32
    return %c0_i32, %c0_i32_0 : i32, i32
  }
  func.func @transform_3(%arg0: i32) -> (i32, i32) {
    %c0_i32 = arith.constant 0 : i32
    %c0_i32_0 = arith.constant 0 : i32
    return %arg0, %c0_i32 : i32, i32
  }
}

module attributes {stable_mosaic.version = 14 : i64} {
  func.func @_tc_g0_body(%arg0: i32, %arg1: memref<2000x128xf32, #tpu.memory_space<vmem>>, %arg2: memref<2000x2xf32, #tpu.memory_space<vmem>>, %arg3: memref<128x128xf32, #tpu.memory_space<vmem>>, %arg4: memref<2000x128xf32, #tpu.memory_space<vmem>>) attributes {dimension_semantics = [#tpu.dimension_semantics<arbitrary>], iteration_bounds = array<i64: 5>, scalar_prefetch = 0 : i64, scratch_operands = 0 : i64, tpu.core_type = #tpu.core_type<tc>, window_params = [{transform_indices = @transform_0, window_bounds = array<i64: 2000, 128>}, {transform_indices = @transform_1, window_bounds = array<i64: 2000, 2>}, {pipeline_mode = #tpu.pipeline_mode<synchronous>, transform_indices = @transform_2, window_bounds = array<i64: 128, 128>}, {transform_indices = @transform_3, window_bounds = array<i64: 2000, 128>}]} {
    %get3A = arith.constant 0 : index
    %get3A_0 = arith.constant 0 : index
    %get3A_1 = vector.load %arg2[%get3A, %get3A_0] : memref<2000x2xf32, #tpu.memory_space<vmem>>, vector<2000x1xf32>
    %get3A_2 = vector.shape_cast %get3A_1 : vector<2000x1xf32> to vector<2000xf32>
    %get3A_3 = arith.constant 0 : index
    %get3A_4 = arith.constant 1 : index
    %get3A_5 = vector.load %arg2[%get3A_3, %get3A_4] : memref<2000x2xf32, #tpu.memory_space<vmem>>, vector<2000x1xf32>
    %get3A_6 = vector.shape_cast %get3A_5 : vector<2000x1xf32> to vector<2000xf32>
    %add3A = arith.addf %get3A_2, %get3A_6 : vector<2000xf32>
    %add3A_7 = arith.constant 1.000000e+00 : f32
    %add3A_8 = vector.broadcast %add3A_7 : f32 to vector<2000xf32>
    %add3A_9 = arith.addf %add3A, %add3A_8 : vector<2000xf32>
    %rsqrt3A = math.rsqrt %add3A_9 : vector<2000xf32>
    %broadcast_in_dim3A = vector.shape_cast %rsqrt3A : vector<2000xf32> to vector<2000x1xf32>
    %get3A_10 = arith.constant 0 : index
    %get3A_11 = arith.constant 0 : index
    %get3A_12 = vector.load %arg1[%get3A_10, %get3A_11] : memref<2000x128xf32, #tpu.memory_space<vmem>>, vector<2000x128xf32>
    %mul3A = vector.broadcast %broadcast_in_dim3A : vector<2000x1xf32> to vector<2000x128xf32>
    %mul3A_13 = arith.mulf %mul3A, %get3A_12 : vector<2000x128xf32>
    %get3A_14 = arith.constant 0 : index
    %get3A_15 = arith.constant 0 : index
    %get3A_16 = vector.load %arg3[%get3A_14, %get3A_15] : memref<128x128xf32, #tpu.memory_space<vmem>>, vector<128x128xf32>
    %dot_general3A = arith.constant dense<0.000000e+00> : vector<2000x128xf32>
    %dot_general3A_17 = tpu.matmul %mul3A_13, %get3A_16, %dot_general3A {dimension_numbers = #tpu.dot_dimension_numbers<[1], [0], [0], [1], [0, 0, 1, 1], [], []>, transpose_lhs_hint = false} : vector<2000x128xf32>, vector<128x128xf32>, vector<2000x128xf32> -> vector<2000x128xf32>
    %swap3A = arith.constant 0 : index
    %swap3A_18 = arith.constant 0 : index
    %swap3A_19 = vector.load %arg4[%swap3A, %swap3A_18] : memref<2000x128xf32, #tpu.memory_space<vmem>>, vector<2000x128xf32>
    tpu.vector_store %arg4[%swap3A, %swap3A_18], %dot_general3A_17 {strides = array<i32>} : memref<2000x128xf32, #tpu.memory_space<vmem>>, vector<2000x128xf32>,
    return
  }
  func.func @transform_0(%arg0: i32) -> (i32, i32) {
    %c0_i32 = arith.constant 0 : i32
    %c0_i32_0 = arith.constant 0 : i32
    return %arg0, %c0_i32 : i32, i32
  }
  func.func @transform_1(%arg0: i32) -> (i32, i32) {
    %c0_i32 = arith.constant 0 : i32
    %c0_i32_0 = arith.constant 0 : i32
    return %arg0, %c0_i32 : i32, i32
  }
  func.func @transform_2(%arg0: i32) -> (i32, i32) {
    %c0_i32 = arith.constant 0 : i32
    %c0_i32_0 = arith.constant 0 : i32
    %c0_i32_1 = arith.constant 0 : i32
    return %c0_i32, %c0_i32_0 : i32, i32
  }
  func.func @transform_3(%arg0: i32) -> (i32, i32) {
    %c0_i32 = arith.constant 0 : i32
    %c0_i32_0 = arith.constant 0 : i32
    return %arg0, %c0_i32 : i32, i32
  }
}

module attributes {stable_mosaic.version = 14 : i64} {
  func.func @_tc_post_body(%arg0: i32, %arg1: memref<1x2000x128xf32, #tpu.memory_space<vmem>>, %arg2: memref<1x2000x128xf32, #tpu.memory_space<vmem>>, %arg3: memref<2000x2xf32, #tpu.memory_space<vmem>>, %arg4: memref<1x128xf32, #tpu.memory_space<vmem>>, %arg5: memref<2000x128xf32, #tpu.memory_space<vmem>>, %arg6: memref<1x128xf32, #tpu.memory_space<vmem>>, %arg7: memref<1x128xf32, #tpu.memory_space<vmem>>) attributes {dimension_semantics = [#tpu.dimension_semantics<arbitrary>], iteration_bounds = array<i64: 5>, scalar_prefetch = 0 : i64, scratch_operands = 0 : i64, tpu.core_type = #tpu.core_type<tc>, window_params = [{transform_indices = @transform_0, window_bounds = array<i64: 1, 2000, 128>}, {transform_indices = @transform_1, window_bounds = array<i64: 1, 2000, 128>}, {transform_indices = @transform_2, window_bounds = array<i64: 2000, 2>}, {pipeline_mode = #tpu.pipeline_mode<synchronous>, transform_indices = @transform_3, window_bounds = array<i64: 1, 128>}, {transform_indices = @transform_4, window_bounds = array<i64: 2000, 128>}, {pipeline_mode = #tpu.pipeline_mode<synchronous>, transform_indices = @transform_5, window_bounds = array<i64: 1, 128>}, {pipeline_mode = #tpu.pipeline_mode<synchronous>, transform_indices = @transform_6, window_bounds = array<i64: 1, 128>}]} {
    %get3A = arith.constant 0 : index
    %get3A_0 = arith.constant 0 : index
    %get3A_1 = vector.load %arg3[%get3A, %get3A_0] : memref<2000x2xf32, #tpu.memory_space<vmem>>, vector<2000x1xf32>
    %get3A_2 = vector.shape_cast %get3A_1 : vector<2000x1xf32> to vector<2000xf32>
    %get3A_3 = arith.constant 0 : index
    %get3A_4 = arith.constant 1 : index
    %get3A_5 = vector.load %arg3[%get3A_3, %get3A_4] : memref<2000x2xf32, #tpu.memory_space<vmem>>, vector<2000x1xf32>
    %get3A_6 = vector.shape_cast %get3A_5 : vector<2000x1xf32> to vector<2000xf32>
    %add3A = arith.addf %get3A_2, %get3A_6 : vector<2000xf32>
    %add3A_7 = arith.constant 1.000000e+00 : f32
    %add3A_8 = vector.broadcast %add3A_7 : f32 to vector<2000xf32>
    %add3A_9 = arith.addf %add3A, %add3A_8 : vector<2000xf32>
    %rsqrt3A = math.rsqrt %add3A_9 : vector<2000xf32>
    %broadcast_in_dim3A = vector.shape_cast %rsqrt3A : vector<2000xf32> to vector<2000x1xf32>
    %get3A_10 = arith.constant 0 : index
    %get3A_11 = arith.constant 0 : index
    %get3A_12 = arith.constant 0 : index
    %get3A_13 = vector.load %arg1[%get3A_10, %get3A_11, %get3A_12] : memref<1x2000x128xf32, #tpu.memory_space<vmem>>, vector<1x2000x128xf32>
    %get3A_14 = vector.shape_cast %get3A_13 : vector<1x2000x128xf32> to vector<2000x128xf32>
    %get3A_15 = arith.constant 0 : index
    %get3A_16 = arith.constant 0 : index
    %get3A_17 = arith.constant 0 : index
    %get3A_18 = vector.load %arg2[%get3A_15, %get3A_16, %get3A_17] : memref<1x2000x128xf32, #tpu.memory_space<vmem>>, vector<1x2000x128xf32>
    %get3A_19 = vector.shape_cast %get3A_18 : vector<1x2000x128xf32> to vector<2000x128xf32>
    %add3A_20 = arith.addf %get3A_14, %get3A_19 : vector<2000x128xf32>
    %mul3A = vector.broadcast %broadcast_in_dim3A : vector<2000x1xf32> to vector<2000x128xf32>
    %mul3A_21 = arith.mulf %mul3A, %add3A_20 : vector<2000x128xf32>
    %get3A_22 = arith.constant 0 : index
    %get3A_23 = arith.constant 0 : index
    %get3A_24 = vector.load %arg4[%get3A_22, %get3A_23] : memref<1x128xf32, #tpu.memory_space<vmem>>, vector<1x128xf32>
    %add3A_25 = vector.broadcast %get3A_24 : vector<1x128xf32> to vector<2000x128xf32>
    %add3A_26 = arith.addf %mul3A_21, %add3A_25 : vector<2000x128xf32>
    %swap3A = arith.constant 0 : index
    %swap3A_27 = arith.constant 0 : index
    %swap3A_28 = vector.load %arg5[%swap3A, %swap3A_27] : memref<2000x128xf32, #tpu.memory_space<vmem>>, vector<2000x128xf32>
    tpu.vector_store %arg5[%swap3A, %swap3A_27], %add3A_26 {strides = array<i32>} : memref<2000x128xf32, #tpu.memory_space<vmem>>, vector<2000x128xf32>,
    %eq3A = arith.constant 0 : i32
    %eq3A_29 = arith.cmpi eq, %arg0, %eq3A : i32
    %convert_element_type3A = arith.extui %eq3A_29 : i1 to i32
    %cond3A = arith.constant 0 : i32
    %cond3A_30 = arith.cmpi ne, %convert_element_type3A, %cond3A : i32
    scf.if %cond3A_30 {
      %broadcast_in_dim3A_51 = arith.constant 0.000000e+00 : f32
      %broadcast_in_dim3A_52 = vector.broadcast %broadcast_in_dim3A_51 : f32 to vector<1x128xf32>
      %swap3A_53 = arith.constant 0 : index
      %swap3A_54 = arith.constant 0 : index
      %swap3A_55 = vector.load %arg6[%swap3A_53, %swap3A_54] : memref<1x128xf32, #tpu.memory_space<vmem>>, vector<1x128xf32>
      tpu.vector_store %arg6[%swap3A_53, %swap3A_54], %broadcast_in_dim3A_52 {strides = array<i32>} : memref<1x128xf32, #tpu.memory_space<vmem>>, vector<1x128xf32>,
      %broadcast_in_dim3A_56 = arith.constant 0.000000e+00 : f32
      %broadcast_in_dim3A_57 = vector.broadcast %broadcast_in_dim3A_56 : f32 to vector<1x128xf32>
      %swap3A_58 = arith.constant 0 : index
      %swap3A_59 = arith.constant 0 : index
      %swap3A_60 = vector.load %arg7[%swap3A_58, %swap3A_59] : memref<1x128xf32, #tpu.memory_space<vmem>>, vector<1x128xf32>
      tpu.vector_store %arg7[%swap3A_58, %swap3A_59], %broadcast_in_dim3A_57 {strides = array<i32>} : memref<1x128xf32, #tpu.memory_space<vmem>>, vector<1x128xf32>,
    } else {
    }
    %get3A_31 = arith.constant 0 : index
    %get3A_32 = arith.constant 0 : index
    %get3A_33 = vector.load %arg6[%get3A_31, %get3A_32] : memref<1x128xf32, #tpu.memory_space<vmem>>, vector<1x128xf32>
    %reduce_sum3A = arith.constant dense<0.000000e+00> : vector<128xf32>
    %reduce_sum3A_34 = vector.multi_reduction <add>, %add3A_26, %reduce_sum3A [0] : vector<2000x128xf32> to vector<128xf32>
    %broadcast_in_dim3A_35 = vector.shape_cast %reduce_sum3A_34 : vector<128xf32> to vector<1x128xf32>
    %add3A_36 = arith.addf %get3A_33, %broadcast_in_dim3A_35 : vector<1x128xf32>
    %swap3A_37 = arith.constant 0 : index
    %swap3A_38 = arith.constant 0 : index
    %swap3A_39 = vector.load %arg6[%swap3A_37, %swap3A_38] : memref<1x128xf32, #tpu.memory_space<vmem>>, vector<1x128xf32>
    tpu.vector_store %arg6[%swap3A_37, %swap3A_38], %add3A_36 {strides = array<i32>} : memref<1x128xf32, #tpu.memory_space<vmem>>, vector<1x128xf32>,
    %get3A_40 = arith.constant 0 : index
    %get3A_41 = arith.constant 0 : index
    %get3A_42 = vector.load %arg7[%get3A_40, %get3A_41] : memref<1x128xf32, #tpu.memory_space<vmem>>, vector<1x128xf32>
    %mul3A_43 = arith.mulf %add3A_26, %add3A_26 : vector<2000x128xf32>
    %reduce_sum3A_44 = arith.constant dense<0.000000e+00> : vector<128xf32>
    %reduce_sum3A_45 = vector.multi_reduction <add>, %mul3A_43, %reduce_sum3A_44 [0] : vector<2000x128xf32> to vector<128xf32>
    %broadcast_in_dim3A_46 = vector.shape_cast %reduce_sum3A_45 : vector<128xf32> to vector<1x128xf32>
    %add3A_47 = arith.addf %get3A_42, %broadcast_in_dim3A_46 : vector<1x128xf32>
    %swap3A_48 = arith.constant 0 : index
    %swap3A_49 = arith.constant 0 : index
    %swap3A_50 = vector.load %arg7[%swap3A_48, %swap3A_49] : memref<1x128xf32, #tpu.memory_space<vmem>>, vector<1x128xf32>
    tpu.vector_store %arg7[%swap3A_48, %swap3A_49], %add3A_47 {strides = array<i32>} : memref<1x128xf32, #tpu.memory_space<vmem>>, vector<1x128xf32>,
    return
  }
  func.func @transform_0(%arg0: i32) -> (i32, i32, i32) {
    %c0_i32 = arith.constant 0 : i32
    %c0_i32_0 = arith.constant 0 : i32
    %c0_i32_1 = arith.constant 0 : i32
    return %c0_i32, %arg0, %c0_i32_0 : i32, i32, i32
  }
  func.func @transform_1(%arg0: i32) -> (i32, i32, i32) {
    %c1_i32 = arith.constant 1 : i32
    %c0_i32 = arith.constant 0 : i32
    %c0_i32_0 = arith.constant 0 : i32
    return %c1_i32, %arg0, %c0_i32 : i32, i32, i32
  }
  func.func @transform_2(%arg0: i32) -> (i32, i32) {
    %c0_i32 = arith.constant 0 : i32
    %c0_i32_0 = arith.constant 0 : i32
    return %arg0, %c0_i32 : i32, i32
  }
  func.func @transform_3(%arg0: i32) -> (i32, i32) {
    %c0_i32 = arith.constant 0 : i32
    %c0_i32_0 = arith.constant 0 : i32
    %c0_i32_1 = arith.constant 0 : i32
    return %c0_i32, %c0_i32_0 : i32, i32
  }
  func.func @transform_4(%arg0: i32) -> (i32, i32) {
    %c0_i32 = arith.constant 0 : i32
    %c0_i32_0 = arith.constant 0 : i32
    return %arg0, %c0_i32 : i32, i32
  }
  func.func @transform_5(%arg0: i32) -> (i32, i32) {
    %c0_i32 = arith.constant 0 : i32
    %c0_i32_0 = arith.constant 0 : i32
    %c0_i32_1 = arith.constant 0 : i32
    return %c0_i32, %c0_i32_0 : i32, i32
  }
  func.func @transform_6(%arg0: i32) -> (i32, i32) {
    %c0_i32 = arith.constant 0 : i32
    %c0_i32_0 = arith.constant 0 : i32
    %c0_i32_1 = arith.constant 0 : i32
    return %c0_i32, %c0_i32_0 : i32, i32
  }
}

module attributes {stable_mosaic.version = 14 : i64} {
  func.func @_tc_mid_body(%arg0: i32, %arg1: memref<2000x128xf32, #tpu.memory_space<vmem>>, %arg2: memref<1x128xf32, #tpu.memory_space<vmem>>, %arg3: memref<1x128xf32, #tpu.memory_space<vmem>>, %arg4: memref<1x128xf32, #tpu.memory_space<vmem>>, %arg5: memref<1x128xf32, #tpu.memory_space<vmem>>, %arg6: memref<2000x2xf32, #tpu.memory_space<vmem>>, %arg7: memref<128x128xf32, #tpu.memory_space<vmem>>, %arg8: memref<2000x128xf32, #tpu.memory_space<vmem>>) attributes {dimension_semantics = [#tpu.dimension_semantics<arbitrary>], iteration_bounds = array<i64: 5>, scalar_prefetch = 0 : i64, scratch_operands = 0 : i64, tpu.core_type = #tpu.core_type<tc>, window_params = [{transform_indices = @transform_0, window_bounds = array<i64: 2000, 128>}, {pipeline_mode = #tpu.pipeline_mode<synchronous>, transform_indices = @transform_1, window_bounds = array<i64: 1, 128>}, {pipeline_mode = #tpu.pipeline_mode<synchronous>, transform_indices = @transform_2, window_bounds = array<i64: 1, 128>}, {pipeline_mode = #tpu.pipeline_mode<synchronous>, transform_indices = @transform_3, window_bounds = array<i64: 1, 128>}, {pipeline_mode = #tpu.pipeline_mode<synchronous>, transform_indices = @transform_4, window_bounds = array<i64: 1, 128>}, {transform_indices = @transform_5, window_bounds = array<i64: 2000, 2>}, {pipeline_mode = #tpu.pipeline_mode<synchronous>, transform_indices = @transform_6, window_bounds = array<i64: 128, 128>}, {transform_indices = @transform_7, window_bounds = array<i64: 2000, 128>}]} {
    %get3A = arith.constant 0 : index
    %get3A_0 = arith.constant 0 : index
    %get3A_1 = vector.load %arg2[%get3A, %get3A_0] : memref<1x128xf32, #tpu.memory_space<vmem>>, vector<1x128xf32>
    %mul3A = arith.constant 9.99999974E-5 : f32
    %mul3A_2 = vector.broadcast %mul3A : f32 to vector<1x128xf32>
    %mul3A_3 = arith.mulf %get3A_1, %mul3A_2 : vector<1x128xf32>
    %get3A_4 = arith.constant 0 : index
    %get3A_5 = arith.constant 0 : index
    %get3A_6 = vector.load %arg3[%get3A_4, %get3A_5] : memref<1x128xf32, #tpu.memory_space<vmem>>, vector<1x128xf32>
    %mul3A_7 = arith.constant 9.99999974E-5 : f32
    %mul3A_8 = vector.broadcast %mul3A_7 : f32 to vector<1x128xf32>
    %mul3A_9 = arith.mulf %get3A_6, %mul3A_8 : vector<1x128xf32>
    %mul3A_10 = arith.mulf %mul3A_3, %mul3A_3 : vector<1x128xf32>
    %sub3A = arith.subf %mul3A_9, %mul3A_10 : vector<1x128xf32>
    %get3A_11 = arith.constant 0 : index
    %get3A_12 = arith.constant 0 : index
    %get3A_13 = vector.load %arg1[%get3A_11, %get3A_12] : memref<2000x128xf32, #tpu.memory_space<vmem>>, vector<2000x128xf32>
    %sub3A_14 = vector.broadcast %mul3A_3 : vector<1x128xf32> to vector<2000x128xf32>
    %sub3A_15 = arith.subf %get3A_13, %sub3A_14 : vector<2000x128xf32>
    %add3A = arith.constant 9.99999974E-6 : f32
    %add3A_16 = vector.broadcast %add3A : f32 to vector<1x128xf32>
    %add3A_17 = arith.addf %sub3A, %add3A_16 : vector<1x128xf32>
    %rsqrt3A = math.rsqrt %add3A_17 : vector<1x128xf32>
    %mul3A_18 = vector.broadcast %rsqrt3A : vector<1x128xf32> to vector<2000x128xf32>
    %mul3A_19 = arith.mulf %sub3A_15, %mul3A_18 : vector<2000x128xf32>
    %get3A_20 = arith.constant 0 : index
    %get3A_21 = arith.constant 0 : index
    %get3A_22 = vector.load %arg4[%get3A_20, %get3A_21] : memref<1x128xf32, #tpu.memory_space<vmem>>, vector<1x128xf32>
    %mul3A_23 = vector.broadcast %get3A_22 : vector<1x128xf32> to vector<2000x128xf32>
    %mul3A_24 = arith.mulf %mul3A_19, %mul3A_23 : vector<2000x128xf32>
    %get3A_25 = arith.constant 0 : index
    %get3A_26 = arith.constant 0 : index
    %get3A_27 = vector.load %arg5[%get3A_25, %get3A_26] : memref<1x128xf32, #tpu.memory_space<vmem>>, vector<1x128xf32>
    %add3A_28 = vector.broadcast %get3A_27 : vector<1x128xf32> to vector<2000x128xf32>
    %add3A_29 = arith.addf %mul3A_24, %add3A_28 : vector<2000x128xf32>
    %max3A = arith.constant 0.000000e+00 : f32
    %max3A_30 = vector.broadcast %max3A : f32 to vector<2000x128xf32>
    %max3A_31 = arith.maximumf %add3A_29, %max3A_30 : vector<2000x128xf32>
    %get3A_32 = arith.constant 0 : index
    %get3A_33 = arith.constant 0 : index
    %get3A_34 = vector.load %arg6[%get3A_32, %get3A_33] : memref<2000x2xf32, #tpu.memory_space<vmem>>, vector<2000x1xf32>
    %get3A_35 = vector.shape_cast %get3A_34 : vector<2000x1xf32> to vector<2000xf32>
    %get3A_36 = arith.constant 0 : index
    %get3A_37 = arith.constant 1 : index
    %get3A_38 = vector.load %arg6[%get3A_36, %get3A_37] : memref<2000x2xf32, #tpu.memory_space<vmem>>, vector<2000x1xf32>
    %get3A_39 = vector.shape_cast %get3A_38 : vector<2000x1xf32> to vector<2000xf32>
    %add3A_40 = arith.addf %get3A_35, %get3A_39 : vector<2000xf32>
    %add3A_41 = arith.constant 1.000000e+00 : f32
    %add3A_42 = vector.broadcast %add3A_41 : f32 to vector<2000xf32>
    %add3A_43 = arith.addf %add3A_40, %add3A_42 : vector<2000xf32>
    %rsqrt3A_44 = math.rsqrt %add3A_43 : vector<2000xf32>
    %broadcast_in_dim3A = vector.shape_cast %rsqrt3A_44 : vector<2000xf32> to vector<2000x1xf32>
    %mul3A_45 = vector.broadcast %broadcast_in_dim3A : vector<2000x1xf32> to vector<2000x128xf32>
    %mul3A_46 = arith.mulf %mul3A_45, %max3A_31 : vector<2000x128xf32>
    %get3A_47 = arith.constant 0 : index
    %get3A_48 = arith.constant 0 : index
    %get3A_49 = vector.load %arg7[%get3A_47, %get3A_48] : memref<128x128xf32, #tpu.memory_space<vmem>>, vector<128x128xf32>
    %dot_general3A = arith.constant dense<0.000000e+00> : vector<2000x128xf32>
    %dot_general3A_50 = tpu.matmul %mul3A_46, %get3A_49, %dot_general3A {dimension_numbers = #tpu.dot_dimension_numbers<[1], [0], [0], [1], [0, 0, 1, 1], [], []>, transpose_lhs_hint = false} : vector<2000x128xf32>, vector<128x128xf32>, vector<2000x128xf32> -> vector<2000x128xf32>
    %swap3A = arith.constant 0 : index
    %swap3A_51 = arith.constant 0 : index
    %swap3A_52 = vector.load %arg8[%swap3A, %swap3A_51] : memref<2000x128xf32, #tpu.memory_space<vmem>>, vector<2000x128xf32>
    tpu.vector_store %arg8[%swap3A, %swap3A_51], %dot_general3A_50 {strides = array<i32>} : memref<2000x128xf32, #tpu.memory_space<vmem>>, vector<2000x128xf32>,
    return
  }
  func.func @transform_0(%arg0: i32) -> (i32, i32) {
    %c0_i32 = arith.constant 0 : i32
    %c0_i32_0 = arith.constant 0 : i32
    return %arg0, %c0_i32 : i32, i32
  }
  func.func @transform_1(%arg0: i32) -> (i32, i32) {
    %c0_i32 = arith.constant 0 : i32
    %c0_i32_0 = arith.constant 0 : i32
    %c0_i32_1 = arith.constant 0 : i32
    return %c0_i32, %c0_i32_0 : i32, i32
  }
  func.func @transform_2(%arg0: i32) -> (i32, i32) {
    %c0_i32 = arith.constant 0 : i32
    %c0_i32_0 = arith.constant 0 : i32
    %c0_i32_1 = arith.constant 0 : i32
    return %c0_i32, %c0_i32_0 : i32, i32
  }
  func.func @transform_3(%arg0: i32) -> (i32, i32) {
    %c0_i32 = arith.constant 0 : i32
    %c0_i32_0 = arith.constant 0 : i32
    %c0_i32_1 = arith.constant 0 : i32
    return %c0_i32, %c0_i32_0 : i32, i32
  }
  func.func @transform_4(%arg0: i32) -> (i32, i32) {
    %c0_i32 = arith.constant 0 : i32
    %c0_i32_0 = arith.constant 0 : i32
    %c0_i32_1 = arith.constant 0 : i32
    return %c0_i32, %c0_i32_0 : i32, i32
  }
  func.func @transform_5(%arg0: i32) -> (i32, i32) {
    %c0_i32 = arith.constant 0 : i32
    %c0_i32_0 = arith.constant 0 : i32
    return %arg0, %c0_i32 : i32, i32
  }
  func.func @transform_6(%arg0: i32) -> (i32, i32) {
    %c0_i32 = arith.constant 0 : i32
    %c0_i32_0 = arith.constant 0 : i32
    %c0_i32_1 = arith.constant 0 : i32
    return %c0_i32, %c0_i32_0 : i32, i32
  }
  func.func @transform_7(%arg0: i32) -> (i32, i32) {
    %c0_i32 = arith.constant 0 : i32
    %c0_i32_0 = arith.constant 0 : i32
    return %arg0, %c0_i32 : i32, i32
  }
}

module attributes {stable_mosaic.version = 14 : i64} {
  func.func @_tc_out_body(%arg0: i32, %arg1: memref<2000x128xf32, #tpu.memory_space<vmem>>, %arg2: memref<1x128xf32, #tpu.memory_space<vmem>>, %arg3: memref<1x128xf32, #tpu.memory_space<vmem>>, %arg4: memref<1x128xf32, #tpu.memory_space<vmem>>, %arg5: memref<1x128xf32, #tpu.memory_space<vmem>>, %arg6: memref<128x128xf32, #tpu.memory_space<vmem>>, %arg7: memref<1x128xf32, #tpu.memory_space<vmem>>, %arg8: memref<2000x128xf32, #tpu.memory_space<vmem>>) attributes {dimension_semantics = [#tpu.dimension_semantics<arbitrary>], iteration_bounds = array<i64: 5>, scalar_prefetch = 0 : i64, scratch_operands = 0 : i64, tpu.core_type = #tpu.core_type<tc>, window_params = [{transform_indices = @transform_0, window_bounds = array<i64: 2000, 128>}, {pipeline_mode = #tpu.pipeline_mode<synchronous>, transform_indices = @transform_1, window_bounds = array<i64: 1, 128>}, {pipeline_mode = #tpu.pipeline_mode<synchronous>, transform_indices = @transform_2, window_bounds = array<i64: 1, 128>}, {pipeline_mode = #tpu.pipeline_mode<synchronous>, transform_indices = @transform_3, window_bounds = array<i64: 1, 128>}, {pipeline_mode = #tpu.pipeline_mode<synchronous>, transform_indices = @transform_4, window_bounds = array<i64: 1, 128>}, {pipeline_mode = #tpu.pipeline_mode<synchronous>, transform_indices = @transform_5, window_bounds = array<i64: 128, 128>}, {pipeline_mode = #tpu.pipeline_mode<synchronous>, transform_indices = @transform_6, window_bounds = array<i64: 1, 128>}, {transform_indices = @transform_7, window_bounds = array<i64: 2000, 128>}]} {
    %get3A = arith.constant 0 : index
    %get3A_0 = arith.constant 0 : index
    %get3A_1 = vector.load %arg2[%get3A, %get3A_0] : memref<1x128xf32, #tpu.memory_space<vmem>>, vector<1x128xf32>
    %mul3A = arith.constant 9.99999974E-5 : f32
    %mul3A_2 = vector.broadcast %mul3A : f32 to vector<1x128xf32>
    %mul3A_3 = arith.mulf %get3A_1, %mul3A_2 : vector<1x128xf32>
    %get3A_4 = arith.constant 0 : index
    %get3A_5 = arith.constant 0 : index
    %get3A_6 = vector.load %arg3[%get3A_4, %get3A_5] : memref<1x128xf32, #tpu.memory_space<vmem>>, vector<1x128xf32>
    %mul3A_7 = arith.constant 9.99999974E-5 : f32
    %mul3A_8 = vector.broadcast %mul3A_7 : f32 to vector<1x128xf32>
    %mul3A_9 = arith.mulf %get3A_6, %mul3A_8 : vector<1x128xf32>
    %mul3A_10 = arith.mulf %mul3A_3, %mul3A_3 : vector<1x128xf32>
    %sub3A = arith.subf %mul3A_9, %mul3A_10 : vector<1x128xf32>
    %get3A_11 = arith.constant 0 : index
    %get3A_12 = arith.constant 0 : index
    %get3A_13 = vector.load %arg1[%get3A_11, %get3A_12] : memref<2000x128xf32, #tpu.memory_space<vmem>>, vector<2000x128xf32>
    %sub3A_14 = vector.broadcast %mul3A_3 : vector<1x128xf32> to vector<2000x128xf32>
    %sub3A_15 = arith.subf %get3A_13, %sub3A_14 : vector<2000x128xf32>
    %add3A = arith.constant 9.99999974E-6 : f32
    %add3A_16 = vector.broadcast %add3A : f32 to vector<1x128xf32>
    %add3A_17 = arith.addf %sub3A, %add3A_16 : vector<1x128xf32>
    %rsqrt3A = math.rsqrt %add3A_17 : vector<1x128xf32>
    %mul3A_18 = vector.broadcast %rsqrt3A : vector<1x128xf32> to vector<2000x128xf32>
    %mul3A_19 = arith.mulf %sub3A_15, %mul3A_18 : vector<2000x128xf32>
    %get3A_20 = arith.constant 0 : index
    %get3A_21 = arith.constant 0 : index
    %get3A_22 = vector.load %arg4[%get3A_20, %get3A_21] : memref<1x128xf32, #tpu.memory_space<vmem>>, vector<1x128xf32>
    %mul3A_23 = vector.broadcast %get3A_22 : vector<1x128xf32> to vector<2000x128xf32>
    %mul3A_24 = arith.mulf %mul3A_19, %mul3A_23 : vector<2000x128xf32>
    %get3A_25 = arith.constant 0 : index
    %get3A_26 = arith.constant 0 : index
    %get3A_27 = vector.load %arg5[%get3A_25, %get3A_26] : memref<1x128xf32, #tpu.memory_space<vmem>>, vector<1x128xf32>
    %add3A_28 = vector.broadcast %get3A_27 : vector<1x128xf32> to vector<2000x128xf32>
    %add3A_29 = arith.addf %mul3A_24, %add3A_28 : vector<2000x128xf32>
    %max3A = arith.constant 0.000000e+00 : f32
    %max3A_30 = vector.broadcast %max3A : f32 to vector<2000x128xf32>
    %max3A_31 = arith.maximumf %add3A_29, %max3A_30 : vector<2000x128xf32>
    %get3A_32 = arith.constant 0 : index
    %get3A_33 = arith.constant 0 : index
    %get3A_34 = vector.load %arg6[%get3A_32, %get3A_33] : memref<128x128xf32, #tpu.memory_space<vmem>>, vector<128x128xf32>
    %dot_general3A = arith.constant dense<0.000000e+00> : vector<2000x128xf32>
    %dot_general3A_35 = tpu.matmul %max3A_31, %get3A_34, %dot_general3A {dimension_numbers = #tpu.dot_dimension_numbers<[1], [0], [0], [1], [0, 0, 1, 1], [], []>, transpose_lhs_hint = false} : vector<2000x128xf32>, vector<128x128xf32>, vector<2000x128xf32> -> vector<2000x128xf32>
    %get3A_36 = arith.constant 0 : index
    %get3A_37 = arith.constant 0 : index
    %get3A_38 = vector.load %arg7[%get3A_36, %get3A_37] : memref<1x128xf32, #tpu.memory_space<vmem>>, vector<1x128xf32>
    %add3A_39 = vector.broadcast %get3A_38 : vector<1x128xf32> to vector<2000x128xf32>
    %add3A_40 = arith.addf %dot_general3A_35, %add3A_39 : vector<2000x128xf32>
    %swap3A = arith.constant 0 : index
    %swap3A_41 = arith.constant 0 : index
    %swap3A_42 = vector.load %arg8[%swap3A, %swap3A_41] : memref<2000x128xf32, #tpu.memory_space<vmem>>, vector<2000x128xf32>
    tpu.vector_store %arg8[%swap3A, %swap3A_41], %add3A_40 {strides = array<i32>} : memref<2000x128xf32, #tpu.memory_space<vmem>>, vector<2000x128xf32>,
    return
  }
  func.func @transform_0(%arg0: i32) -> (i32, i32) {
    %c0_i32 = arith.constant 0 : i32
    %c0_i32_0 = arith.constant 0 : i32
    return %arg0, %c0_i32 : i32, i32
  }
  func.func @transform_1(%arg0: i32) -> (i32, i32) {
    %c0_i32 = arith.constant 0 : i32
    %c0_i32_0 = arith.constant 0 : i32
    %c0_i32_1 = arith.constant 0 : i32
    return %c0_i32, %c0_i32_0 : i32, i32
  }
  func.func @transform_2(%arg0: i32) -> (i32, i32) {
    %c0_i32 = arith.constant 0 : i32
    %c0_i32_0 = arith.constant 0 : i32
    %c0_i32_1 = arith.constant 0 : i32
    return %c0_i32, %c0_i32_0 : i32, i32
  }
  func.func @transform_3(%arg0: i32) -> (i32, i32) {
    %c0_i32 = arith.constant 0 : i32
    %c0_i32_0 = arith.constant 0 : i32
    %c0_i32_1 = arith.constant 0 : i32
    return %c0_i32, %c0_i32_0 : i32, i32
  }
  func.func @transform_4(%arg0: i32) -> (i32, i32) {
    %c0_i32 = arith.constant 0 : i32
    %c0_i32_0 = arith.constant 0 : i32
    %c0_i32_1 = arith.constant 0 : i32
    return %c0_i32, %c0_i32_0 : i32, i32
  }
  func.func @transform_5(%arg0: i32) -> (i32, i32) {
    %c0_i32 = arith.constant 0 : i32
    %c0_i32_0 = arith.constant 0 : i32
    %c0_i32_1 = arith.constant 0 : i32
    return %c0_i32, %c0_i32_0 : i32, i32
  }
  func.func @transform_6(%arg0: i32) -> (i32, i32) {
    %c0_i32 = arith.constant 0 : i32
    %c0_i32_0 = arith.constant 0 : i32
    %c0_i32_1 = arith.constant 0 : i32
    return %c0_i32, %c0_i32_0 : i32, i32
  }
  func.func @transform_7(%arg0: i32) -> (i32, i32) {
    %c0_i32 = arith.constant 0 : i32
    %c0_i32_0 = arith.constant 0 : i32
    return %arg0, %c0_i32 : i32, i32
  }
}

</mosaic_0001>

<sc_bundles>
// kernel: kernel.11.cloned.1.call-start
scs
__scs_entry_jumppad:
0x0: {  	(pc) =	sbr.rel $0x88, $3  }
0x1: {  	(tag) =	ssettag $0x0;
	lr =	simm.s32 $0x1  }
0x2: {  	[smem:$0x3F93] =	sst lr;
	_ =	strace $0xD0000000  }
0x3: {  	_ = 	snop  }
0x4: {  	_ = 	snop  }
0x5: {  	_ = 	snop  }
0x6: {  	_ = 	snop  }
0x7: {  	_ = 	snop  }
__scs_overlays_trampoline_lowered:
0x8: {  	[smem:$0x3FA2] =	sst s0  }
0x9: {  	[smem:$0x3FA3] =	sst s1  }
0xa: {  	[smem:$0x3FA4] =	sst s2  }
0xb: {  	[smem:$0x3FA5] =	sst s3  }
0xc: {  	[smem:$0x3FA6] =	sst s4  }
0xd: {  	[smem:$0x3FA7] =	sst s5  }
0xe: {  	[smem:$0x3FA8] =	sst s6  }
0xf: {  	[smem:$0x3FA9] =	sst s7  }
0x10: {  	[smem:$0x3FAA] =	sst s8  }
0x11: {  	[smem:$0x3FAB] =	sst s9;
	s0 =	simm.s32 @!p0 $0x0  }
0x12: {  	s1 =	sld [smem:$0x3F91];
	s0 =	simm.s32 @p0 $0x1  }
0x13: {  	[smem:$0x3FAC] =	sst s0;
	s0 =	simm.s32 @!p1 $0x0  }
0x14: {  	s2 =	sld [smem:$0x3F90];
	s0 =	simm.s32 @p1 $0x1  }
0x15: {  	[smem:$0x3FAD] =	sst s0;
	s0 =	simm.s32 @!p2 $0x0  }
0x16: {  	s3 =	sld [smem:$0x3FDB];
	s0 =	simm.s32 @p2 $0x1  }
0x17: {  	s4 =	simm.s32 $0x1BF5;
	[smem:$0x3FAF] =	sst s0  }
0x18: {  	s0 =	sld [smem:$0x3F92];
	_ =	swait.ge [sflag:s4], $0x0  }
0x19: {  	s7 =	sld [smem:$0x3F93]  }
0x1a: {  	s8 =	sadd.s32 $0xFFFFE003, lr  }
0x1b: {  	s9 =	sadd.s32 $0xFFFFFEF7, lr;
	s5 =	simm.s32 $0xFFFFFFFF;
	p2 =	slt.u32 s8, $0xFFFFF086  }
0x1c: {  	p1 =	slt.u32 s9, $0xF7A;
	s5 =	simm.s32 @!p2 $0x0  }
0x1d: {  	s5 =	simm.s32 @p1 $0x1;
	p0 =	seq.s32 s7, s2  }
0x1e: {  	s7 =	smul.u32 @!p0 $0xF7A, s2;
	p2 =	seq.s32 @!p0 s5, $0x0  }
0x1f: {  	s9 =	smul.u32 $0xF7A, s1;
	s8 =	simm.s32 @!p0 $0x1BF5;
	p2 =	por !p2, p0  }
0x20: {  	[sflag:s8] =	ssyncset.s32 @!p0 $0xFFFFF086;
	s6 =	sadd.s32 @!p0 s3, s7;
	s7 =	simm.s32 @!p0 $0x108  }
0x21: {  	s3 =	sadd.s32 s3, s9;
	s6 =	sadd.s32 @!p0 $0x88, s6;
	s7 =	simm.s32 @p2 $0x1082  }
0x22: {  	[simem:s7], [sflag:s8] =	dma.local @!p0 [hbm:s6], $0xF7A  }
0x23: {  	s9 =	sor.u32 $0xD0000000, s2;
	s6 =	simm.s32 $0x108;
	_ =	swait.ge @!p0 [sflag:s8], $0x0  }
0x24: {  	s3 =	sadd.s32 $0x88, s3;
	s6 =	simm.s32 @!p1 $0x1082;
	[sflag:s4] =	ssyncset.s32 $0xFFFFF086  }
0x25: {  	[simem:s6], [sflag:s4] =	dma.local [hbm:s3], $0xF7A  }
0x26: {  	[smem:$0x3F93] =	sst s1;
	(tag) =	ssettag s2;
	_ =	strace s9  }
0x27: {  	s1 =	sld [smem:$0x3FA3]  }
0x28: {  	s2 =	sld [smem:$0x3FA4]  }
0x29: {  	s4 =	sld [smem:$0x3FA6]  }
0x2a: {  	p0 =	seq.s32 s5, $0x0;
	s5 =	sld [smem:$0x3FA7]  }
0x2b: {  	s6 =	sld [smem:$0x3FA8]  }
0x2c: {  	s7 =	sld [smem:$0x3FA9]  }
0x2d: {  	s3 =	simm.s32 $0x108;
	s8 =	sld [smem:$0x3FAA]  }
0x2e: {  	s3 =	simm.s32 @!p0 $0x1082;
	s9 =	sld [smem:$0x3FAB]  }
0x2f: {  	lr =	sadd.s32 s0, s3;
	s0 =	sld [smem:$0x3FA2]  }
0x30: {  	s3 =	sld [smem:$0x3FA5]  }
0x31: {  	[smem:$0x3FAE] =	sst s10  }
0x32: {  	s10 =	sld [smem:$0x3FAC];
	_ =	sdelay $0x3  }
0x33: {  	p0 =	seq.s32 s10, $0x1;
	s10 =	sld [smem:$0x3FAE];
	_ =	sdelay $0x3  }
0x34: {  	[smem:$0x3FAE] =	sst s10  }
0x35: {  	s10 =	sld [smem:$0x3FAD];
	_ =	sdelay $0x3  }
0x36: {  	p1 =	seq.s32 s10, $0x1;
	s10 =	sld [smem:$0x3FAE];
	_ =	sdelay $0x3  }
0x37: {  	[smem:$0x3FAE] =	sst s10  }
0x38: {  	s10 =	sld [smem:$0x3FAF]  }
0x39: {  	_ = 	snop;
	(pc) =	sbr.ind lr, $3  }
0x3a: {  	_ = 	snop  }
0x3b: {  	_ = 	snop  }
0x3c: {  	p2 =	seq.s32 s10, $0x1;
	s10 =	sld [smem:$0x3FAE]  }
0x3d: {  	_ =	shalt  }
0x3e: {  	_ =	shalt  }
0x3f: {  	_ =	shalt  }
0x40: {  	_ =	shalt  }
0x41: {  	_ =	shalt  }
0x42: {  	_ =	shalt  }
0x43: {  	_ =	shalt  }
0x44: {  	_ =	shalt  }
0x45: {  	_ =	shalt  }
0x46: {  	_ =	shalt  }
0x47: {  	_ =	shalt  }
0x48: {  	_ =	shalt  }
0x49: {  	_ =	shalt  }
0x4a: {  	_ =	shalt  }
0x4b: {  	_ =	shalt  }
0x4c: {  	_ =	shalt  }
0x4d: {  	_ =	shalt  }
0x4e: {  	_ =	shalt  }
0x4f: {  	_ =	shalt  }
0x50: {  	_ =	shalt  }
0x51: {  	_ =	shalt  }
0x52: {  	_ =	shalt  }
0x53: {  	_ =	shalt  }
0x54: {  	_ =	shalt  }
0x55: {  	_ =	shalt  }
0x56: {  	_ =	shalt  }
0x57: {  	_ =	shalt  }
0x58: {  	_ =	shalt  }
0x59: {  	_ =	shalt  }
0x5a: {  	_ =	shalt  }
0x5b: {  	_ =	shalt  }
0x5c: {  	_ =	shalt  }
0x5d: {  	_ =	shalt  }
0x5e: {  	_ =	shalt  }
0x5f: {  	_ =	shalt  }
0x60: {  	_ =	shalt  }
0x61: {  	_ =	shalt  }
0x62: {  	_ =	shalt  }
0x63: {  	_ =	shalt  }
0x64: {  	_ =	shalt  }
0x65: {  	_ =	shalt  }
0x66: {  	_ =	shalt  }
0x67: {  	_ =	shalt  }
0x68: {  	_ =	shalt  }
0x69: {  	_ =	shalt  }
0x6a: {  	_ =	shalt  }
0x6b: {  	_ =	shalt  }
0x6c: {  	_ =	shalt  }
0x6d: {  	_ =	shalt  }
0x6e: {  	_ =	shalt  }
0x6f: {  	_ =	shalt  }
0x70: {  	_ =	shalt  }
0x71: {  	_ =	shalt  }
0x72: {  	_ =	shalt  }
0x73: {  	_ =	shalt  }
0x74: {  	_ =	shalt  }
0x75: {  	_ =	shalt  }
0x76: {  	_ =	shalt  }
0x77: {  	_ =	shalt  }
0x78: {  	_ =	shalt  }
0x79: {  	_ =	shalt  }
0x7a: {  	_ =	shalt  }
0x7b: {  	_ =	shalt  }
0x7c: {  	_ =	shalt  }
0x7d: {  	_ =	shalt  }
0x7e: {  	_ =	shalt  }
0x7f: {  	_ =	shalt  }
0x80: {  	_ =	shalt  }
0x81: {  	_ =	shalt  }
0x82: {  	_ =	shalt  }
0x83: {  	_ =	shalt  }
0x84: {  	_ =	shalt  }
0x85: {  	_ =	shalt  }
0x86: {  	_ =	shalt  }
0x87: {  	_ =	shalt  }
.Lfunc_end0:
.L_simem_size_0:
called_computation_lowered:
.L_overlay_start_0:
0x88: {  	s2 =	sld [smem:$0x3FD9]  }
0x89: {  	s3 =	sld [smem:$0x3FFE];
	_ =	sdelay $0x1  }
0x8a: {  	s1 =	srdreg.scid  }
0x8b: {  	s0 =	sand.u32 $0x1, s1  }
0x8c: {  	s17 =	sshll.u32 s0, $0xA;
	s2 =	sadd.s32 s3, s2  }
0x8d: {  	s2 =	sadd.s32 s2, s17  }
0x8e: {  	[smem:$0x3FBA] =	sst s2  }
0x8f: {  	_ = 	snop  }
0x90: {  	s2 =	sld [smem:$0x3FC8]  }
0x91: {  	s18 =	sld [smem:$0x3FD0];
	(tm) =	ssettm $0x1  }
0x92: {  	s4 =	sld [smem:$0x3FFB];
	_ =	sdelay $0x3  }
0x93: {  	_ =	strace s4  }
0x94: {  	s4 =	sld [smem:$0x3FFC];
	_ =	sdelay $0x3  }
0x95: {  	_ =	strace s4  }
0x96: {  	s4 =	sld [smem:$0x3FFD];
	_ =	sdelay $0x3  }
0x97: {  	_ =	strace s4  }
0x98: {  	_ =	strace $0x8FFFFFFF  }
0x99: {  	s19 =	sld [smem:$0x3FDB];
	_ =	sdelay $0x1  }
0x9a: {  	s5 =	simm.s32 $_scs_section_size  }
0x9b: {  	s6 =	simm.s32 $_size__tile_overlayer_lowered;
	s7 =	simm.s32 $_tile_overlayer_lowered  }
0x9c: {  	s22 =	simm.s32 $0x1BFF;
	s21 =	sshll.u32 s7, $0x1;
	s4 =	sadd.s32 s5, s19  }
0x9d: {  	s8 =	simm.s32 $0x0;
	s20 =	sshll.u32 s6, $0x1;
	s6 =	sadd.s32 s21, s4  }
0x9e: {  	[timem:s8], [sflag:s22] =	dma.local [hbm:s6], s20  }
0x9f: {  	_ =	swait.ge [sflag:s22], s20  }
0xa0: {  	s5 =	ssub.s32 $0x0, s20;
	[sflag:s22] =	ssyncset.done $0x0  }
0xa1: {  	[sflag:s22] =	ssyncadd.s32 s5;
	_ =	sdelay $0x1  }
0xa2: {  	s23 =	simm.s32 $0x1B8B  }
0xa3: {  	_ =	swait.ge [sflag:s23], $0x1  }
0xa4: {  	[sflag:s23] =	ssyncset.done $0x0  }
0xa5: {  	s25 =	simm.s32 $0x1B8E;
	s24 =	sld [smem:$0x3FFE];
	[sflag:s23] =	ssyncadd.s32 $0xFFFFFFFF  }
0xa6: {  	s26 =	simm.s32 $execute0_lowered;
	[smem:$0x3FD2] =	sst s25  }
0xa7: {  	s6 =	sshll.u32 s26, $0x1;
	_ =	strace $0x80000046;
	[dreg:$0x1] =	wrdreg $0xFFFFFFFF  }
0xa8: {  	s28 =	simm.s32 $_size_execute0_lowered;
	s4 =	sadd.s32 s4, s6;
	[dreg:$0x0] =	wrdreg $0x0  }
0xa9: {  	s6 =	sshll.u32 s28, $0x1;
	[dreg:$0x2] =	wrdreg s4  }
0xaa: {  	[dreg:$0x3] =	wrdreg s6  }
0xab: {  	[dreg:$0x4] =	wrdreg $0xC0  }
0xac: {  	_ =	task [dreg:s8], $0x5FFFF  }
0xad: {  	[dreg:$0x1] =	wrdreg $0xFFFFFFFF  }
0xae: {  	[dreg:$0x0] =	wrdreg $0x60  }
0xaf: {  	[dreg:$0x2] =	wrdreg s2  }
0xb0: {  	[dreg:$0x3] =	wrdreg s24  }
0xb1: {  	[dreg:$0x4] =	wrdreg s18  }
0xb2: {  	[dreg:$0x5] =	wrdreg $0x4800  }
0xb3: {  	[dreg:$0x6] =	wrdreg $0x9  }
0xb4: {  	_ =	task.clear_ibuf [dreg:s8], $0x7FFFF;
	_ =	strace $0x90000046  }
0xb5: {  	s29 =	simm.s32 $0x9;
	_ =	strace $0x80000048  }
0xb6: {  	_ =	swait.ge [sflag:s29], $0x1  }
0xb7: {  	[sflag:s29] =	ssyncadd.s32 $0xFFFFFFFF  }
0xb8: {  	_ =	strace $0x90000048  }
0xb9: {  	_ =	sfence  }
0xba: {  	s30 =	sld [smem:$0x0];
	_ =	sdelay $0x2  }
0xbb: {  	s31 =	sshll.u32 s1, $0xD;
	s1 =	sshrl.u32 s1, $0x2  }
0xbc: {  	s3 =	sand.u32 $0x4000, s31;
	s1 =	sadd.s32 s1, s30  }
0xbd: {  	s0 =	sor.u32 s3, s0;
	s1 =	sshll.u32 s1, $0x11  }
0xbe: {  	s0 =	sor.u32 s1, s0  }
0xbf: {  	s0 =	sadd.s32 $0x8F2B, s0  }
0xc0: {  	[sflag:s0] =	ssyncadd.remote.s32 $0x1  }
0xc1: {  	_ =	sfence.sel $0xFFFF  }
0xc2: {  	[dreg:$0x0] =	wrdreg $0xFFFFFFFF;
	(pc) =	sbr.abs _section_cstart, $3  }
0xc3: {  	[dreg:$0x1] =	wrdreg $0xFFFFFFFF  }
0xc4: {  	_ =	task.clear_ibuf [dreg:s8], $0x2FFFF;
	_ =	strace $0x9FFFFFFF  }
0xc5: {  	(tm) =	ssettm $0x7FFFFFFF  }
tec
execute0_lowered:
.L_overlay_start_1:
0x0: {  	(tag) =	ssettag $0x1  }
0x1: {  	s0 =	rddreg [dreg:$0x0]  }
0x2: {  	s1 =	rddreg [dreg:$0x1]  }
0x3: {  	s4 =	rddreg [dreg:$0x2]  }
0x4: {  	s2 =	rddreg [dreg:$0x3];
	s3 =	simm.s32 $0x0;
	s5 =	srdreg.scid  }
0x5: {  	s26 =	stileid.u32;
	s28 =	simm.s32 $0x2;
	s29 =	simm.s32 $0x180  }
0x6: {  	s30 =	simm.s32 $0x3;
	s31 =	simm.s32 $0x280;
	[smem:$0x7FF] =	sst s3  }
0x7: {  	s5 =	sand.u32 $0x1, s5;
	s6 =	sshll.u32 s26, $0x1;
	s9 =	smul.u32 $0x280, s26  }
0x8: {  	s1 =	sadd.s32 $0x3200, s1;
	s7 =	sshll.u32 s26, $0x6;
	s15 =	sadd.s32 $0x20, s0  }
0x9: {  	s13 =	smul.u32 $0x9C, s26;
	p0 =	sgt.u32 s26, $0x1;
	s26 =	simm.s32 $0x400  }
0xa: {  	_ =	strace $0x80000047;
	s8 =	sor.u32 s5, s6;
	s12 =	smul.u32 $0x2800, s5  }
0xb: {  	[dreg:$0x5] =	wrdreg s1;
	s19 =	ssub.s32 $0x2, s5;
	s5 =	smul.u32 $0x4E, s5  }
0xc: {  	s6 =	sor.u32 $0x1C05, s7;
	s10 =	smul.u32 $0x9C0, s8;
	s20 =	sshrl.u32 s19, $0x1  }
0xd: {  	s11 =	smul.u32 $0x4E00, s8;
	s21 =	sadd.s32 s9, s2;
	s8 =	sshll.u32 s8, $0x5  }
0xe: {  	s1 =	ssub.s32 s19, s20;
	[dreg:$0x6] =	wrdreg s21;
	s9 =	sadd.s32 s9, s12  }
0xf: {  	s8 =	sadd.s32 s8, s0;
	s5 =	sadd.s32 s5, s13;
	s20 =	simm.s32 $0x5  }
0x10: {  	s21 =	simm.s32 $0x100;
	s7 =	sadd.s32 s0, s10;
	s11 =	sshrl.u32 s11, $0x3  }
0x11: {  	s10 =	sadd.s32 s10, s15;
	s9 =	sshrl.u32 s9, $0x3;
	s24 =	sshll.u32 s5, $0x5  }
0x12: {  	s13 =	smax.u32 s1, $0x1;
	s1 =	simm.s32 $0x380;
	s11 =	sadd.s32 s0, s11  }
0x13: {  	[dreg:$0x7] =	wrdreg s10;
	s12 =	sadd.s32 s4, s9;
	s14 =	sadd.s32 $0x980, s7  }
0x14: {  	s25 =	sadd.s32 s15, s24;
	s15 =	sadd.s32 $0x9A0, s7;
	s0 =	sadd.s32 s0, s24  }
0x15: {  	s24 =	simm.s32 $0x1;
	s4 =	simm.s32 $0x0;
	s22 =	sadd.s32 $0x40, s11  }
0x16: {  	s23 =	sadd.s32 $0x60, s11;
	s11 =	sadd.s32 $0x13800, s8;
	s16 =	sadd.s32 $0xC0, s25  }
0x17: {  	s17 =	sadd.s32 $0xC0, s0;
	s18 =	sadd.s32 $0x80, s25;
	s19 =	sadd.s32 $0x80, s0  }
0x18: {  	s25 =	simm.s32 $0x80;
	s0 =	simm.s32 $0x4;
	[dreg:$0x8] =	wrdreg s22  }
0x19: {  	v0 =	vimm.f32 $1.000000000e+00;
	[dreg:$0x9] =	wrdreg s23;
	s22 =	simm.s32 $0x200;
	s23 =	simm.s32 $0x300  }
.LBB2_1:
0x1a: {  	[tilespmem:$0x400] =	vst v0  }
0x1b: {  	[tilespmem:$0x410] =	vst v0  }
0x1c: {  	[tilespmem:$0x420] =	vst v0  }
0x1d: {  	[tilespmem:$0x430] =	vst v0  }
0x1e: {  	[tilespmem:$0x440] =	vst v0  }
0x1f: {  	[tilespmem:$0x450] =	vst v0  }
0x20: {  	[tilespmem:$0x460] =	vst v0;
	s5 =	rddreg [dreg:$0x6]  }
0x21: {  	[tilespmem:$0x470] =	vst v0;
	s8 =	rddreg [dreg:$0x5];
	s5 =	sshrl.u32 s5, $0x3  }
0x22: {  	[spmem:s5], [sflag:s6] =	dma.local [hbm:s8], $0x50  }
0x23: {  	_ =	swait.ge [sflag:s20], $0x50  }
0x24: {  	[sflag:s20] =	ssyncset.done $0x0  }
0x25: {  	[sflag:s20] =	ssyncadd.s32 $0xFFFFFFB0  }
0x26: {  	[bflag:$0x0] =	sbarrier.arrive $0xFFFF  }
0x27: {  	[tilespmem:s3], [sflag:$0x1] =	stream.linear.gather [hbm4b:s7+s3], $0x100, $0x38;
	[tilespmem:$0x700] =	vst v63  }
0x28: {  	s9 =	rddreg [dreg:$0x7]  }
0x29: {  	[tilespmem:s21], [sflag:$0x2] =	stream.linear.gather [hbm4b:s9+s3], $0x100, $0x38;
	[tilespmem:$0x700] =	vst v63  }
0x2a: {  	s10 =	rddreg [dreg:$0x8]  }
0x2b: {  	[tilespmem:s22], [sflag:$0x3] =	stream.linear.gather [hbm4b:s10+s3], $0x100, $0x38;
	[tilespmem:$0x700] =	vst v63  }
0x2c: {  	s9 =	rddreg [dreg:$0x9]  }
0x2d: {  	[tilespmem:s23], [sflag:$0x4] =	stream.linear.gather [hbm4b:s9+s3], $0x100, $0x38;
	[tilespmem:$0x700] =	vst v63  }
0x2e: {  	_ =	swait.ge [sflag:s24], $0x100  }
0x2f: {  	[sflag:s24] =	ssyncset.done $0x0  }
0x30: {  	[sflag:s24] =	ssyncadd.s32 $0xFFFFFF00  }
0x31: {  	[spmem:s2] =	stream.indirect.scatter.add.f32 [tilespmem:s26], [sflag:$0x5], $0x1, s25, s25, $0xb8;
	[tilespmem:$0x700] =	vst v63  }
0x32: {  	_ =	swait.ge [sflag:s20], $0x80  }
0x33: {  	[sflag:s20] =	ssyncset.done $0x0  }
0x34: {  	s10 =	sadd.s32 $0x0, s19;
	[sflag:s20] =	ssyncadd.s32 $0xFFFFFF80  }
0x35: {  	[tilespmem:s3], [sflag:$0x1] =	stream.linear.gather [hbm4b:s10+s3], $0x100, $0x38;
	[tilespmem:$0x700] =	vst v63  }
0x36: {  	_ =	swait.ge [sflag:s28], $0x100  }
0x37: {  	[sflag:s28] =	ssyncset.done $0x0  }
0x38: {  	[sflag:s28] =	ssyncadd.s32 $0xFFFFFF00  }
0x39: {  	[spmem:s2] =	stream.indirect.scatter.add.f32 [tilespmem:s26], [sflag:$0x5], $0x1, s29, s25, $0xb8;
	[tilespmem:$0x700] =	vst v63  }
0x3a: {  	_ =	swait.ge [sflag:s20], $0x80  }
0x3b: {  	[sflag:s20] =	ssyncset.done $0x0  }
0x3c: {  	s9 =	sadd.s32 $0x0, s18;
	[sflag:s20] =	ssyncadd.s32 $0xFFFFFF80  }
0x3d: {  	[tilespmem:s21], [sflag:$0x2] =	stream.linear.gather [hbm4b:s9+s3], $0x100, $0x38;
	[tilespmem:$0x700] =	vst v63  }
0x3e: {  	_ =	swait.ge [sflag:s30], $0x100  }
0x3f: {  	[sflag:s30] =	ssyncset.done $0x0  }
0x40: {  	[sflag:s30] =	ssyncadd.s32 $0xFFFFFF00  }
0x41: {  	[spmem:s2] =	stream.indirect.scatter.add.f32 [tilespmem:s26], [sflag:$0x5], $0x1, s31, s25, $0xb8;
	[tilespmem:$0x700] =	vst v63  }
0x42: {  	_ =	swait.ge [sflag:s20], $0x80  }
0x43: {  	[sflag:s20] =	ssyncset.done $0x0  }
0x44: {  	s10 =	sadd.s32 $0x0, s17;
	[sflag:s20] =	ssyncadd.s32 $0xFFFFFF80  }
0x45: {  	[tilespmem:s22], [sflag:$0x3] =	stream.linear.gather [hbm4b:s10+s3], $0x100, $0x38;
	[tilespmem:$0x700] =	vst v63  }
0x46: {  	_ =	swait.ge [sflag:s0], $0x100  }
0x47: {  	[sflag:s0] =	ssyncset.done $0x0  }
0x48: {  	[sflag:s0] =	ssyncadd.s32 $0xFFFFFF00  }
0x49: {  	[spmem:s2] =	stream.indirect.scatter.add.f32 [tilespmem:s26], [sflag:$0x5], $0x1, s1, s25, $0xb8;
	[tilespmem:$0x700] =	vst v63  }
0x4a: {  	_ =	swait.ge [sflag:s20], $0x80  }
0x4b: {  	[sflag:s20] =	ssyncset.done $0x0  }
0x4c: {  	s8 =	simm.s32 $0x80;
	s9 =	sadd.s32 $0x0, s16;
	[sflag:s20] =	ssyncadd.s32 $0xFFFFFF80  }
.LBB2_2:
0x4d: {  	[tilespmem:s23], [sflag:$0x4] =	stream.linear.gather [hbm4b:s9+s3], $0x100, $0x38;
	[tilespmem:$0x700] =	vst v63  }
0x4e: {  	s9 =	smov.u32 s8  }
0x4f: {  	p1 =	sne.s32 s8, $0x880;
	s8 =	sadd.s32 $0x80, s8;
	_ =	swait.ge [sflag:s24], $0x100  }
0x50: {  	[sflag:s24] =	ssyncset.done $0x0  }
0x51: {  	[sflag:s24] =	ssyncadd.s32 $0xFFFFFF00  }
0x52: {  	[spmem:s2] =	stream.indirect.scatter.add.f32 [tilespmem:s26], [sflag:$0x5], $0x1, s25, s25, $0xb8;
	[tilespmem:$0x700] =	vst v63  }
0x53: {  	_ =	swait.ge [sflag:s20], $0x80  }
0x54: {  	[sflag:s20] =	ssyncset.done $0x0  }
0x55: {  	s10 =	sadd.s32 s9, s19;
	[sflag:s20] =	ssyncadd.s32 $0xFFFFFF80  }
0x56: {  	[tilespmem:s3], [sflag:$0x1] =	stream.linear.gather [hbm4b:s10+s3], $0x100, $0x38;
	[tilespmem:$0x700] =	vst v63  }
0x57: {  	_ =	swait.ge [sflag:s28], $0x100  }
0x58: {  	[sflag:s28] =	ssyncset.done $0x0  }
0x59: {  	[sflag:s28] =	ssyncadd.s32 $0xFFFFFF00  }
0x5a: {  	[spmem:s2] =	stream.indirect.scatter.add.f32 [tilespmem:s26], [sflag:$0x5], $0x1, s29, s25, $0xb8;
	[tilespmem:$0x700] =	vst v63  }
0x5b: {  	_ =	swait.ge [sflag:s20], $0x80  }
0x5c: {  	[sflag:s20] =	ssyncset.done $0x0  }
0x5d: {  	s10 =	sadd.s32 s9, s18;
	[sflag:s20] =	ssyncadd.s32 $0xFFFFFF80  }
0x5e: {  	[tilespmem:s21], [sflag:$0x2] =	stream.linear.gather [hbm4b:s10+s3], $0x100, $0x38;
	[tilespmem:$0x700] =	vst v63  }
0x5f: {  	_ =	swait.ge [sflag:s30], $0x100  }
0x60: {  	[sflag:s30] =	ssyncset.done $0x0  }
0x61: {  	[sflag:s30] =	ssyncadd.s32 $0xFFFFFF00  }
0x62: {  	[spmem:s2] =	stream.indirect.scatter.add.f32 [tilespmem:s26], [sflag:$0x5], $0x1, s31, s25, $0xb8;
	[tilespmem:$0x700] =	vst v63  }
0x63: {  	_ =	swait.ge [sflag:s20], $0x80  }
0x64: {  	[sflag:s20] =	ssyncset.done $0x0  }
0x65: {  	s10 =	sadd.s32 s9, s17;
	[sflag:s20] =	ssyncadd.s32 $0xFFFFFF80  }
0x66: {  	[tilespmem:s22], [sflag:$0x3] =	stream.linear.gather [hbm4b:s10+s3], $0x100, $0x38;
	[tilespmem:$0x700] =	vst v63  }
0x67: {  	_ =	swait.ge [sflag:s0], $0x100  }
0x68: {  	[sflag:s0] =	ssyncset.done $0x0  }
.Ltmp0:
0x69: {  	[sflag:s0] =	ssyncadd.s32 $0xFFFFFF00;
	(pc) =	sbr.rel @p1 .LBB2_2-.Ltmp0, $4  }
0x6a: {  	[spmem:s2] =	stream.indirect.scatter.add.f32 [tilespmem:s26], [sflag:$0x5], $0x1, s1, s25, $0xb8;
	[tilespmem:$0x700] =	vst v63  }
0x6b: {  	_ =	swait.ge [sflag:s20], $0x80  }
0x6c: {  	[sflag:s20] =	ssyncset.done $0x0  }
0x6d: {  	s9 =	sadd.s32 s9, s16;
	[sflag:s20] =	ssyncadd.s32 $0xFFFFFF80  }
0x6e: {  	[tilespmem:s23], [sflag:$0x4] =	stream.linear.gather [hbm4b:s9+s3], $0x100, $0x38;
	[tilespmem:$0x700] =	vst v63  }
0x6f: {  	_ =	swait.ge [sflag:s24], $0x100  }
0x70: {  	[sflag:s24] =	ssyncset.done $0x0  }
0x71: {  	[sflag:s24] =	ssyncadd.s32 $0xFFFFFF00  }
0x72: {  	[spmem:s2] =	stream.indirect.scatter.add.f32 [tilespmem:s26], [sflag:$0x5], $0x1, s25, s25, $0xb8;
	[tilespmem:$0x700] =	vst v63  }
0x73: {  	_ =	swait.ge [sflag:s20], $0x80  }
0x74: {  	[sflag:s20] =	ssyncset.done $0x0  }
0x75: {  	[sflag:s20] =	ssyncadd.s32 $0xFFFFFF80  }
0x76: {  	[tilespmem:s3], [sflag:$0x1] =	stream.linear.gather [hbm4b:s14+s3], $0x100, $0x38;
	[tilespmem:$0x700] =	vst v63  }
0x77: {  	_ =	swait.ge [sflag:s28], $0x100  }
0x78: {  	[sflag:s28] =	ssyncset.done $0x0  }
0x79: {  	[sflag:s28] =	ssyncadd.s32 $0xFFFFFF00  }
0x7a: {  	[spmem:s2] =	stream.indirect.scatter.add.f32 [tilespmem:s26], [sflag:$0x5], $0x1, s29, s25, $0xb8;
	[tilespmem:$0x700] =	vst v63  }
0x7b: {  	_ =	swait.ge [sflag:s20], $0x80  }
0x7c: {  	[sflag:s20] =	ssyncset.done $0x0  }
0x7d: {  	[sflag:s20] =	ssyncadd.s32 $0xFFFFFF80  }
0x7e: {  	[tilespmem:s21], [sflag:$0x2] =	stream.linear.gather [hbm4b:s15+s3], $0x100, $0x38;
	[tilespmem:$0x700] =	vst v63  }
0x7f: {  	_ =	swait.ge [sflag:s30], $0x100  }
0x80: {  	[sflag:s30] =	ssyncset.done $0x0  }
0x81: {  	[sflag:s30] =	ssyncadd.s32 $0xFFFFFF00  }
0x82: {  	[spmem:s2] =	stream.indirect.scatter.add.f32 [tilespmem:s26], [sflag:$0x5], $0x1, s31, s25, $0xb8;
	[tilespmem:$0x700] =	vst v63  }
0x83: {  	_ =	swait.ge [sflag:s20], $0x80  }
0x84: {  	[sflag:s20] =	ssyncset.done $0x0  }
0x85: {  	[sflag:s20] =	ssyncadd.s32 $0xFFFFFF80  }
0x86: {  	_ =	swait.ge [sflag:s0], $0x100  }
0x87: {  	[sflag:s0] =	ssyncset.done $0x0  }
0x88: {  	[sflag:s0] =	ssyncadd.s32 $0xFFFFFF00  }
0x89: {  	[spmem:s2] =	stream.indirect.scatter.add.f32 [tilespmem:s26], [sflag:$0x5], $0x1, s1, s25, $0xb8;
	[tilespmem:$0x700] =	vst v63  }
0x8a: {  	_ =	swait.ge [sflag:s20], $0x80  }
0x8b: {  	[sflag:s20] =	ssyncset.done $0x0  }
0x8c: {  	[sflag:s20] =	ssyncadd.s32 $0xFFFFFF80  }
0x8d: {  	_ =	swait.ge [sflag:s24], $0x100  }
0x8e: {  	[sflag:s24] =	ssyncset.done $0x0  }
0x8f: {  	[sflag:s24] =	ssyncadd.s32 $0xFFFFFF00  }
0x90: {  	[spmem:s2] =	stream.indirect.scatter.add.f32 [tilespmem:s26], [sflag:$0x5], $0x1, s25, s25, $0xb8;
	[tilespmem:$0x700] =	vst v63  }
0x91: {  	_ =	swait.ge [sflag:s20], $0x80  }
0x92: {  	[sflag:s20] =	ssyncset.done $0x0  }
0x93: {  	[sflag:s20] =	ssyncadd.s32 $0xFFFFFF80  }
0x94: {  	_ =	swait.ge [sflag:s28], $0x100  }
0x95: {  	[sflag:s28] =	ssyncset.done $0x0  }
0x96: {  	[sflag:s28] =	ssyncadd.s32 $0xFFFFFF00  }
0x97: {  	[spmem:s2] =	stream.indirect.scatter.add.f32 [tilespmem:s26], [sflag:$0x5], $0x1, s29, s25, $0xb8;
	[tilespmem:$0x700] =	vst v63  }
0x98: {  	_ =	swait.ge [sflag:s20], $0x80  }
0x99: {  	[sflag:s20] =	ssyncset.done $0x0  }
0x9a: {  	s8 =	simm.s32 @!p0 $0x0;
	[sflag:s20] =	ssyncadd.s32 $0xFFFFFF80  }
0x9b: {  	[tilespmem:s8], [sflag:$0x5] =	stream.linear.gather @!p0 [hbm4b:s11+s8], $0x100, $0x38;
	[tilespmem:$0x700] =	vst v63  }
0x9c: {  	s8 =	simm.s32 @!p0 $0x5  }
0x9d: {  	_ =	swait.ge @!p0 [sflag:s8], $0x100  }
0x9e: {  	[sflag:s8] =	ssyncset.done @!p0 $0x0  }
0x9f: {  	s9 =	simm.s32 @!p0 $0x80;
	s10 =	simm.s32 @!p0 $0x400;
	[sflag:s8] =	ssyncadd.s32 @!p0 $0xFFFFFF00  }
0xa0: {  	[spmem:s2] =	stream.indirect.scatter.add.f32 @!p0 [tilespmem:s10], [sflag:$0x5], $0x1, s9, s9, $0xb8;
	[tilespmem:$0x700] =	vst v63  }
0xa1: {  	_ =	swait.ge @!p0 [sflag:s8], $0x80  }
0xa2: {  	s4 =	sadd.s32 $0x1, s4;
	[sflag:s8] =	ssyncset.done @!p0 $0x0  }
0xa3: {  	p1 =	sne.s32 s4, s13;
	[sflag:s8] =	ssyncadd.s32 @!p0 $0xFFFFFF80  }
.Ltmp1:
0xa4: {  	[bflag:$0x0] =	sbarrier.arrive $0xFFFF;
	(pc) =	sbr.rel @p1 .LBB2_1-.Ltmp1, $4  }
0xa5: {  	[hbm:s12], [sflag:s6] =	dma.local [spmem:s5], $0x50  }
0xa6: {  	_ =	swait.ge [sflag:s20], $0x50  }
0xa7: {  	[sflag:s20] =	ssyncset.done $0x0  }
0xa8: {  	[sflag:s20] =	ssyncadd.s32 $0xFFFFFFB0  }
0xa9: {  	_ =	sfence.sel $0x180000  }
0xaa: {  	[bflag:$0x0] =	sbarrier.arrive $0xFFFF  }
0xab: {  	_ =	strace $0x90000047  }
0xac: {  	s0 =	stileid.u32;
	[bflag:$0x2] =	sbarrier.arrive $0xFFFF  }
0xad: {  	p0 =	sne.s32 s0, $0x0;
	s0 =	rddreg [dreg:$0x4]  }
0xae: {  	s0 =	sadd.s32 @!p0 $0x100000, s0  }
0xaf: {  	[sflag:s0] =	ssyncadd.tile.s32 @!p0 $0x1;
	_ =	shalt  }
.Lfunc_end2:
_tile_overlayer_lowered:
.L_overlay_start_2:
0xb0: {  	(tag) =	ssettag $0x2  }
0xb1: {  	s0 =	rddreg [dreg:$0x0];
	s2 =	stileid.u32  }
0xb2: {  	s1 =	rddreg [dreg:$0x1];
	p0 =	sne.s32 s2, $0x0  }
0xb3: {  	s3 =	rddreg [dreg:$0x2];
	[bflag:$0x3] =	sbarrier.arrive $0xFFFF;
	s2 =	simm.s32 @!p0 $0x1C05  }
0xb4: {  	[timem:s3], [sflag:s2] =	dma.local @!p0 [hbm:s0], s1  }
0xb5: {  	s0 =	simm.s32 @!p0 $0x5  }
0xb6: {  	_ =	swait.ge @!p0 [sflag:s0], s1  }
0xb7: {  	s1 =	ssub.s32 @!p0 $0x0, s1;
	[sflag:s0] =	ssyncset.done @!p0 $0x0  }
0xb8: {  	[sflag:s0] =	ssyncadd.s32 @!p0 s1  }
0xb9: {  	[bflag:$0x3] =	sbarrier.arrive $0xFFFF  }
0xba: {  	_ =	shalt  }

// kernel: kernel.14.cloned.1.call-start
scs
__scs_entry_jumppad:
0x0: {  	(pc) =	sbr.rel $0x88, $3  }
0x1: {  	(tag) =	ssettag $0x0;
	lr =	simm.s32 $0x1  }
0x2: {  	[smem:$0x3F93] =	sst lr;
	_ =	strace $0xD0000000  }
0x3: {  	_ = 	snop  }
0x4: {  	_ = 	snop  }
0x5: {  	_ = 	snop  }
0x6: {  	_ = 	snop  }
0x7: {  	_ = 	snop  }
__scs_overlays_trampoline_lowered:
0x8: {  	[smem:$0x3FA2] =	sst s0  }
0x9: {  	[smem:$0x3FA3] =	sst s1  }
0xa: {  	[smem:$0x3FA4] =	sst s2  }
0xb: {  	[smem:$0x3FA5] =	sst s3  }
0xc: {  	[smem:$0x3FA6] =	sst s4  }
0xd: {  	[smem:$0x3FA7] =	sst s5  }
0xe: {  	[smem:$0x3FA8] =	sst s6  }
0xf: {  	[smem:$0x3FA9] =	sst s7  }
0x10: {  	[smem:$0x3FAA] =	sst s8  }
0x11: {  	[smem:$0x3FAB] =	sst s9;
	s0 =	simm.s32 @!p0 $0x0  }
0x12: {  	s1 =	sld [smem:$0x3F91];
	s0 =	simm.s32 @p0 $0x1  }
0x13: {  	[smem:$0x3FAC] =	sst s0;
	s0 =	simm.s32 @!p1 $0x0  }
0x14: {  	s2 =	sld [smem:$0x3F90];
	s0 =	simm.s32 @p1 $0x1  }
0x15: {  	[smem:$0x3FAD] =	sst s0;
	s0 =	simm.s32 @!p2 $0x0  }
0x16: {  	s3 =	sld [smem:$0x3FDB];
	s0 =	simm.s32 @p2 $0x1  }
0x17: {  	s4 =	simm.s32 $0x1BF5;
	[smem:$0x3FAF] =	sst s0  }
0x18: {  	s0 =	sld [smem:$0x3F92];
	_ =	swait.ge [sflag:s4], $0x0  }
0x19: {  	s7 =	sld [smem:$0x3F93]  }
0x1a: {  	s8 =	sadd.s32 $0xFFFFE003, lr  }
0x1b: {  	s9 =	sadd.s32 $0xFFFFFEF7, lr;
	s5 =	simm.s32 $0xFFFFFFFF;
	p2 =	slt.u32 s8, $0xFFFFF086  }
0x1c: {  	p1 =	slt.u32 s9, $0xF7A;
	s5 =	simm.s32 @!p2 $0x0  }
0x1d: {  	s5 =	simm.s32 @p1 $0x1;
	p0 =	seq.s32 s7, s2  }
0x1e: {  	s7 =	smul.u32 @!p0 $0xF7A, s2;
	p2 =	seq.s32 @!p0 s5, $0x0  }
0x1f: {  	s9 =	smul.u32 $0xF7A, s1;
	s8 =	simm.s32 @!p0 $0x1BF5;
	p2 =	por !p2, p0  }
0x20: {  	[sflag:s8] =	ssyncset.s32 @!p0 $0xFFFFF086;
	s6 =	sadd.s32 @!p0 s3, s7;
	s7 =	simm.s32 @!p0 $0x108  }
0x21: {  	s3 =	sadd.s32 s3, s9;
	s6 =	sadd.s32 @!p0 $0x88, s6;
	s7 =	simm.s32 @p2 $0x1082  }
0x22: {  	[simem:s7], [sflag:s8] =	dma.local @!p0 [hbm:s6], $0xF7A  }
0x23: {  	s9 =	sor.u32 $0xD0000000, s2;
	s6 =	simm.s32 $0x108;
	_ =	swait.ge @!p0 [sflag:s8], $0x0  }
0x24: {  	s3 =	sadd.s32 $0x88, s3;
	s6 =	simm.s32 @!p1 $0x1082;
	[sflag:s4] =	ssyncset.s32 $0xFFFFF086  }
0x25: {  	[simem:s6], [sflag:s4] =	dma.local [hbm:s3], $0xF7A  }
0x26: {  	[smem:$0x3F93] =	sst s1;
	(tag) =	ssettag s2;
	_ =	strace s9  }
0x27: {  	s1 =	sld [smem:$0x3FA3]  }
0x28: {  	s2 =	sld [smem:$0x3FA4]  }
0x29: {  	s4 =	sld [smem:$0x3FA6]  }
0x2a: {  	p0 =	seq.s32 s5, $0x0;
	s5 =	sld [smem:$0x3FA7]  }
0x2b: {  	s6 =	sld [smem:$0x3FA8]  }
0x2c: {  	s7 =	sld [smem:$0x3FA9]  }
0x2d: {  	s3 =	simm.s32 $0x108;
	s8 =	sld [smem:$0x3FAA]  }
0x2e: {  	s3 =	simm.s32 @!p0 $0x1082;
	s9 =	sld [smem:$0x3FAB]  }
0x2f: {  	lr =	sadd.s32 s0, s3;
	s0 =	sld [smem:$0x3FA2]  }
0x30: {  	s3 =	sld [smem:$0x3FA5]  }
0x31: {  	[smem:$0x3FAE] =	sst s10  }
0x32: {  	s10 =	sld [smem:$0x3FAC];
	_ =	sdelay $0x3  }
0x33: {  	p0 =	seq.s32 s10, $0x1;
	s10 =	sld [smem:$0x3FAE];
	_ =	sdelay $0x3  }
0x34: {  	[smem:$0x3FAE] =	sst s10  }
0x35: {  	s10 =	sld [smem:$0x3FAD];
	_ =	sdelay $0x3  }
0x36: {  	p1 =	seq.s32 s10, $0x1;
	s10 =	sld [smem:$0x3FAE];
	_ =	sdelay $0x3  }
0x37: {  	[smem:$0x3FAE] =	sst s10  }
0x38: {  	s10 =	sld [smem:$0x3FAF]  }
0x39: {  	_ = 	snop;
	(pc) =	sbr.ind lr, $3  }
0x3a: {  	_ = 	snop  }
0x3b: {  	_ = 	snop  }
0x3c: {  	p2 =	seq.s32 s10, $0x1;
	s10 =	sld [smem:$0x3FAE]  }
0x3d: {  	_ =	shalt  }
0x3e: {  	_ =	shalt  }
0x3f: {  	_ =	shalt  }
0x40: {  	_ =	shalt  }
0x41: {  	_ =	shalt  }
0x42: {  	_ =	shalt  }
0x43: {  	_ =	shalt  }
0x44: {  	_ =	shalt  }
0x45: {  	_ =	shalt  }
0x46: {  	_ =	shalt  }
0x47: {  	_ =	shalt  }
0x48: {  	_ =	shalt  }
0x49: {  	_ =	shalt  }
0x4a: {  	_ =	shalt  }
0x4b: {  	_ =	shalt  }
0x4c: {  	_ =	shalt  }
0x4d: {  	_ =	shalt  }
0x4e: {  	_ =	shalt  }
0x4f: {  	_ =	shalt  }
0x50: {  	_ =	shalt  }
0x51: {  	_ =	shalt  }
0x52: {  	_ =	shalt  }
0x53: {  	_ =	shalt  }
0x54: {  	_ =	shalt  }
0x55: {  	_ =	shalt  }
0x56: {  	_ =	shalt  }
0x57: {  	_ =	shalt  }
0x58: {  	_ =	shalt  }
0x59: {  	_ =	shalt  }
0x5a: {  	_ =	shalt  }
0x5b: {  	_ =	shalt  }
0x5c: {  	_ =	shalt  }
0x5d: {  	_ =	shalt  }
0x5e: {  	_ =	shalt  }
0x5f: {  	_ =	shalt  }
0x60: {  	_ =	shalt  }
0x61: {  	_ =	shalt  }
0x62: {  	_ =	shalt  }
0x63: {  	_ =	shalt  }
0x64: {  	_ =	shalt  }
0x65: {  	_ =	shalt  }
0x66: {  	_ =	shalt  }
0x67: {  	_ =	shalt  }
0x68: {  	_ =	shalt  }
0x69: {  	_ =	shalt  }
0x6a: {  	_ =	shalt  }
0x6b: {  	_ =	shalt  }
0x6c: {  	_ =	shalt  }
0x6d: {  	_ =	shalt  }
0x6e: {  	_ =	shalt  }
0x6f: {  	_ =	shalt  }
0x70: {  	_ =	shalt  }
0x71: {  	_ =	shalt  }
0x72: {  	_ =	shalt  }
0x73: {  	_ =	shalt  }
0x74: {  	_ =	shalt  }
0x75: {  	_ =	shalt  }
0x76: {  	_ =	shalt  }
0x77: {  	_ =	shalt  }
0x78: {  	_ =	shalt  }
0x79: {  	_ =	shalt  }
0x7a: {  	_ =	shalt  }
0x7b: {  	_ =	shalt  }
0x7c: {  	_ =	shalt  }
0x7d: {  	_ =	shalt  }
0x7e: {  	_ =	shalt  }
0x7f: {  	_ =	shalt  }
0x80: {  	_ =	shalt  }
0x81: {  	_ =	shalt  }
0x82: {  	_ =	shalt  }
0x83: {  	_ =	shalt  }
0x84: {  	_ =	shalt  }
0x85: {  	_ =	shalt  }
0x86: {  	_ =	shalt  }
0x87: {  	_ =	shalt  }
.Lfunc_end0:
.L_simem_size_0:
called_computation.1_lowered:
.L_overlay_start_0:
0x88: {  	s2 =	sld [smem:$0x3FD9]  }
0x89: {  	s3 =	sld [smem:$0x3FFE];
	_ =	sdelay $0x1  }
0x8a: {  	s1 =	srdreg.scid  }
0x8b: {  	s0 =	sand.u32 $0x1, s1  }
0x8c: {  	s17 =	sshll.u32 s0, $0xA;
	s2 =	sadd.s32 s3, s2  }
0x8d: {  	s2 =	sadd.s32 s2, s17  }
0x8e: {  	[smem:$0x3FBA] =	sst s2  }
0x8f: {  	_ = 	snop  }
0x90: {  	s2 =	sld [smem:$0x3FC8]  }
0x91: {  	s18 =	sld [smem:$0x3FD0];
	(tm) =	ssettm $0x1  }
0x92: {  	s4 =	sld [smem:$0x3FFB];
	_ =	sdelay $0x3  }
0x93: {  	_ =	strace s4  }
0x94: {  	s4 =	sld [smem:$0x3FFC];
	_ =	sdelay $0x3  }
0x95: {  	_ =	strace s4  }
0x96: {  	s4 =	sld [smem:$0x3FFD];
	_ =	sdelay $0x3  }
0x97: {  	_ =	strace s4  }
0x98: {  	_ =	strace $0x8FFFFFFF  }
0x99: {  	s19 =	sld [smem:$0x3FDB];
	_ =	sdelay $0x1  }
0x9a: {  	s5 =	simm.s32 $_scs_section_size  }
0x9b: {  	s6 =	simm.s32 $_size__tile_overlayer_lowered;
	s7 =	simm.s32 $_tile_overlayer_lowered  }
0x9c: {  	s22 =	simm.s32 $0x1BFF;
	s21 =	sshll.u32 s7, $0x1;
	s4 =	sadd.s32 s5, s19  }
0x9d: {  	s8 =	simm.s32 $0x0;
	s20 =	sshll.u32 s6, $0x1;
	s6 =	sadd.s32 s21, s4  }
0x9e: {  	[timem:s8], [sflag:s22] =	dma.local [hbm:s6], s20  }
0x9f: {  	_ =	swait.ge [sflag:s22], s20  }
0xa0: {  	s5 =	ssub.s32 $0x0, s20;
	[sflag:s22] =	ssyncset.done $0x0  }
0xa1: {  	[sflag:s22] =	ssyncadd.s32 s5;
	_ =	sdelay $0x1  }
0xa2: {  	s23 =	simm.s32 $0x1B8B  }
0xa3: {  	_ =	swait.ge [sflag:s23], $0x1  }
0xa4: {  	[sflag:s23] =	ssyncset.done $0x0  }
0xa5: {  	s25 =	simm.s32 $0x1B8E;
	s24 =	sld [smem:$0x3FFE];
	[sflag:s23] =	ssyncadd.s32 $0xFFFFFFFF  }
0xa6: {  	s26 =	simm.s32 $execute0_lowered;
	[smem:$0x3FD2] =	sst s25  }
0xa7: {  	s6 =	sshll.u32 s26, $0x1;
	_ =	strace $0x80000049;
	[dreg:$0x1] =	wrdreg $0xFFFFFFFF  }
0xa8: {  	s28 =	simm.s32 $_size_execute0_lowered;
	s4 =	sadd.s32 s4, s6;
	[dreg:$0x0] =	wrdreg $0x0  }
0xa9: {  	s6 =	sshll.u32 s28, $0x1;
	[dreg:$0x2] =	wrdreg s4  }
0xaa: {  	[dreg:$0x3] =	wrdreg s6  }
0xab: {  	[dreg:$0x4] =	wrdreg $0xC0  }
0xac: {  	_ =	task [dreg:s8], $0x5FFFF  }
0xad: {  	[dreg:$0x1] =	wrdreg $0xFFFFFFFF  }
0xae: {  	[dreg:$0x0] =	wrdreg $0x60  }
0xaf: {  	[dreg:$0x2] =	wrdreg s18  }
0xb0: {  	[dreg:$0x3] =	wrdreg s2  }
0xb1: {  	[dreg:$0x4] =	wrdreg s24  }
0xb2: {  	[dreg:$0x5] =	wrdreg $0xA9000  }
0xb3: {  	[dreg:$0x6] =	wrdreg $0x9  }
0xb4: {  	_ =	task.clear_ibuf [dreg:s8], $0x7FFFF;
	_ =	strace $0x90000049  }
0xb5: {  	s29 =	simm.s32 $0x9;
	_ =	strace $0x8000004B  }
0xb6: {  	_ =	swait.ge [sflag:s29], $0x1  }
0xb7: {  	[sflag:s29] =	ssyncadd.s32 $0xFFFFFFFF  }
0xb8: {  	_ =	strace $0x9000004B  }
0xb9: {  	_ =	sfence  }
0xba: {  	s30 =	sld [smem:$0x0];
	_ =	sdelay $0x2  }
0xbb: {  	s31 =	sshll.u32 s1, $0xD;
	s1 =	sshrl.u32 s1, $0x2  }
0xbc: {  	s3 =	sand.u32 $0x4000, s31;
	s1 =	sadd.s32 s1, s30  }
0xbd: {  	s0 =	sor.u32 s3, s0;
	s1 =	sshll.u32 s1, $0x11  }
0xbe: {  	s0 =	sor.u32 s1, s0  }
0xbf: {  	s0 =	sadd.s32 $0x8F2B, s0  }
0xc0: {  	[sflag:s0] =	ssyncadd.remote.s32 $0x1  }
0xc1: {  	_ =	sfence.sel $0xFFFF  }
0xc2: {  	[dreg:$0x0] =	wrdreg $0xFFFFFFFF;
	(pc) =	sbr.abs _section_cstart, $3  }
0xc3: {  	[dreg:$0x1] =	wrdreg $0xFFFFFFFF  }
0xc4: {  	_ =	task.clear_ibuf [dreg:s8], $0x2FFFF;
	_ =	strace $0x9FFFFFFF  }
0xc5: {  	(tm) =	ssettm $0x7FFFFFFF  }
tec
execute0_lowered:
.L_overlay_start_1:
0x0: {  	(tag) =	ssettag $0x1  }
0x1: {  	s1 =	rddreg [dreg:$0x0]  }
0x2: {  	s2 =	rddreg [dreg:$0x1]  }
0x3: {  	s0 =	rddreg [dreg:$0x2]  }
0x4: {  	s3 =	rddreg [dreg:$0x3]  }
0x5: {  	s4 =	srdreg.scid;
	s5 =	simm.s32 $0x0;
	s14 =	stileid.u32  }
0x6: {  	s28 =	simm.s32 $0x80;
	s29 =	simm.s32 $0x6900;
	s30 =	simm.s32 $0x1  }
0x7: {  	s31 =	simm.s32 $0x3;
	s4 =	sand.u32 $0x1, s4;
	s7 =	smul.u32 $0x14000, s14  }
0x8: {  	[smem:$0x7FF] =	sst s5;
	s8 =	sadd.s32 $0x3200, s0;
	s19 =	smul.u32 $0x50000, s14  }
0x9: {  	s9 =	sshll.u32 s14, $0x1;
	p0 =	sne.s32 s14, $0xF;
	s20 =	smul.u32 $0x2800, s14  }
0xa: {  	p2 =	seq.s32 s14, $0xF;
	s12 =	sadd.s32 $0x12C000, s3;
	s22 =	smul.u32 $0x4E00, s14  }
0xb: {  	s10 =	sadd.s32 $0x25800, s1;
	p3 =	sgt.u32 s14, $0x1;
	s6 =	smul.u32 $0x140000, s4  }
0xc: {  	_ =	strace $0x8000004A;
	[dreg:$0x5] =	wrdreg s8;
	s13 =	ssub.s32 $0x2, s4  }
0xd: {  	s18 =	sor.u32 s4, s9;
	p1 =	seq.s32 s4, $0x0;
	[dreg:$0x6] =	wrdreg s10  }
0xe: {  	s15 =	sshrl.u32 s13, $0x1;
	s9 =	smul.u32 $0x2700, s18;
	p0 =	por !p1, !p0  }
0xf: {  	p1 =	por !p1, !p2;
	s8 =	sshrl.u32 s19, $0x2;
	s21 =	smul.u32 $0x9C0, s18  }
0x10: {  	s6 =	sadd.s32 s7, s6;
	s16 =	ssub.s32 s13, s15;
	p0 =	por !p0, !p0  }
0x11: {  	p2 =	por !p1, !p1;
	s17 =	sadd.s32 s8, s3;
	s8 =	sadd.s32 s1, s20  }
0x12: {  	s7 =	sshll.u32 s18, $0x5;
	s13 =	smul.u32 $0x2700, s4;
	s6 =	sshrl.u32 s6, $0x3  }
0x13: {  	[dreg:$0x7] =	wrdreg s8;
	s10 =	sadd.s32 s2, s21;
	s7 =	sadd.s32 s7, s2  }
0x14: {  	p1 =	por p2, p0;
	s23 =	smax.u32 s16, $0x1;
	s25 =	sshrl.u32 s9, $0x2  }
0x15: {  	s18 =	smov.u32 s17;
	s21 =	sshrl.u32 @p0 s17, $0x3;
	s8 =	simm.s32 $0x0  }
0x16: {  	s0 =	sadd.s32 s6, s0;
	s11 =	sadd.s32 $0x13800, s7;
	[dreg:$0x9] =	wrdreg s23  }
0x17: {  	s24 =	sadd.s32 s13, s22;
	p1 =	seq.s32 @!p1 s4, $0x0;
	s4 =	sadd.s32 s2, s25  }
0x18: {  	s23 =	simm.s32 $0x5;
	s25 =	simm.s32 $0x2900;
	s22 =	simm.s32 $0x2  }
0x19: {  	s0 =	sadd.s32 $0x5A00, s0;
	s26 =	sor.u32 $0x80, s24;
	p1 =	por @!p0 p1, p2  }
0x1a: {  	s4 =	sadd.s32 $0x9A0, s4;
	s16 =	sadd.s32 $0x100, s24;
	p2 =	por !p2, p0  }
0x1b: {  	s24 =	simm.s32 $0x2700;
	[dreg:$0x8] =	wrdreg s0;
	p1 =	por p1, p0  }
0x1c: {  	s6 =	sshrl.u32 s26, $0x2;
	[dreg:$0xa] =	wrdreg s4;
	s4 =	sshll.u32 @!p1 s14, $0x6  }
0x1d: {  	s19 =	sshrl.u32 @!p2 s12, $0x3;
	s26 =	simm.s32 $0x2800;
	s0 =	sor.u32 @!p1 $0x1C05, s4  }
0x1e: {  	s15 =	sadd.s32 s6, s2;
	[dreg:$0xb] =	wrdreg s0;
	s0 =	sshrl.u32 @!p1 s17, $0x3  }
0x1f: {  	s6 =	simm.s32 $0x2880;
	[dreg:$0xc] =	wrdreg s0;
	s0 =	sshll.u32 @p0 s14, $0x6  }
0x20: {  	s4 =	simm.s32 $0x4;
	s20 =	sor.u32 @p0 $0x1C05, s0;
	s0 =	simm.s32 $0x2780  }
.LBB2_1:
0x21: {  	s7 =	rddreg [dreg:$0x5]  }
0x22: {  	s9 =	rddreg [dreg:$0xb]  }
0x23: {  	s12 =	rddreg [dreg:$0xc]  }
0x24: {  	[spmem:s12], [sflag:s9] =	dma.local @!p1 [hbm:s7], $0x2800  }
0x25: {  	s7 =	simm.s32 @!p1 $0x5  }
0x26: {  	_ =	swait.ge @!p1 [sflag:s7], $0x2800  }
0x27: {  	[sflag:s7] =	ssyncset.done @!p1 $0x0  }
0x28: {  	s9 =	rddreg [dreg:$0x6];
	[sflag:s7] =	ssyncadd.s32 @!p1 $0xFFFFD800;
	s7 =	simm.s32 @!p2 $0x1FC5  }
0x29: {  	[spmem:s19], [sflag:s7] =	dma.local @!p2 [hbm:s9], $0x1900  }
0x2a: {  	s7 =	simm.s32 @!p2 $0x5  }
0x2b: {  	_ =	swait.ge @!p2 [sflag:s7], $0x1900  }
0x2c: {  	[sflag:s7] =	ssyncset.done @!p2 $0x0  }
0x2d: {  	[sflag:s7] =	ssyncadd.s32 @!p2 $0xFFFFE700;
	s7 =	rddreg [dreg:$0x7]  }
0x2e: {  	[spmem:s21], [sflag:s20] =	dma.local @p0 [hbm:s7], $0x2800  }
0x2f: {  	s7 =	simm.s32 @p0 $0x5  }
0x30: {  	_ =	swait.ge @p0 [sflag:s7], $0x2800  }
0x31: {  	[sflag:s7] =	ssyncset.done @p0 $0x0  }
0x32: {  	s12 =	simm.s32 $0x100;
	[sflag:s7] =	ssyncadd.s32 @p0 $0xFFFFD800  }
0x33: {  	[tilespmem:s5], [sflag:$0x5] =	stream.strided.gather [hbm4b:s10+s28], $0x2700, s12, s28, $0x38;
	[tilespmem:$0x1E900] =	vst v63  }
0x34: {  	_ =	swait.ge [sflag:s23], $0x2700  }
0x35: {  	[sflag:s23] =	ssyncset.done $0x0  }
0x36: {  	[sflag:s23] =	ssyncadd.s32 $0xFFFFD900  }
0x37: {  	[bflag:$0x0] =	sbarrier.arrive $0xFFFF  }
0x38: {  	[tilespmem:s24], [sflag:$0x3] =	stream.linear.gather [hbm4b:s10+s5], $0x100, $0x38;
	[tilespmem:$0x1E900] =	vst v63  }
0x39: {  	_ = 	snop  }
0x3a: {  	[tilespmem:s25], [sflag:$0x1] =	stream.indirect.gather [hbm4b:s1+s28], $0x80, s5, s28, $0xb8;
	[tilespmem:$0x1E900] =	vst v63  }
0x3b: {  	s13 =	sadd.s32 $0x0, s15  }
0x3c: {  	[tilespmem:s26], [sflag:$0x4] =	stream.linear.gather [hbm4b:s13+s5], $0x100, $0x38;
	[tilespmem:$0x1E900] =	vst v63  }
0x3d: {  	_ = 	snop  }
0x3e: {  	[tilespmem:s29], [sflag:$0x2] =	stream.indirect.gather [hbm4b:s1+s28], $0x80, s28, s28, $0xb8;
	[tilespmem:$0x1E900] =	vst v63  }
0x3f: {  	_ =	swait.ge [sflag:s30], $0x4000  }
0x40: {  	[sflag:s30] =	ssyncset.done $0x0  }
0x41: {  	[sflag:s30] =	ssyncadd.s32 $0xFFFFC000  }
0x42: {  	_ =	swait.ge [sflag:s31], $0x100  }
0x43: {  	[sflag:s31] =	ssyncset.done $0x0  }
0x44: {  	[sflag:s31] =	ssyncadd.s32 $0xFFFFFF00  }
0x45: {  	[spmem:s3] =	stream.indirect.scatter.add.f32 [tilespmem:s25], [sflag:$0x5], $0x80, s0, s28, $0xb8;
	[tilespmem:$0x1E900] =	vst v63  }
0x46: {  	_ =	swait.ge [sflag:s23], $0x4000  }
0x47: {  	s14 =	sshrl.u32 s16, $0x2;
	[sflag:s23] =	ssyncset.done $0x0  }
0x48: {  	s7 =	sadd.s32 s2, s14;
	[sflag:s23] =	ssyncadd.s32 $0xFFFFC000  }
0x49: {  	[tilespmem:s24], [sflag:$0x3] =	stream.linear.gather [hbm4b:s7+s5], $0x100, $0x38;
	[tilespmem:$0x1E900] =	vst v63  }
0x4a: {  	s17 =	simm.s32 $0x100  }
0x4b: {  	[tilespmem:s25], [sflag:$0x1] =	stream.indirect.gather [hbm4b:s1+s28], $0x80, s17, s28, $0xb8;
	[tilespmem:$0x1E900] =	vst v63  }
0x4c: {  	_ =	swait.ge [sflag:s22], $0x4000  }
0x4d: {  	[sflag:s22] =	ssyncset.done $0x0  }
0x4e: {  	[sflag:s22] =	ssyncadd.s32 $0xFFFFC000  }
0x4f: {  	_ =	swait.ge [sflag:s4], $0x100  }
0x50: {  	[sflag:s4] =	ssyncset.done $0x0  }
0x51: {  	[sflag:s4] =	ssyncadd.s32 $0xFFFFFF00  }
0x52: {  	[spmem:s3] =	stream.indirect.scatter.add.f32 [tilespmem:s29], [sflag:$0x5], $0x80, s6, s28, $0xb8;
	[tilespmem:$0x1E900] =	vst v63  }
0x53: {  	s9 =	simm.s32 $0x180;
	s12 =	sadd.s32 $0x100, s16;
	_ =	swait.ge [sflag:s23], $0x4000  }
0x54: {  	s13 =	simm.s32 $0x40;
	s7 =	simm.s32 $0x80;
	[sflag:s23] =	ssyncset.done $0x0  }
.LBB2_2:
0x55: {  	s14 =	sadd.s32 s13, s15  }
0x56: {  	[sflag:s23] =	ssyncadd.s32 $0xFFFFC000;
	s13 =	smov.u32 s7;
	s17 =	sadd.s32 $0x40, s7  }
0x57: {  	[tilespmem:s26], [sflag:$0x4] =	stream.linear.gather [hbm4b:s14+s5], $0x100, $0x38;
	[tilespmem:$0x1E900] =	vst v63  }
0x58: {  	p4 =	sne.s32 s7, $0x940  }
0x59: {  	[tilespmem:s29], [sflag:$0x2] =	stream.indirect.gather [hbm4b:s1+s28], $0x80, s9, s28, $0xb8;
	[tilespmem:$0x1E900] =	vst v63  }
0x5a: {  	_ =	swait.ge [sflag:s30], $0x4000  }
0x5b: {  	[sflag:s30] =	ssyncset.done $0x0  }
0x5c: {  	[sflag:s30] =	ssyncadd.s32 $0xFFFFC000  }
0x5d: {  	_ =	swait.ge [sflag:s31], $0x100  }
0x5e: {  	[sflag:s31] =	ssyncset.done $0x0  }
0x5f: {  	[sflag:s31] =	ssyncadd.s32 $0xFFFFFF00  }
0x60: {  	[spmem:s3] =	stream.indirect.scatter.add.f32 [tilespmem:s25], [sflag:$0x5], $0x80, s0, s28, $0xb8;
	[tilespmem:$0x1E900] =	vst v63  }
0x61: {  	_ =	swait.ge [sflag:s23], $0x4000  }
0x62: {  	s7 =	sshrl.u32 s12, $0x2;
	[sflag:s23] =	ssyncset.done $0x0  }
0x63: {  	s7 =	sadd.s32 s2, s7;
	[sflag:s23] =	ssyncadd.s32 $0xFFFFC000  }
0x64: {  	[tilespmem:s24], [sflag:$0x3] =	stream.linear.gather [hbm4b:s7+s5], $0x100, $0x38;
	[tilespmem:$0x1E900] =	vst v63  }
0x65: {  	s7 =	sadd.s32 $0x80, s9  }
0x66: {  	[tilespmem:s25], [sflag:$0x1] =	stream.indirect.gather [hbm4b:s1+s28], $0x80, s7, s28, $0xb8;
	[tilespmem:$0x1E900] =	vst v63  }
0x67: {  	_ =	swait.ge [sflag:s22], $0x4000  }
0x68: {  	[sflag:s22] =	ssyncset.done $0x0  }
0x69: {  	[sflag:s22] =	ssyncadd.s32 $0xFFFFC000  }
0x6a: {  	_ =	swait.ge [sflag:s4], $0x100  }
.Ltmp0:
0x6b: {  	[sflag:s4] =	ssyncset.done $0x0;
	(pc) =	sbr.rel @p4 .LBB2_2-.Ltmp0, $4  }
0x6c: {  	[sflag:s4] =	ssyncadd.s32 $0xFFFFFF00  }
0x6d: {  	[spmem:s3] =	stream.indirect.scatter.add.f32 [tilespmem:s29], [sflag:$0x5], $0x80, s6, s28, $0xb8;
	[tilespmem:$0x1E900] =	vst v63  }
0x6e: {  	s12 =	sadd.s32 $0x100, s12;
	_ =	swait.ge [sflag:s23], $0x4000  }
0x6f: {  	s9 =	sadd.s32 $0x100, s9;
	s7 =	smov.u32 s17;
	[sflag:s23] =	ssyncset.done $0x0  }
0x70: {  	s7 =	sadd.s32 s13, s15;
	[sflag:s23] =	ssyncadd.s32 $0xFFFFC000  }
0x71: {  	[tilespmem:s26], [sflag:$0x4] =	stream.linear.gather [hbm4b:s7+s5], $0x100, $0x38;
	[tilespmem:$0x1E900] =	vst v63  }
0x72: {  	_ = 	snop  }
0x73: {  	[tilespmem:s29], [sflag:$0x2] =	stream.indirect.gather [hbm4b:s1+s28], $0x80, s9, s28, $0xb8;
	[tilespmem:$0x1E900] =	vst v63  }
0x74: {  	_ =	swait.ge [sflag:s30], $0x4000  }
0x75: {  	[sflag:s30] =	ssyncset.done $0x0  }
0x76: {  	[sflag:s30] =	ssyncadd.s32 $0xFFFFC000  }
0x77: {  	_ =	swait.ge [sflag:s31], $0x100  }
0x78: {  	[sflag:s31] =	ssyncset.done $0x0  }
0x79: {  	[sflag:s31] =	ssyncadd.s32 $0xFFFFFF00  }
0x7a: {  	[spmem:s3] =	stream.indirect.scatter.add.f32 [tilespmem:s25], [sflag:$0x5], $0x80, s0, s28, $0xb8;
	[tilespmem:$0x1E900] =	vst v63  }
0x7b: {  	_ =	swait.ge [sflag:s23], $0x4000  }
0x7c: {  	s13 =	sshrl.u32 s12, $0x2;
	[sflag:s23] =	ssyncset.done $0x0  }
0x7d: {  	s7 =	sadd.s32 s2, s13;
	[sflag:s23] =	ssyncadd.s32 $0xFFFFC000  }
0x7e: {  	[tilespmem:s24], [sflag:$0x3] =	stream.linear.gather [hbm4b:s7+s5], $0x100, $0x38;
	[tilespmem:$0x1E900] =	vst v63  }
0x7f: {  	s14 =	sadd.s32 $0x80, s9  }
0x80: {  	[tilespmem:s25], [sflag:$0x1] =	stream.indirect.gather [hbm4b:s1+s28], $0x80, s14, s28, $0xb8;
	[tilespmem:$0x1E900] =	vst v63  }
0x81: {  	_ =	swait.ge [sflag:s22], $0x4000  }
0x82: {  	[sflag:s22] =	ssyncset.done $0x0  }
0x83: {  	[sflag:s22] =	ssyncadd.s32 $0xFFFFC000  }
0x84: {  	_ =	swait.ge [sflag:s4], $0x100  }
0x85: {  	[sflag:s4] =	ssyncset.done $0x0  }
0x86: {  	[sflag:s4] =	ssyncadd.s32 $0xFFFFFF00  }
0x87: {  	[spmem:s3] =	stream.indirect.scatter.add.f32 [tilespmem:s29], [sflag:$0x5], $0x80, s6, s28, $0xb8;
	[tilespmem:$0x1E900] =	vst v63  }
0x88: {  	_ =	swait.ge [sflag:s23], $0x4000  }
0x89: {  	[sflag:s23] =	ssyncset.done $0x0  }
0x8a: {  	s17 =	rddreg [dreg:$0xa];
	[sflag:s23] =	ssyncadd.s32 $0xFFFFC000  }
0x8b: {  	[tilespmem:s26], [sflag:$0x4] =	stream.linear.gather [hbm4b:s17+s5], $0x100, $0x38;
	[tilespmem:$0x1E900] =	vst v63  }
0x8c: {  	s9 =	simm.s32 $0x2680  }
0x8d: {  	[tilespmem:s29], [sflag:$0x2] =	stream.indirect.gather [hbm4b:s1+s28], $0x80, s9, s28, $0xb8;
	[tilespmem:$0x1E900] =	vst v63  }
0x8e: {  	_ =	swait.ge [sflag:s30], $0x4000  }
0x8f: {  	[sflag:s30] =	ssyncset.done $0x0  }
0x90: {  	[sflag:s30] =	ssyncadd.s32 $0xFFFFC000  }
0x91: {  	_ =	swait.ge [sflag:s31], $0x100  }
0x92: {  	[sflag:s31] =	ssyncset.done $0x0  }
0x93: {  	[sflag:s31] =	ssyncadd.s32 $0xFFFFFF00  }
0x94: {  	[spmem:s3] =	stream.indirect.scatter.add.f32 [tilespmem:s25], [sflag:$0x5], $0x80, s0, s28, $0xb8;
	[tilespmem:$0x1E900] =	vst v63  }
0x95: {  	_ =	swait.ge [sflag:s23], $0x4000  }
0x96: {  	[sflag:s23] =	ssyncset.done $0x0  }
0x97: {  	[sflag:s23] =	ssyncadd.s32 $0xFFFFC000  }
0x98: {  	_ =	swait.ge [sflag:s22], $0x4000  }
0x99: {  	[sflag:s22] =	ssyncset.done $0x0  }
0x9a: {  	[sflag:s22] =	ssyncadd.s32 $0xFFFFC000  }
0x9b: {  	_ =	swait.ge [sflag:s4], $0x100  }
0x9c: {  	[sflag:s4] =	ssyncset.done $0x0  }
0x9d: {  	[sflag:s4] =	ssyncadd.s32 $0xFFFFFF00  }
0x9e: {  	[spmem:s3] =	stream.indirect.scatter.add.f32 [tilespmem:s29], [sflag:$0x5], $0x80, s6, s28, $0xb8;
	[tilespmem:$0x1E900] =	vst v63  }
0x9f: {  	_ =	swait.ge [sflag:s23], $0x4000  }
0xa0: {  	[sflag:s23] =	ssyncset.done $0x0  }
0xa1: {  	s7 =	simm.s32 @!p3 $0x0;
	s9 =	simm.s32 @!p3 $0x2700;
	[sflag:s23] =	ssyncadd.s32 $0xFFFFC000  }
0xa2: {  	[tilespmem:s9], [sflag:$0x5] =	stream.linear.gather @!p3 [hbm4b:s11+s7], $0x100, $0x38;
	[tilespmem:$0x1E900] =	vst v63  }
0xa3: {  	s9 =	simm.s32 @!p3 $0x5  }
0xa4: {  	_ =	swait.ge @!p3 [sflag:s9], $0x100  }
0xa5: {  	[sflag:s9] =	ssyncset.done @!p3 $0x0  }
0xa6: {  	[sflag:s9] =	ssyncadd.s32 @!p3 $0xFFFFFF00  }
0xa7: {  	[tilespmem:s7], [sflag:$0x5] =	stream.linear.gather @!p3 [hbm4b:s11+s7], $0x80, $0x38;
	[tilespmem:$0x1E900] =	vst v63  }
0xa8: {  	_ =	swait.ge @!p3 [sflag:s9], $0x80  }
0xa9: {  	[sflag:s9] =	ssyncset.done @!p3 $0x0  }
0xaa: {  	s12 =	simm.s32 @!p3 $0x80;
	s13 =	simm.s32 @!p3 $0x2900;
	[sflag:s9] =	ssyncadd.s32 @!p3 $0xFFFFFF80  }
0xab: {  	[tilespmem:s13], [sflag:$0x1] =	stream.indirect.gather @!p3 [hbm4b:s1+s12], $0x80, s7, s12, $0xb8;
	[tilespmem:$0x1E900] =	vst v63  }
0xac: {  	s7 =	simm.s32 @!p3 $0x1  }
0xad: {  	_ =	swait.ge @!p3 [sflag:s7], $0x4000  }
0xae: {  	[sflag:s7] =	ssyncset.done @!p3 $0x0  }
0xaf: {  	[sflag:s7] =	ssyncadd.s32 @!p3 $0xFFFFC000;
	s7 =	simm.s32 @!p3 $0x2780  }
0xb0: {  	[spmem:s3] =	stream.indirect.scatter.add.f32 @!p3 [tilespmem:s13], [sflag:$0x5], $0x80, s7, s12, $0xb8;
	[tilespmem:$0x1E900] =	vst v63  }
0xb1: {  	_ =	swait.ge @!p3 [sflag:s9], $0x4000  }
0xb2: {  	[sflag:s9] =	ssyncset.done @!p3 $0x0  }
0xb3: {  	s12 =	stileid.u32;
	[sflag:s9] =	ssyncadd.s32 @!p3 $0xFFFFC000  }
0xb4: {  	s7 =	sshll.u32 s12, $0x6;
	[bflag:$0x0] =	sbarrier.arrive $0xFFFF  }
0xb5: {  	s13 =	sshrl.u32 s18, $0x3;
	s7 =	sor.u32 $0x1C05, s7;
	s14 =	rddreg [dreg:$0x8]  }
0xb6: {  	[hbm:s14], [sflag:s7] =	dma.local [spmem:s13], $0x2800  }
0xb7: {  	_ =	swait.ge [sflag:s23], $0x2800  }
0xb8: {  	s8 =	sadd.s32 $0x1, s8;
	s17 =	rddreg [dreg:$0x9]  }
0xb9: {  	p4 =	sne.s32 s8, s17  }
.Ltmp1:
0xba: {  	_ = 	snop;
	(pc) =	sbr.rel @p4 .LBB2_1-.Ltmp1, $3  }
0xbb: {  	_ =	sdelay $0x1  }
0xbc: {  	[sflag:s23] =	ssyncset.done $0x0  }
0xbd: {  	[sflag:s23] =	ssyncadd.s32 $0xFFFFD800  }
0xbe: {  	_ =	sfence.sel $0x180000  }
0xbf: {  	[bflag:$0x0] =	sbarrier.arrive $0xFFFF  }
0xc0: {  	_ =	strace $0x9000004A  }
0xc1: {  	s0 =	stileid.u32;
	[bflag:$0x2] =	sbarrier.arrive $0xFFFF  }
0xc2: {  	p0 =	sne.s32 s0, $0x0;
	s0 =	rddreg [dreg:$0x4]  }
0xc3: {  	s0 =	sadd.s32 @!p0 $0x100000, s0  }
0xc4: {  	[sflag:s0] =	ssyncadd.tile.s32 @!p0 $0x1;
	_ =	shalt  }
.Lfunc_end2:
_tile_overlayer_lowered:
.L_overlay_start_2:
0xc5: {  	(tag) =	ssettag $0x2  }
0xc6: {  	s0 =	rddreg [dreg:$0x0];
	s2 =	stileid.u32  }
0xc7: {  	s1 =	rddreg [dreg:$0x1];
	p0 =	sne.s32 s2, $0x0  }
0xc8: {  	s3 =	rddreg [dreg:$0x2];
	[bflag:$0x3] =	sbarrier.arrive $0xFFFF;
	s2 =	simm.s32 @!p0 $0x1C05  }
0xc9: {  	[timem:s3], [sflag:s2] =	dma.local @!p0 [hbm:s0], s1  }
0xca: {  	s0 =	simm.s32 @!p0 $0x5  }
0xcb: {  	_ =	swait.ge @!p0 [sflag:s0], s1  }
0xcc: {  	s1 =	ssub.s32 @!p0 $0x0, s1;
	[sflag:s0] =	ssyncset.done @!p0 $0x0  }
0xcd: {  	[sflag:s0] =	ssyncadd.s32 @!p0 s1  }
0xce: {  	[bflag:$0x3] =	sbarrier.arrive $0xFFFF  }
0xcf: {  	_ =	shalt  }

// kernel: kernel.17.cloned.1.call-start
scs
__scs_entry_jumppad:
0x0: {  	(pc) =	sbr.rel $0x88, $3  }
0x1: {  	(tag) =	ssettag $0x0;
	lr =	simm.s32 $0x1  }
0x2: {  	[smem:$0x3F93] =	sst lr;
	_ =	strace $0xD0000000  }
0x3: {  	_ = 	snop  }
0x4: {  	_ = 	snop  }
0x5: {  	_ = 	snop  }
0x6: {  	_ = 	snop  }
0x7: {  	_ = 	snop  }
__scs_overlays_trampoline_lowered:
0x8: {  	[smem:$0x3FA2] =	sst s0  }
0x9: {  	[smem:$0x3FA3] =	sst s1  }
0xa: {  	[smem:$0x3FA4] =	sst s2  }
0xb: {  	[smem:$0x3FA5] =	sst s3  }
0xc: {  	[smem:$0x3FA6] =	sst s4  }
0xd: {  	[smem:$0x3FA7] =	sst s5  }
0xe: {  	[smem:$0x3FA8] =	sst s6  }
0xf: {  	[smem:$0x3FA9] =	sst s7  }
0x10: {  	[smem:$0x3FAA] =	sst s8  }
0x11: {  	[smem:$0x3FAB] =	sst s9;
	s0 =	simm.s32 @!p0 $0x0  }
0x12: {  	s1 =	sld [smem:$0x3F91];
	s0 =	simm.s32 @p0 $0x1  }
0x13: {  	[smem:$0x3FAC] =	sst s0;
	s0 =	simm.s32 @!p1 $0x0  }
0x14: {  	s2 =	sld [smem:$0x3F90];
	s0 =	simm.s32 @p1 $0x1  }
0x15: {  	[smem:$0x3FAD] =	sst s0;
	s0 =	simm.s32 @!p2 $0x0  }
0x16: {  	s3 =	sld [smem:$0x3FDB];
	s0 =	simm.s32 @p2 $0x1  }
0x17: {  	s4 =	simm.s32 $0x1BF5;
	[smem:$0x3FAF] =	sst s0  }
0x18: {  	s0 =	sld [smem:$0x3F92];
	_ =	swait.ge [sflag:s4], $0x0  }
0x19: {  	s7 =	sld [smem:$0x3F93]  }
0x1a: {  	s8 =	sadd.s32 $0xFFFFE003, lr  }
0x1b: {  	s9 =	sadd.s32 $0xFFFFFEF7, lr;
	s5 =	simm.s32 $0xFFFFFFFF;
	p2 =	slt.u32 s8, $0xFFFFF086  }
0x1c: {  	p1 =	slt.u32 s9, $0xF7A;
	s5 =	simm.s32 @!p2 $0x0  }
0x1d: {  	s5 =	simm.s32 @p1 $0x1;
	p0 =	seq.s32 s7, s2  }
0x1e: {  	s7 =	smul.u32 @!p0 $0xF7A, s2;
	p2 =	seq.s32 @!p0 s5, $0x0  }
0x1f: {  	s9 =	smul.u32 $0xF7A, s1;
	s8 =	simm.s32 @!p0 $0x1BF5;
	p2 =	por !p2, p0  }
0x20: {  	[sflag:s8] =	ssyncset.s32 @!p0 $0xFFFFF086;
	s6 =	sadd.s32 @!p0 s3, s7;
	s7 =	simm.s32 @!p0 $0x108  }
0x21: {  	s3 =	sadd.s32 s3, s9;
	s6 =	sadd.s32 @!p0 $0x88, s6;
	s7 =	simm.s32 @p2 $0x1082  }
0x22: {  	[simem:s7], [sflag:s8] =	dma.local @!p0 [hbm:s6], $0xF7A  }
0x23: {  	s9 =	sor.u32 $0xD0000000, s2;
	s6 =	simm.s32 $0x108;
	_ =	swait.ge @!p0 [sflag:s8], $0x0  }
0x24: {  	s3 =	sadd.s32 $0x88, s3;
	s6 =	simm.s32 @!p1 $0x1082;
	[sflag:s4] =	ssyncset.s32 $0xFFFFF086  }
0x25: {  	[simem:s6], [sflag:s4] =	dma.local [hbm:s3], $0xF7A  }
0x26: {  	[smem:$0x3F93] =	sst s1;
	(tag) =	ssettag s2;
	_ =	strace s9  }
0x27: {  	s1 =	sld [smem:$0x3FA3]  }
0x28: {  	s2 =	sld [smem:$0x3FA4]  }
0x29: {  	s4 =	sld [smem:$0x3FA6]  }
0x2a: {  	p0 =	seq.s32 s5, $0x0;
	s5 =	sld [smem:$0x3FA7]  }
0x2b: {  	s6 =	sld [smem:$0x3FA8]  }
0x2c: {  	s7 =	sld [smem:$0x3FA9]  }
0x2d: {  	s3 =	simm.s32 $0x108;
	s8 =	sld [smem:$0x3FAA]  }
0x2e: {  	s3 =	simm.s32 @!p0 $0x1082;
	s9 =	sld [smem:$0x3FAB]  }
0x2f: {  	lr =	sadd.s32 s0, s3;
	s0 =	sld [smem:$0x3FA2]  }
0x30: {  	s3 =	sld [smem:$0x3FA5]  }
0x31: {  	[smem:$0x3FAE] =	sst s10  }
0x32: {  	s10 =	sld [smem:$0x3FAC];
	_ =	sdelay $0x3  }
0x33: {  	p0 =	seq.s32 s10, $0x1;
	s10 =	sld [smem:$0x3FAE];
	_ =	sdelay $0x3  }
0x34: {  	[smem:$0x3FAE] =	sst s10  }
0x35: {  	s10 =	sld [smem:$0x3FAD];
	_ =	sdelay $0x3  }
0x36: {  	p1 =	seq.s32 s10, $0x1;
	s10 =	sld [smem:$0x3FAE];
	_ =	sdelay $0x3  }
0x37: {  	[smem:$0x3FAE] =	sst s10  }
0x38: {  	s10 =	sld [smem:$0x3FAF]  }
0x39: {  	_ = 	snop;
	(pc) =	sbr.ind lr, $3  }
0x3a: {  	_ = 	snop  }
0x3b: {  	_ = 	snop  }
0x3c: {  	p2 =	seq.s32 s10, $0x1;
	s10 =	sld [smem:$0x3FAE]  }
0x3d: {  	_ =	shalt  }
0x3e: {  	_ =	shalt  }
0x3f: {  	_ =	shalt  }
0x40: {  	_ =	shalt  }
0x41: {  	_ =	shalt  }
0x42: {  	_ =	shalt  }
0x43: {  	_ =	shalt  }
0x44: {  	_ =	shalt  }
0x45: {  	_ =	shalt  }
0x46: {  	_ =	shalt  }
0x47: {  	_ =	shalt  }
0x48: {  	_ =	shalt  }
0x49: {  	_ =	shalt  }
0x4a: {  	_ =	shalt  }
0x4b: {  	_ =	shalt  }
0x4c: {  	_ =	shalt  }
0x4d: {  	_ =	shalt  }
0x4e: {  	_ =	shalt  }
0x4f: {  	_ =	shalt  }
0x50: {  	_ =	shalt  }
0x51: {  	_ =	shalt  }
0x52: {  	_ =	shalt  }
0x53: {  	_ =	shalt  }
0x54: {  	_ =	shalt  }
0x55: {  	_ =	shalt  }
0x56: {  	_ =	shalt  }
0x57: {  	_ =	shalt  }
0x58: {  	_ =	shalt  }
0x59: {  	_ =	shalt  }
0x5a: {  	_ =	shalt  }
0x5b: {  	_ =	shalt  }
0x5c: {  	_ =	shalt  }
0x5d: {  	_ =	shalt  }
0x5e: {  	_ =	shalt  }
0x5f: {  	_ =	shalt  }
0x60: {  	_ =	shalt  }
0x61: {  	_ =	shalt  }
0x62: {  	_ =	shalt  }
0x63: {  	_ =	shalt  }
0x64: {  	_ =	shalt  }
0x65: {  	_ =	shalt  }
0x66: {  	_ =	shalt  }
0x67: {  	_ =	shalt  }
0x68: {  	_ =	shalt  }
0x69: {  	_ =	shalt  }
0x6a: {  	_ =	shalt  }
0x6b: {  	_ =	shalt  }
0x6c: {  	_ =	shalt  }
0x6d: {  	_ =	shalt  }
0x6e: {  	_ =	shalt  }
0x6f: {  	_ =	shalt  }
0x70: {  	_ =	shalt  }
0x71: {  	_ =	shalt  }
0x72: {  	_ =	shalt  }
0x73: {  	_ =	shalt  }
0x74: {  	_ =	shalt  }
0x75: {  	_ =	shalt  }
0x76: {  	_ =	shalt  }
0x77: {  	_ =	shalt  }
0x78: {  	_ =	shalt  }
0x79: {  	_ =	shalt  }
0x7a: {  	_ =	shalt  }
0x7b: {  	_ =	shalt  }
0x7c: {  	_ =	shalt  }
0x7d: {  	_ =	shalt  }
0x7e: {  	_ =	shalt  }
0x7f: {  	_ =	shalt  }
0x80: {  	_ =	shalt  }
0x81: {  	_ =	shalt  }
0x82: {  	_ =	shalt  }
0x83: {  	_ =	shalt  }
0x84: {  	_ =	shalt  }
0x85: {  	_ =	shalt  }
0x86: {  	_ =	shalt  }
0x87: {  	_ =	shalt  }
.Lfunc_end0:
.L_simem_size_0:
called_computation.2_lowered:
.L_overlay_start_0:
0x88: {  	s2 =	sld [smem:$0x3FD9]  }
0x89: {  	s3 =	sld [smem:$0x3FFE];
	_ =	sdelay $0x1  }
0x8a: {  	s1 =	srdreg.scid  }
0x8b: {  	s0 =	sand.u32 $0x1, s1  }
0x8c: {  	s17 =	sshll.u32 s0, $0xA;
	s2 =	sadd.s32 s3, s2  }
0x8d: {  	s2 =	sadd.s32 s2, s17  }
0x8e: {  	[smem:$0x3FBA] =	sst s2  }
0x8f: {  	_ = 	snop  }
0x90: {  	s2 =	sld [smem:$0x3FC8]  }
0x91: {  	s18 =	sld [smem:$0x3FD0];
	(tm) =	ssettm $0x1  }
0x92: {  	s4 =	sld [smem:$0x3FFB];
	_ =	sdelay $0x3  }
0x93: {  	_ =	strace s4  }
0x94: {  	s4 =	sld [smem:$0x3FFC];
	_ =	sdelay $0x3  }
0x95: {  	_ =	strace s4  }
0x96: {  	s4 =	sld [smem:$0x3FFD];
	_ =	sdelay $0x3  }
0x97: {  	_ =	strace s4  }
0x98: {  	_ =	strace $0x8FFFFFFF  }
0x99: {  	s19 =	sld [smem:$0x3FDB];
	_ =	sdelay $0x1  }
0x9a: {  	s5 =	simm.s32 $_scs_section_size  }
0x9b: {  	s6 =	simm.s32 $_size__tile_overlayer_lowered;
	s7 =	simm.s32 $_tile_overlayer_lowered  }
0x9c: {  	s22 =	simm.s32 $0x1BFF;
	s21 =	sshll.u32 s7, $0x1;
	s4 =	sadd.s32 s5, s19  }
0x9d: {  	s8 =	simm.s32 $0x0;
	s20 =	sshll.u32 s6, $0x1;
	s6 =	sadd.s32 s21, s4  }
0x9e: {  	[timem:s8], [sflag:s22] =	dma.local [hbm:s6], s20  }
0x9f: {  	_ =	swait.ge [sflag:s22], s20  }
0xa0: {  	s5 =	ssub.s32 $0x0, s20;
	[sflag:s22] =	ssyncset.done $0x0  }
0xa1: {  	[sflag:s22] =	ssyncadd.s32 s5;
	_ =	sdelay $0x1  }
0xa2: {  	s23 =	simm.s32 $0x1B8B  }
0xa3: {  	_ =	swait.ge [sflag:s23], $0x1  }
0xa4: {  	[sflag:s23] =	ssyncset.done $0x0  }
0xa5: {  	s25 =	simm.s32 $0x1B8E;
	s24 =	sld [smem:$0x3FFE];
	[sflag:s23] =	ssyncadd.s32 $0xFFFFFFFF  }
0xa6: {  	s26 =	simm.s32 $execute0_lowered;
	[smem:$0x3FD2] =	sst s25  }
0xa7: {  	s6 =	sshll.u32 s26, $0x1;
	_ =	strace $0x8000004C;
	[dreg:$0x1] =	wrdreg $0xFFFFFFFF  }
0xa8: {  	s28 =	simm.s32 $_size_execute0_lowered;
	s4 =	sadd.s32 s4, s6;
	[dreg:$0x0] =	wrdreg $0x0  }
0xa9: {  	s6 =	sshll.u32 s28, $0x1;
	[dreg:$0x2] =	wrdreg s4  }
0xaa: {  	[dreg:$0x3] =	wrdreg s6  }
0xab: {  	[dreg:$0x4] =	wrdreg $0xC0  }
0xac: {  	_ =	task [dreg:s8], $0x5FFFF  }
0xad: {  	[dreg:$0x1] =	wrdreg $0xFFFFFFFF  }
0xae: {  	[dreg:$0x0] =	wrdreg $0x60  }
0xaf: {  	[dreg:$0x2] =	wrdreg s18  }
0xb0: {  	[dreg:$0x3] =	wrdreg s2  }
0xb1: {  	[dreg:$0x4] =	wrdreg s24  }
0xb2: {  	[dreg:$0x5] =	wrdreg $0xA9000  }
0xb3: {  	[dreg:$0x6] =	wrdreg $0x9  }
0xb4: {  	_ =	task.clear_ibuf [dreg:s8], $0x7FFFF;
	_ =	strace $0x9000004C  }
0xb5: {  	s29 =	simm.s32 $0x9;
	_ =	strace $0x8000004E  }
0xb6: {  	_ =	swait.ge [sflag:s29], $0x1  }
0xb7: {  	[sflag:s29] =	ssyncadd.s32 $0xFFFFFFFF  }
0xb8: {  	_ =	strace $0x9000004E  }
0xb9: {  	_ =	sfence  }
0xba: {  	s30 =	sld [smem:$0x0];
	_ =	sdelay $0x2  }
0xbb: {  	s31 =	sshll.u32 s1, $0xD;
	s1 =	sshrl.u32 s1, $0x2  }
0xbc: {  	s3 =	sand.u32 $0x4000, s31;
	s1 =	sadd.s32 s1, s30  }
0xbd: {  	s0 =	sor.u32 s3, s0;
	s1 =	sshll.u32 s1, $0x11  }
0xbe: {  	s0 =	sor.u32 s1, s0  }
0xbf: {  	s0 =	sadd.s32 $0x8F2B, s0  }
0xc0: {  	[sflag:s0] =	ssyncadd.remote.s32 $0x1  }
0xc1: {  	_ =	sfence.sel $0xFFFF  }
0xc2: {  	[dreg:$0x0] =	wrdreg $0xFFFFFFFF;
	(pc) =	sbr.abs _section_cstart, $3  }
0xc3: {  	[dreg:$0x1] =	wrdreg $0xFFFFFFFF  }
0xc4: {  	_ =	task.clear_ibuf [dreg:s8], $0x2FFFF;
	_ =	strace $0x9FFFFFFF  }
0xc5: {  	(tm) =	ssettm $0x7FFFFFFF  }
tec
execute0_lowered:
.L_overlay_start_1:
0x0: {  	(tag) =	ssettag $0x1  }
0x1: {  	s1 =	rddreg [dreg:$0x0]  }
0x2: {  	s2 =	rddreg [dreg:$0x1]  }
0x3: {  	s0 =	rddreg [dreg:$0x2]  }
0x4: {  	s3 =	rddreg [dreg:$0x3]  }
0x5: {  	s4 =	srdreg.scid;
	s5 =	simm.s32 $0x0;
	s14 =	stileid.u32  }
0x6: {  	s28 =	simm.s32 $0x80;
	s29 =	simm.s32 $0x6900;
	s30 =	simm.s32 $0x1  }
0x7: {  	s31 =	simm.s32 $0x3;
	s4 =	sand.u32 $0x1, s4;
	s7 =	smul.u32 $0x14000, s14  }
0x8: {  	[smem:$0x7FF] =	sst s5;
	s8 =	sadd.s32 $0x3200, s0;
	s19 =	smul.u32 $0x50000, s14  }
0x9: {  	s9 =	sshll.u32 s14, $0x1;
	p0 =	sne.s32 s14, $0xF;
	s20 =	smul.u32 $0x2800, s14  }
0xa: {  	p2 =	seq.s32 s14, $0xF;
	s12 =	sadd.s32 $0x12C000, s3;
	s22 =	smul.u32 $0x4E00, s14  }
0xb: {  	s10 =	sadd.s32 $0x25800, s1;
	p3 =	sgt.u32 s14, $0x1;
	s6 =	smul.u32 $0x140000, s4  }
0xc: {  	_ =	strace $0x8000004D;
	[dreg:$0x5] =	wrdreg s8;
	s13 =	ssub.s32 $0x2, s4  }
0xd: {  	s18 =	sor.u32 s4, s9;
	p1 =	seq.s32 s4, $0x0;
	[dreg:$0x6] =	wrdreg s10  }
0xe: {  	s15 =	sshrl.u32 s13, $0x1;
	s9 =	smul.u32 $0x2700, s18;
	p0 =	por !p1, !p0  }
0xf: {  	p1 =	por !p1, !p2;
	s8 =	sshrl.u32 s19, $0x2;
	s21 =	smul.u32 $0x9C0, s18  }
0x10: {  	s6 =	sadd.s32 s7, s6;
	s16 =	ssub.s32 s13, s15;
	p0 =	por !p0, !p0  }
0x11: {  	p2 =	por !p1, !p1;
	s17 =	sadd.s32 s8, s3;
	s8 =	sadd.s32 s1, s20  }
0x12: {  	s7 =	sshll.u32 s18, $0x5;
	s13 =	smul.u32 $0x2700, s4;
	s6 =	sshrl.u32 s6, $0x3  }
0x13: {  	[dreg:$0x7] =	wrdreg s8;
	s10 =	sadd.s32 s2, s21;
	s7 =	sadd.s32 s7, s2  }
0x14: {  	p1 =	por p2, p0;
	s23 =	smax.u32 s16, $0x1;
	s25 =	sshrl.u32 s9, $0x2  }
0x15: {  	s18 =	smov.u32 s17;
	s21 =	sshrl.u32 @p0 s17, $0x3;
	s8 =	simm.s32 $0x0  }
0x16: {  	s0 =	sadd.s32 s6, s0;
	s11 =	sadd.s32 $0x13800, s7;
	[dreg:$0x9] =	wrdreg s23  }
0x17: {  	s24 =	sadd.s32 s13, s22;
	p1 =	seq.s32 @!p1 s4, $0x0;
	s4 =	sadd.s32 s2, s25  }
0x18: {  	s23 =	simm.s32 $0x5;
	s25 =	simm.s32 $0x2900;
	s22 =	simm.s32 $0x2  }
0x19: {  	s0 =	sadd.s32 $0x5A00, s0;
	s26 =	sor.u32 $0x80, s24;
	p1 =	por @!p0 p1, p2  }
0x1a: {  	s4 =	sadd.s32 $0x9A0, s4;
	s16 =	sadd.s32 $0x100, s24;
	p2 =	por !p2, p0  }
0x1b: {  	s24 =	simm.s32 $0x2700;
	[dreg:$0x8] =	wrdreg s0;
	p1 =	por p1, p0  }
0x1c: {  	s6 =	sshrl.u32 s26, $0x2;
	[dreg:$0xa] =	wrdreg s4;
	s4 =	sshll.u32 @!p1 s14, $0x6  }
0x1d: {  	s19 =	sshrl.u32 @!p2 s12, $0x3;
	s26 =	simm.s32 $0x2800;
	s0 =	sor.u32 @!p1 $0x1C05, s4  }
0x1e: {  	s15 =	sadd.s32 s6, s2;
	[dreg:$0xb] =	wrdreg s0;
	s0 =	sshrl.u32 @!p1 s17, $0x3  }
0x1f: {  	s6 =	simm.s32 $0x2880;
	[dreg:$0xc] =	wrdreg s0;
	s0 =	sshll.u32 @p0 s14, $0x6  }
0x20: {  	s4 =	simm.s32 $0x4;
	s20 =	sor.u32 @p0 $0x1C05, s0;
	s0 =	simm.s32 $0x2780  }
.LBB2_1:
0x21: {  	s7 =	rddreg [dreg:$0x5]  }
0x22: {  	s9 =	rddreg [dreg:$0xb]  }
0x23: {  	s12 =	rddreg [dreg:$0xc]  }
0x24: {  	[spmem:s12], [sflag:s9] =	dma.local @!p1 [hbm:s7], $0x2800  }
0x25: {  	s7 =	simm.s32 @!p1 $0x5  }
0x26: {  	_ =	swait.ge @!p1 [sflag:s7], $0x2800  }
0x27: {  	[sflag:s7] =	ssyncset.done @!p1 $0x0  }
0x28: {  	s9 =	rddreg [dreg:$0x6];
	[sflag:s7] =	ssyncadd.s32 @!p1 $0xFFFFD800;
	s7 =	simm.s32 @!p2 $0x1FC5  }
0x29: {  	[spmem:s19], [sflag:s7] =	dma.local @!p2 [hbm:s9], $0x1900  }
0x2a: {  	s7 =	simm.s32 @!p2 $0x5  }
0x2b: {  	_ =	swait.ge @!p2 [sflag:s7], $0x1900  }
0x2c: {  	[sflag:s7] =	ssyncset.done @!p2 $0x0  }
0x2d: {  	[sflag:s7] =	ssyncadd.s32 @!p2 $0xFFFFE700;
	s7 =	rddreg [dreg:$0x7]  }
0x2e: {  	[spmem:s21], [sflag:s20] =	dma.local @p0 [hbm:s7], $0x2800  }
0x2f: {  	s7 =	simm.s32 @p0 $0x5  }
0x30: {  	_ =	swait.ge @p0 [sflag:s7], $0x2800  }
0x31: {  	[sflag:s7] =	ssyncset.done @p0 $0x0  }
0x32: {  	s12 =	simm.s32 $0x100;
	[sflag:s7] =	ssyncadd.s32 @p0 $0xFFFFD800  }
0x33: {  	[tilespmem:s5], [sflag:$0x5] =	stream.strided.gather [hbm4b:s10+s28], $0x2700, s12, s28, $0x38;
	[tilespmem:$0x1E900] =	vst v63  }
0x34: {  	_ =	swait.ge [sflag:s23], $0x2700  }
0x35: {  	[sflag:s23] =	ssyncset.done $0x0  }
0x36: {  	[sflag:s23] =	ssyncadd.s32 $0xFFFFD900  }
0x37: {  	[bflag:$0x0] =	sbarrier.arrive $0xFFFF  }
0x38: {  	[tilespmem:s24], [sflag:$0x3] =	stream.linear.gather [hbm4b:s10+s5], $0x100, $0x38;
	[tilespmem:$0x1E900] =	vst v63  }
0x39: {  	_ = 	snop  }
0x3a: {  	[tilespmem:s25], [sflag:$0x1] =	stream.indirect.gather [hbm4b:s1+s28], $0x80, s5, s28, $0xb8;
	[tilespmem:$0x1E900] =	vst v63  }
0x3b: {  	s13 =	sadd.s32 $0x0, s15  }
0x3c: {  	[tilespmem:s26], [sflag:$0x4] =	stream.linear.gather [hbm4b:s13+s5], $0x100, $0x38;
	[tilespmem:$0x1E900] =	vst v63  }
0x3d: {  	_ = 	snop  }
0x3e: {  	[tilespmem:s29], [sflag:$0x2] =	stream.indirect.gather [hbm4b:s1+s28], $0x80, s28, s28, $0xb8;
	[tilespmem:$0x1E900] =	vst v63  }
0x3f: {  	_ =	swait.ge [sflag:s30], $0x4000  }
0x40: {  	[sflag:s30] =	ssyncset.done $0x0  }
0x41: {  	[sflag:s30] =	ssyncadd.s32 $0xFFFFC000  }
0x42: {  	_ =	swait.ge [sflag:s31], $0x100  }
0x43: {  	[sflag:s31] =	ssyncset.done $0x0  }
0x44: {  	[sflag:s31] =	ssyncadd.s32 $0xFFFFFF00  }
0x45: {  	[spmem:s3] =	stream.indirect.scatter.add.f32 [tilespmem:s25], [sflag:$0x5], $0x80, s0, s28, $0xb8;
	[tilespmem:$0x1E900] =	vst v63  }
0x46: {  	_ =	swait.ge [sflag:s23], $0x4000  }
0x47: {  	s14 =	sshrl.u32 s16, $0x2;
	[sflag:s23] =	ssyncset.done $0x0  }
0x48: {  	s7 =	sadd.s32 s2, s14;
	[sflag:s23] =	ssyncadd.s32 $0xFFFFC000  }
0x49: {  	[tilespmem:s24], [sflag:$0x3] =	stream.linear.gather [hbm4b:s7+s5], $0x100, $0x38;
	[tilespmem:$0x1E900] =	vst v63  }
0x4a: {  	s17 =	simm.s32 $0x100  }
0x4b: {  	[tilespmem:s25], [sflag:$0x1] =	stream.indirect.gather [hbm4b:s1+s28], $0x80, s17, s28, $0xb8;
	[tilespmem:$0x1E900] =	vst v63  }
0x4c: {  	_ =	swait.ge [sflag:s22], $0x4000  }
0x4d: {  	[sflag:s22] =	ssyncset.done $0x0  }
0x4e: {  	[sflag:s22] =	ssyncadd.s32 $0xFFFFC000  }
0x4f: {  	_ =	swait.ge [sflag:s4], $0x100  }
0x50: {  	[sflag:s4] =	ssyncset.done $0x0  }
0x51: {  	[sflag:s4] =	ssyncadd.s32 $0xFFFFFF00  }
0x52: {  	[spmem:s3] =	stream.indirect.scatter.add.f32 [tilespmem:s29], [sflag:$0x5], $0x80, s6, s28, $0xb8;
	[tilespmem:$0x1E900] =	vst v63  }
0x53: {  	s9 =	simm.s32 $0x180;
	s12 =	sadd.s32 $0x100, s16;
	_ =	swait.ge [sflag:s23], $0x4000  }
0x54: {  	s13 =	simm.s32 $0x40;
	s7 =	simm.s32 $0x80;
	[sflag:s23] =	ssyncset.done $0x0  }
.LBB2_2:
0x55: {  	s14 =	sadd.s32 s13, s15  }
0x56: {  	[sflag:s23] =	ssyncadd.s32 $0xFFFFC000;
	s13 =	smov.u32 s7;
	s17 =	sadd.s32 $0x40, s7  }
0x57: {  	[tilespmem:s26], [sflag:$0x4] =	stream.linear.gather [hbm4b:s14+s5], $0x100, $0x38;
	[tilespmem:$0x1E900] =	vst v63  }
0x58: {  	p4 =	sne.s32 s7, $0x940  }
0x59: {  	[tilespmem:s29], [sflag:$0x2] =	stream.indirect.gather [hbm4b:s1+s28], $0x80, s9, s28, $0xb8;
	[tilespmem:$0x1E900] =	vst v63  }
0x5a: {  	_ =	swait.ge [sflag:s30], $0x4000  }
0x5b: {  	[sflag:s30] =	ssyncset.done $0x0  }
0x5c: {  	[sflag:s30] =	ssyncadd.s32 $0xFFFFC000  }
0x5d: {  	_ =	swait.ge [sflag:s31], $0x100  }
0x5e: {  	[sflag:s31] =	ssyncset.done $0x0  }
0x5f: {  	[sflag:s31] =	ssyncadd.s32 $0xFFFFFF00  }
0x60: {  	[spmem:s3] =	stream.indirect.scatter.add.f32 [tilespmem:s25], [sflag:$0x5], $0x80, s0, s28, $0xb8;
	[tilespmem:$0x1E900] =	vst v63  }
0x61: {  	_ =	swait.ge [sflag:s23], $0x4000  }
0x62: {  	s7 =	sshrl.u32 s12, $0x2;
	[sflag:s23] =	ssyncset.done $0x0  }
0x63: {  	s7 =	sadd.s32 s2, s7;
	[sflag:s23] =	ssyncadd.s32 $0xFFFFC000  }
0x64: {  	[tilespmem:s24], [sflag:$0x3] =	stream.linear.gather [hbm4b:s7+s5], $0x100, $0x38;
	[tilespmem:$0x1E900] =	vst v63  }
0x65: {  	s7 =	sadd.s32 $0x80, s9  }
0x66: {  	[tilespmem:s25], [sflag:$0x1] =	stream.indirect.gather [hbm4b:s1+s28], $0x80, s7, s28, $0xb8;
	[tilespmem:$0x1E900] =	vst v63  }
0x67: {  	_ =	swait.ge [sflag:s22], $0x4000  }
0x68: {  	[sflag:s22] =	ssyncset.done $0x0  }
0x69: {  	[sflag:s22] =	ssyncadd.s32 $0xFFFFC000  }
0x6a: {  	_ =	swait.ge [sflag:s4], $0x100  }
.Ltmp0:
0x6b: {  	[sflag:s4] =	ssyncset.done $0x0;
	(pc) =	sbr.rel @p4 .LBB2_2-.Ltmp0, $4  }
0x6c: {  	[sflag:s4] =	ssyncadd.s32 $0xFFFFFF00  }
0x6d: {  	[spmem:s3] =	stream.indirect.scatter.add.f32 [tilespmem:s29], [sflag:$0x5], $0x80, s6, s28, $0xb8;
	[tilespmem:$0x1E900] =	vst v63  }
0x6e: {  	s12 =	sadd.s32 $0x100, s12;
	_ =	swait.ge [sflag:s23], $0x4000  }
0x6f: {  	s9 =	sadd.s32 $0x100, s9;
	s7 =	smov.u32 s17;
	[sflag:s23] =	ssyncset.done $0x0  }
0x70: {  	s7 =	sadd.s32 s13, s15;
	[sflag:s23] =	ssyncadd.s32 $0xFFFFC000  }
0x71: {  	[tilespmem:s26], [sflag:$0x4] =	stream.linear.gather [hbm4b:s7+s5], $0x100, $0x38;
	[tilespmem:$0x1E900] =	vst v63  }
0x72: {  	_ = 	snop  }
0x73: {  	[tilespmem:s29], [sflag:$0x2] =	stream.indirect.gather [hbm4b:s1+s28], $0x80, s9, s28, $0xb8;
	[tilespmem:$0x1E900] =	vst v63  }
0x74: {  	_ =	swait.ge [sflag:s30], $0x4000  }
0x75: {  	[sflag:s30] =	ssyncset.done $0x0  }
0x76: {  	[sflag:s30] =	ssyncadd.s32 $0xFFFFC000  }
0x77: {  	_ =	swait.ge [sflag:s31], $0x100  }
0x78: {  	[sflag:s31] =	ssyncset.done $0x0  }
0x79: {  	[sflag:s31] =	ssyncadd.s32 $0xFFFFFF00  }
0x7a: {  	[spmem:s3] =	stream.indirect.scatter.add.f32 [tilespmem:s25], [sflag:$0x5], $0x80, s0, s28, $0xb8;
	[tilespmem:$0x1E900] =	vst v63  }
0x7b: {  	_ =	swait.ge [sflag:s23], $0x4000  }
0x7c: {  	s13 =	sshrl.u32 s12, $0x2;
	[sflag:s23] =	ssyncset.done $0x0  }
0x7d: {  	s7 =	sadd.s32 s2, s13;
	[sflag:s23] =	ssyncadd.s32 $0xFFFFC000  }
0x7e: {  	[tilespmem:s24], [sflag:$0x3] =	stream.linear.gather [hbm4b:s7+s5], $0x100, $0x38;
	[tilespmem:$0x1E900] =	vst v63  }
0x7f: {  	s14 =	sadd.s32 $0x80, s9  }
0x80: {  	[tilespmem:s25], [sflag:$0x1] =	stream.indirect.gather [hbm4b:s1+s28], $0x80, s14, s28, $0xb8;
	[tilespmem:$0x1E900] =	vst v63  }
0x81: {  	_ =	swait.ge [sflag:s22], $0x4000  }
0x82: {  	[sflag:s22] =	ssyncset.done $0x0  }
0x83: {  	[sflag:s22] =	ssyncadd.s32 $0xFFFFC000  }
0x84: {  	_ =	swait.ge [sflag:s4], $0x100  }
0x85: {  	[sflag:s4] =	ssyncset.done $0x0  }
0x86: {  	[sflag:s4] =	ssyncadd.s32 $0xFFFFFF00  }
0x87: {  	[spmem:s3] =	stream.indirect.scatter.add.f32 [tilespmem:s29], [sflag:$0x5], $0x80, s6, s28, $0xb8;
	[tilespmem:$0x1E900] =	vst v63  }
0x88: {  	_ =	swait.ge [sflag:s23], $0x4000  }
0x89: {  	[sflag:s23] =	ssyncset.done $0x0  }
0x8a: {  	s17 =	rddreg [dreg:$0xa];
	[sflag:s23] =	ssyncadd.s32 $0xFFFFC000  }
0x8b: {  	[tilespmem:s26], [sflag:$0x4] =	stream.linear.gather [hbm4b:s17+s5], $0x100, $0x38;
	[tilespmem:$0x1E900] =	vst v63  }
0x8c: {  	s9 =	simm.s32 $0x2680  }
0x8d: {  	[tilespmem:s29], [sflag:$0x2] =	stream.indirect.gather [hbm4b:s1+s28], $0x80, s9, s28, $0xb8;
	[tilespmem:$0x1E900] =	vst v63  }
0x8e: {  	_ =	swait.ge [sflag:s30], $0x4000  }
0x8f: {  	[sflag:s30] =	ssyncset.done $0x0  }
0x90: {  	[sflag:s30] =	ssyncadd.s32 $0xFFFFC000  }
0x91: {  	_ =	swait.ge [sflag:s31], $0x100  }
0x92: {  	[sflag:s31] =	ssyncset.done $0x0  }
0x93: {  	[sflag:s31] =	ssyncadd.s32 $0xFFFFFF00  }
0x94: {  	[spmem:s3] =	stream.indirect.scatter.add.f32 [tilespmem:s25], [sflag:$0x5], $0x80, s0, s28, $0xb8;
	[tilespmem:$0x1E900] =	vst v63  }
0x95: {  	_ =	swait.ge [sflag:s23], $0x4000  }
0x96: {  	[sflag:s23] =	ssyncset.done $0x0  }
0x97: {  	[sflag:s23] =	ssyncadd.s32 $0xFFFFC000  }
0x98: {  	_ =	swait.ge [sflag:s22], $0x4000  }
0x99: {  	[sflag:s22] =	ssyncset.done $0x0  }
0x9a: {  	[sflag:s22] =	ssyncadd.s32 $0xFFFFC000  }
0x9b: {  	_ =	swait.ge [sflag:s4], $0x100  }
0x9c: {  	[sflag:s4] =	ssyncset.done $0x0  }
0x9d: {  	[sflag:s4] =	ssyncadd.s32 $0xFFFFFF00  }
0x9e: {  	[spmem:s3] =	stream.indirect.scatter.add.f32 [tilespmem:s29], [sflag:$0x5], $0x80, s6, s28, $0xb8;
	[tilespmem:$0x1E900] =	vst v63  }
0x9f: {  	_ =	swait.ge [sflag:s23], $0x4000  }
0xa0: {  	[sflag:s23] =	ssyncset.done $0x0  }
0xa1: {  	s7 =	simm.s32 @!p3 $0x0;
	s9 =	simm.s32 @!p3 $0x2700;
	[sflag:s23] =	ssyncadd.s32 $0xFFFFC000  }
0xa2: {  	[tilespmem:s9], [sflag:$0x5] =	stream.linear.gather @!p3 [hbm4b:s11+s7], $0x100, $0x38;
	[tilespmem:$0x1E900] =	vst v63  }
0xa3: {  	s9 =	simm.s32 @!p3 $0x5  }
0xa4: {  	_ =	swait.ge @!p3 [sflag:s9], $0x100  }
0xa5: {  	[sflag:s9] =	ssyncset.done @!p3 $0x0  }
0xa6: {  	[sflag:s9] =	ssyncadd.s32 @!p3 $0xFFFFFF00  }
0xa7: {  	[tilespmem:s7], [sflag:$0x5] =	stream.linear.gather @!p3 [hbm4b:s11+s7], $0x80, $0x38;
	[tilespmem:$0x1E900] =	vst v63  }
0xa8: {  	_ =	swait.ge @!p3 [sflag:s9], $0x80  }
0xa9: {  	[sflag:s9] =	ssyncset.done @!p3 $0x0  }
0xaa: {  	s12 =	simm.s32 @!p3 $0x80;
	s13 =	simm.s32 @!p3 $0x2900;
	[sflag:s9] =	ssyncadd.s32 @!p3 $0xFFFFFF80  }
0xab: {  	[tilespmem:s13], [sflag:$0x1] =	stream.indirect.gather @!p3 [hbm4b:s1+s12], $0x80, s7, s12, $0xb8;
	[tilespmem:$0x1E900] =	vst v63  }
0xac: {  	s7 =	simm.s32 @!p3 $0x1  }
0xad: {  	_ =	swait.ge @!p3 [sflag:s7], $0x4000  }
0xae: {  	[sflag:s7] =	ssyncset.done @!p3 $0x0  }
0xaf: {  	[sflag:s7] =	ssyncadd.s32 @!p3 $0xFFFFC000;
	s7 =	simm.s32 @!p3 $0x2780  }
0xb0: {  	[spmem:s3] =	stream.indirect.scatter.add.f32 @!p3 [tilespmem:s13], [sflag:$0x5], $0x80, s7, s12, $0xb8;
	[tilespmem:$0x1E900] =	vst v63  }
0xb1: {  	_ =	swait.ge @!p3 [sflag:s9], $0x4000  }
0xb2: {  	[sflag:s9] =	ssyncset.done @!p3 $0x0  }
0xb3: {  	s12 =	stileid.u32;
	[sflag:s9] =	ssyncadd.s32 @!p3 $0xFFFFC000  }
0xb4: {  	s7 =	sshll.u32 s12, $0x6;
	[bflag:$0x0] =	sbarrier.arrive $0xFFFF  }
0xb5: {  	s13 =	sshrl.u32 s18, $0x3;
	s7 =	sor.u32 $0x1C05, s7;
	s14 =	rddreg [dreg:$0x8]  }
0xb6: {  	[hbm:s14], [sflag:s7] =	dma.local [spmem:s13], $0x2800  }
0xb7: {  	_ =	swait.ge [sflag:s23], $0x2800  }
0xb8: {  	s8 =	sadd.s32 $0x1, s8;
	s17 =	rddreg [dreg:$0x9]  }
0xb9: {  	p4 =	sne.s32 s8, s17  }
.Ltmp1:
0xba: {  	_ = 	snop;
	(pc) =	sbr.rel @p4 .LBB2_1-.Ltmp1, $3  }
0xbb: {  	_ =	sdelay $0x1  }
0xbc: {  	[sflag:s23] =	ssyncset.done $0x0  }
0xbd: {  	[sflag:s23] =	ssyncadd.s32 $0xFFFFD800  }
0xbe: {  	_ =	sfence.sel $0x180000  }
0xbf: {  	[bflag:$0x0] =	sbarrier.arrive $0xFFFF  }
0xc0: {  	_ =	strace $0x9000004D  }
0xc1: {  	s0 =	stileid.u32;
	[bflag:$0x2] =	sbarrier.arrive $0xFFFF  }
0xc2: {  	p0 =	sne.s32 s0, $0x0;
	s0 =	rddreg [dreg:$0x4]  }
0xc3: {  	s0 =	sadd.s32 @!p0 $0x100000, s0  }
0xc4: {  	[sflag:s0] =	ssyncadd.tile.s32 @!p0 $0x1;
	_ =	shalt  }
.Lfunc_end2:
_tile_overlayer_lowered:
.L_overlay_start_2:
0xc5: {  	(tag) =	ssettag $0x2  }
0xc6: {  	s0 =	rddreg [dreg:$0x0];
	s2 =	stileid.u32  }
0xc7: {  	s1 =	rddreg [dreg:$0x1];
	p0 =	sne.s32 s2, $0x0  }
0xc8: {  	s3 =	rddreg [dreg:$0x2];
	[bflag:$0x3] =	sbarrier.arrive $0xFFFF;
	s2 =	simm.s32 @!p0 $0x1C05  }
0xc9: {  	[timem:s3], [sflag:s2] =	dma.local @!p0 [hbm:s0], s1  }
0xca: {  	s0 =	simm.s32 @!p0 $0x5  }
0xcb: {  	_ =	swait.ge @!p0 [sflag:s0], s1  }
0xcc: {  	s1 =	ssub.s32 @!p0 $0x0, s1;
	[sflag:s0] =	ssyncset.done @!p0 $0x0  }
0xcd: {  	[sflag:s0] =	ssyncadd.s32 @!p0 s1  }
0xce: {  	[bflag:$0x3] =	sbarrier.arrive $0xFFFF  }
0xcf: {  	_ =	shalt  }

</sc_bundles>
